<compile_context>
chip_gen: v7x
topology: tpu7x:2x2x1
jax: 0.10.2.dev20260603
libtpu: 0.0.44.dev20260713+nightly
codegen_flags: <defaults>
</compile_context>

<pallas_src>
import jax
import jax.numpy as jnp
from jax import lax
from jax.experimental import pallas as pl
from jax.experimental.pallas import tpu as pltpu
from jax.experimental.pallas import tpu_sc as plsc

ROWS = 100000
COLS = 512
N_TOTAL = float(ROWS * COLS)

SC_ROWS = 38400
TC_ROWS = ROWS - SC_ROWS

TC_BLOCK_ROWS = 2200
TC_NUM_BLOCKS = TC_ROWS // TC_BLOCK_ROWS

NC = 2
NS = 16
NW = NC * NS
L = 16

SC_CHUNK_ROWS = 16
SC_GRID = SC_ROWS // SC_CHUNK_ROWS
SC_BLOCK_OFFSET = TC_ROWS // SC_CHUNK_ROWS
GROUPS_PER_ROW = COLS // L


def _tc_body(o_ref, t_ref, m_ref, out_ref, acc_ref):
    i = pl.program_id(0)

    d = o_ref[...] - t_ref[...]
    d2 = d * d
    m = m_ref[...].astype(jnp.float32)

    @pl.when(i == 0)
    def _init():
        acc_ref[0] = 0.0
        acc_ref[1] = 0.0
        acc_ref[2] = 0.0

    acc_ref[0] += jnp.sum(d2 * m)
    acc_ref[1] += jnp.sum(d2)
    acc_ref[2] += jnp.sum(m)

    @pl.when(i == TC_NUM_BLOCKS - 1)
    def _final():
        out_ref[0, 0] = acc_ref[0]
        out_ref[0, 1] = acc_ref[1]
        out_ref[0, 2] = acc_ref[2]


def _tc_partials(output, target, mask):
    return pl.pallas_call(
        _tc_body,
        grid=(TC_NUM_BLOCKS,),
        in_specs=[
            pl.BlockSpec((TC_BLOCK_ROWS, COLS), lambda i: (i, 0)),
            pl.BlockSpec((TC_BLOCK_ROWS, COLS), lambda i: (i, 0)),
            pl.BlockSpec((TC_BLOCK_ROWS, COLS), lambda i: (i, 0)),
        ],
        out_specs=pl.BlockSpec(
            (1, 3), lambda i: (0, 0), memory_space=pltpu.SMEM
        ),
        out_shape=jax.ShapeDtypeStruct((1, 3), jnp.float32),
        scratch_shapes=[pltpu.SMEM((3,), jnp.float32)],
    )(output, target, mask)


def _sc_block_body(acc_ref, o_v, t_v, m_v):
    def row_step(r, carry):
        sm0, st0, c0, sm1, st1, c1 = carry
        for g in range(GROUPS_PER_ROW):
            sl = (r, pl.ds(g * L, L))
            o = o_v[sl]
            t = t_v[sl]
            mf = m_v[sl].astype(jnp.float32)
            d = o - t
            d2 = d * d
            if g % 2 == 0:
                sm0 = sm0 + d2 * mf
                st0 = st0 + d2
                c0 = c0 + mf
            else:
                sm1 = sm1 + d2 * mf
                st1 = st1 + d2
                c1 = c1 + mf
        return sm0, st0, c0, sm1, st1, c1

    z = jnp.zeros((L,), jnp.float32)
    sm0, st0, c0, sm1, st1, c1 = lax.fori_loop(
        0, SC_CHUNK_ROWS, row_step, (z, z, z, z, z, z)
    )
    acc_ref[0, :] += sm0 + sm1
    acc_ref[1, :] += st0 + st1
    acc_ref[2, :] += c0 + c1


def _sc_partials(output, target, mask):
    mesh = plsc.VectorSubcoreMesh(core_axis_name="c", subcore_axis_name="s")

    @pl.kernel(
        out_type=jax.ShapeDtypeStruct((NW, 3, L), jnp.float32),
        mesh=mesh,
        scratch_types=[pltpu.VMEM((3, L), jnp.float32)],
    )
    def sc_kernel(o_hbm, t_hbm, m_hbm, out_hbm, acc_ref):
        wid = lax.axis_index("c") * NS + lax.axis_index("s")
        z = jnp.zeros((L,), jnp.float32)
        acc_ref[0, :] = z
        acc_ref[1, :] = z
        acc_ref[2, :] = z

        def body(o_v, t_v, m_v):
            _sc_block_body(acc_ref, o_v, t_v, m_v)

        pltpu.emit_pipeline(
            body,
            grid=(SC_GRID,),
            in_specs=[
                pl.BlockSpec(
                    (SC_CHUNK_ROWS, COLS),
                    index_map=lambda i: (SC_BLOCK_OFFSET + i, 0),
                ),
                pl.BlockSpec(
                    (SC_CHUNK_ROWS, COLS),
                    index_map=lambda i: (SC_BLOCK_OFFSET + i, 0),
                ),
                pl.BlockSpec(
                    (SC_CHUNK_ROWS, COLS),
                    index_map=lambda i: (SC_BLOCK_OFFSET + i, 0),
                ),
            ],
            out_specs=[],
            core_axis_name=("c", "s"),
            dimension_semantics=(pltpu.PARALLEL,),
        )(o_hbm, t_hbm, m_hbm)

        pltpu.sync_copy(acc_ref, out_hbm.at[wid])

    return sc_kernel(output, target, mask)


def kernel(output, target, mask):
    tc = _tc_partials(output, target, mask)
    sc = _sc_partials(output, target, mask)

    s_m = tc[0, 0] + jnp.sum(sc[:, 0, :])
    s_tot = tc[0, 1] + jnp.sum(sc[:, 1, :])
    cnt = tc[0, 2] + jnp.sum(sc[:, 2, :])

    return s_m / jnp.maximum(cnt, 1.0) + (s_tot - s_m) / jnp.maximum(
        N_TOTAL - cnt, 1.0
    )

# --- scband reference (transcript-rebuilt; emitter-appended) ---
"""Pipeline reference for scband-masked-l2-loss-64364379898108 (READ-ONLY COPY).

The authoritative reference and input builder live on the scoring server;
editing this copy changes nothing except your own understanding.
"""

import jax, jax.numpy as jnp
import numpy as np


def setup_inputs(seed: int = 0) -> dict:
    key = jax.random.key(seed)
    k1, k2, k3 = jax.random.split(key, 3)
    output = jax.random.normal(k1, (100000, 512), dtype=jnp.float32)
    target = jax.random.normal(k2, (100000, 512), dtype=jnp.float32)
    mask = jax.random.randint(k3, (100000, 512), 0, 2, dtype=jnp.int32)
    return {"output": output, "target": target, "mask": mask}


def reference(output, target, mask):
    # Faithful to torch: masked_select + MSELoss(reduction='mean') on masked
    # elements equals sum(diff^2 * m) / count(m). Same for the (1-mask) part.
    regcoeff = 1.0
    m = mask.astype(jnp.float32)
    diff2 = (output - target) ** 2
    n_masked = jnp.sum(m)
    loss = jnp.sum(diff2 * m) / jnp.maximum(n_masked, 1.0)
    # regularize=True branch
    m_inv = 1.0 - m
    n_inv = jnp.sum(m_inv)
    loss_reg = jnp.sum(diff2 * m_inv) / jnp.maximum(n_inv, 1.0)
    loss = loss + regcoeff * loss_reg
    return loss

if __name__ == "__main__":
    import jax
    _d = setup_inputs()
    print(jax.jit(kernel)(*tuple(_d.values())))

</pallas_src>

<mosaic_0001>
#map = affine_map<(d0, d1) -> (0, 0)>
#map1 = affine_map<(d0, d1) -> (0, 0, 0)>
module attributes {stable_mosaic.version = 14 : i64} {
  func.func @sc_kernel(%arg0: i32, %arg1: i32, %arg2: memref<100000x512xf32, #tpu.memory_space<hbm>>, %arg3: memref<100000x512xf32, #tpu.memory_space<hbm>>, %arg4: memref<100000x512xi32, #tpu.memory_space<hbm>>, %arg5: memref<32x3x16xf32, #tpu.memory_space<hbm>>, %arg6: memref<3x16xf32, #tpu.memory_space<vmem>>) attributes {dimension_semantics = [#tpu.dimension_semantics<core_parallel>, #tpu.dimension_semantics<subcore_parallel>], iteration_bounds = array<i64: 2, 16>, scalar_prefetch = 0 : i64, scratch_operands = 1 : i64, tpu.core_type = #tpu.core_type<sc_vector_subcore>, window_params = [{transform_indices = #map}, {transform_indices = #map}, {transform_indices = #map}, {transform_indices = #map1}]} {
    %mul3A = arith.constant 16 : i32
    %mul3A_0 = arith.muli %arg0, %mul3A : i32
    %add3A = arith.addi %mul3A_0, %arg1 : i32
    %broadcast_in_dim3A = arith.constant 0.000000e+00 : f32
    %broadcast_in_dim3A_1 = vector.broadcast %broadcast_in_dim3A : f32 to vector<16xf32>
    %swap3A = arith.constant 0 : i32
    %swap3A_2 = arith.index_cast %swap3A : i32 to index
    %swap3A_3 = arith.constant 0 : index
    %swap3A_4 = tpu.vector_load %arg6[%swap3A_2, %swap3A_3] {strides = array<i32>} : memref<3x16xf32, #tpu.memory_space<vmem>>, vector<1x16xf32>,
    %swap3A_5 = vector.shape_cast %swap3A_4 : vector<1x16xf32> to vector<16xf32>
    %swap3A_6 = vector.shape_cast %broadcast_in_dim3A_1 : vector<16xf32> to vector<1x16xf32>
    tpu.vector_store %arg6[%swap3A_2, %swap3A_3], %swap3A_6 {strides = array<i32>} : memref<3x16xf32, #tpu.memory_space<vmem>>, vector<1x16xf32>,
    %swap3A_7 = arith.constant 1 : i32
    %swap3A_8 = arith.index_cast %swap3A_7 : i32 to index
    %swap3A_9 = arith.constant 0 : index
    %swap3A_10 = tpu.vector_load %arg6[%swap3A_8, %swap3A_9] {strides = array<i32>} : memref<3x16xf32, #tpu.memory_space<vmem>>, vector<1x16xf32>,
    %swap3A_11 = vector.shape_cast %swap3A_10 : vector<1x16xf32> to vector<16xf32>
    %swap3A_12 = vector.shape_cast %broadcast_in_dim3A_1 : vector<16xf32> to vector<1x16xf32>
    tpu.vector_store %arg6[%swap3A_8, %swap3A_9], %swap3A_12 {strides = array<i32>} : memref<3x16xf32, #tpu.memory_space<vmem>>, vector<1x16xf32>,
    %swap3A_13 = arith.constant 2 : i32
    %swap3A_14 = arith.index_cast %swap3A_13 : i32 to index
    %swap3A_15 = arith.constant 0 : index
    %swap3A_16 = tpu.vector_load %arg6[%swap3A_14, %swap3A_15] {strides = array<i32>} : memref<3x16xf32, #tpu.memory_space<vmem>>, vector<1x16xf32>,
    %swap3A_17 = vector.shape_cast %swap3A_16 : vector<1x16xf32> to vector<16xf32>
    %swap3A_18 = vector.shape_cast %broadcast_in_dim3A_1 : vector<16xf32> to vector<1x16xf32>
    tpu.vector_store %arg6[%swap3A_14, %swap3A_15], %swap3A_18 {strides = array<i32>} : memref<3x16xf32, #tpu.memory_space<vmem>>, vector<1x16xf32>,
    %mul3A_19 = arith.constant 1 : i32
    %mul3A_20 = arith.muli %arg1, %mul3A_19 : i32
    %add3A_21 = arith.constant 0 : i32
    %add3A_22 = arith.addi %add3A_21, %mul3A_20 : i32
    %mul3A_23 = arith.constant 16 : i32
    %mul3A_24 = arith.muli %arg0, %mul3A_23 : i32
    %add3A_25 = arith.addi %add3A_22, %mul3A_24 : i32
    %mul3A_26 = arith.constant 75 : i32
    %mul3A_27 = arith.muli %add3A_25, %mul3A_26 : i32
    "tpu.region"() ({
      %run_scoped3A = memref.alloca() : memref<2x16x512xf32, #tpu.memory_space<vmem>>
      %run_scoped3A_28 = tpu.sem_alloc : memref<2x!tpu.dma_semaphore, #tpu.memory_space<semaphore_mem>>
      %run_scoped3A_29 = memref.alloca() : memref<2x16x512xf32, #tpu.memory_space<vmem>>
      %run_scoped3A_30 = tpu.sem_alloc : memref<2x!tpu.dma_semaphore, #tpu.memory_space<semaphore_mem>>
      %run_scoped3A_31 = memref.alloca() : memref<2x16x512xi32, #tpu.memory_space<vmem>>
      %run_scoped3A_32 = tpu.sem_alloc : memref<2x!tpu.dma_semaphore, #tpu.memory_space<semaphore_mem>>
      %add3A_33 = arith.constant 0 : i32
      %add3A_34 = arith.addi %add3A_33, %mul3A_27 : i32
      %select_n3A = arith.constant true
      %select_n3A_35 = arith.constant 0 : i32
      %select_n3A_36 = arith.constant -1 : i32
      %select_n3A_37 = arith.select %select_n3A, %select_n3A_36, %select_n3A_35 : i32
      %eq3A = arith.constant -1 : i32
      %eq3A_38 = arith.cmpi eq, %select_n3A_37, %eq3A : i32
      %select_n3A_39 = arith.constant 74 : i32
      %select_n3A_40 = arith.select %eq3A_38, %select_n3A_39, %select_n3A_37 : i32
      %add3A_41 = arith.addi %select_n3A_40, %mul3A_27 : i32
      %select_n3A_42 = arith.constant true
      %select_n3A_43 = arith.constant 0 : i32
      %select_n3A_44 = arith.constant 1 : i32
      %select_n3A_45 = arith.select %select_n3A_42, %select_n3A_44, %select_n3A_43 : i32
      %eq3A_46 = arith.constant 75 : i32
      %eq3A_47 = arith.cmpi eq, %select_n3A_45, %eq3A_46 : i32
      %select_n3A_48 = arith.constant 0 : i32
      %select_n3A_49 = arith.select %eq3A_47, %select_n3A_48, %select_n3A_45 : i32
      %add3A_50 = arith.addi %select_n3A_49, %mul3A_27 : i32
      %add3A_51 = arith.constant 1 : i32
      %add3A_52 = arith.addi %select_n3A_49, %add3A_51 : i32
      %select_n3A_53 = arith.constant true
      %select_n3A_54 = arith.select %select_n3A_53, %add3A_52, %select_n3A_49 : i32
      %eq3A_55 = arith.constant 75 : i32
      %eq3A_56 = arith.cmpi eq, %select_n3A_54, %eq3A_55 : i32
      %select_n3A_57 = arith.constant 0 : i32
      %select_n3A_58 = arith.select %eq3A_56, %select_n3A_57, %select_n3A_54 : i32
      %add3A_59 = arith.addi %select_n3A_58, %mul3A_27 : i32
      "tpu.trace_start"() <{level = 10 : i32, message = "ep_initialize_0"}> : () -> ()
      %rem3A = arith.constant 0 : i32
      %rem3A_60 = arith.constant 2 : i32
      %rem3A_61 = arith.remui %rem3A, %rem3A_60 : i32
      %add3A_62 = arith.constant 3850 : i32
      %add3A_63 = arith.addi %add3A_62, %add3A_34 : i32
      %mul3A_64 = arith.constant 16 : i32
      %mul3A_65 = arith.muli %mul3A_64, %add3A_63 : i32
      %dma_start3A = arith.constant 0 : i32
      %dma_start3A_66 = arith.constant 0 : i32
      %dma_start3A_67 = tpu.memref_slice %run_scoped3A[%rem3A_61, %dma_start3A, %dma_start3A_66] : memref<2x16x512xf32, #tpu.memory_space<vmem>> -> memref<1x16x512xf32, #tpu.memory_space<vmem>>
      %dma_start3A_68 = tpu.memref_squeeze %dma_start3A_67 : memref<1x16x512xf32, #tpu.memory_space<vmem>> -> memref<16x512xf32, #tpu.memory_space<vmem>>
      %dma_start3A_69 = arith.constant 0 : i32
      %dma_start3A_70 = tpu.memref_slice %arg2[%mul3A_65, %dma_start3A_69] : memref<100000x512xf32, #tpu.memory_space<hbm>> -> memref<16x512xf32, #tpu.memory_space<hbm>>
      %dma_start3A_71 = tpu.memref_slice %run_scoped3A_28[%rem3A_61] : memref<2x!tpu.dma_semaphore, #tpu.memory_space<semaphore_mem>> -> memref<1x!tpu.dma_semaphore, #tpu.memory_space<semaphore_mem>>
      %dma_start3A_72 = tpu.memref_squeeze %dma_start3A_71 : memref<1x!tpu.dma_semaphore, #tpu.memory_space<semaphore_mem>> -> memref<!tpu.dma_semaphore, #tpu.memory_space<semaphore_mem>>
      %dma_start3A_73 = arith.constant 0 : i32
      %dma_start3A_74 = arith.constant 0 : i32
      %dma_start3A_75 = tpu.memref_slice %run_scoped3A[%rem3A_61, %dma_start3A_73, %dma_start3A_74] : memref<2x16x512xf32, #tpu.memory_space<vmem>> -> memref<1x16x512xf32, #tpu.memory_space<vmem>>
      %dma_start3A_76 = tpu.memref_squeeze %dma_start3A_75 : memref<1x16x512xf32, #tpu.memory_space<vmem>> -> memref<16x512xf32, #tpu.memory_space<vmem>>
      %dma_start3A_77 = arith.constant 0 : i32
      %dma_start3A_78 = tpu.memref_slice %arg2[%mul3A_65, %dma_start3A_77] : memref<100000x512xf32, #tpu.memory_space<hbm>> -> memref<16x512xf32, #tpu.memory_space<hbm>>
      tpu.enqueue_dma source(%dma_start3A_78 : memref<16x512xf32, #tpu.memory_space<hbm>>) target(%dma_start3A_76 : memref<16x512xf32, #tpu.memory_space<vmem>>) target_semaphore(%dma_start3A_72 : memref<!tpu.dma_semaphore, #tpu.memory_space<semaphore_mem>>)
      %add3A_79 = arith.constant 0 : i32
      %add3A_80 = arith.constant 1 : i32
      %add3A_81 = arith.addi %add3A_79, %add3A_80 : i32
      %select_n3A_82 = arith.constant true
      %select_n3A_83 = arith.constant 0 : i32
      %select_n3A_84 = arith.select %select_n3A_82, %add3A_81, %select_n3A_83 : i32
      %rem3A_85 = arith.constant 0 : i32
      %rem3A_86 = arith.constant 2 : i32
      %rem3A_87 = arith.remui %rem3A_85, %rem3A_86 : i32
      %add3A_88 = arith.constant 3850 : i32
      %add3A_89 = arith.addi %add3A_88, %add3A_34 : i32
      %mul3A_90 = arith.constant 16 : i32
      %mul3A_91 = arith.muli %mul3A_90, %add3A_89 : i32
      %dma_start3A_92 = arith.constant 0 : i32
      %dma_start3A_93 = arith.constant 0 : i32
      %dma_start3A_94 = tpu.memref_slice %run_scoped3A_29[%rem3A_87, %dma_start3A_92, %dma_start3A_93] : memref<2x16x512xf32, #tpu.memory_space<vmem>> -> memref<1x16x512xf32, #tpu.memory_space<vmem>>
      %dma_start3A_95 = tpu.memref_squeeze %dma_start3A_94 : memref<1x16x512xf32, #tpu.memory_space<vmem>> -> memref<16x512xf32, #tpu.memory_space<vmem>>
      %dma_start3A_96 = arith.constant 0 : i32
      %dma_start3A_97 = tpu.memref_slice %arg3[%mul3A_91, %dma_start3A_96] : memref<100000x512xf32, #tpu.memory_space<hbm>> -> memref<16x512xf32, #tpu.memory_space<hbm>>
      %dma_start3A_98 = tpu.memref_slice %run_scoped3A_30[%rem3A_87] : memref<2x!tpu.dma_semaphore, #tpu.memory_space<semaphore_mem>> -> memref<1x!tpu.dma_semaphore, #tpu.memory_space<semaphore_mem>>
      %dma_start3A_99 = tpu.memref_squeeze %dma_start3A_98 : memref<1x!tpu.dma_semaphore, #tpu.memory_space<semaphore_mem>> -> memref<!tpu.dma_semaphore, #tpu.memory_space<semaphore_mem>>
      %dma_start3A_100 = arith.constant 0 : i32
      %dma_start3A_101 = arith.constant 0 : i32
      %dma_start3A_102 = tpu.memref_slice %run_scoped3A_29[%rem3A_87, %dma_start3A_100, %dma_start3A_101] : memref<2x16x512xf32, #tpu.memory_space<vmem>> -> memref<1x16x512xf32, #tpu.memory_space<vmem>>
      %dma_start3A_103 = tpu.memref_squeeze %dma_start3A_102 : memref<1x16x512xf32, #tpu.memory_space<vmem>> -> memref<16x512xf32, #tpu.memory_space<vmem>>
      %dma_start3A_104 = arith.constant 0 : i32
      %dma_start3A_105 = tpu.memref_slice %arg3[%mul3A_91, %dma_start3A_104] : memref<100000x512xf32, #tpu.memory_space<hbm>> -> memref<16x512xf32, #tpu.memory_space<hbm>>
      tpu.enqueue_dma source(%dma_start3A_105 : memref<16x512xf32, #tpu.memory_space<hbm>>) target(%dma_start3A_103 : memref<16x512xf32, #tpu.memory_space<vmem>>) target_semaphore(%dma_start3A_99 : memref<!tpu.dma_semaphore, #tpu.memory_space<semaphore_mem>>)
      %add3A_106 = arith.constant 0 : i32
      %add3A_107 = arith.constant 1 : i32
      %add3A_108 = arith.addi %add3A_106, %add3A_107 : i32
      %select_n3A_109 = arith.constant true
      %select_n3A_110 = arith.constant 0 : i32
      %select_n3A_111 = arith.select %select_n3A_109, %add3A_108, %select_n3A_110 : i32
      %rem3A_112 = arith.constant 0 : i32
      %rem3A_113 = arith.constant 2 : i32
      %rem3A_114 = arith.remui %rem3A_112, %rem3A_113 : i32
      %add3A_115 = arith.constant 3850 : i32
      %add3A_116 = arith.addi %add3A_115, %add3A_34 : i32
      %mul3A_117 = arith.constant 16 : i32
      %mul3A_118 = arith.muli %mul3A_117, %add3A_116 : i32
      %dma_start3A_119 = arith.constant 0 : i32
      %dma_start3A_120 = arith.constant 0 : i32
      %dma_start3A_121 = tpu.memref_slice %run_scoped3A_31[%rem3A_114, %dma_start3A_119, %dma_start3A_120] : memref<2x16x512xi32, #tpu.memory_space<vmem>> -> memref<1x16x512xi32, #tpu.memory_space<vmem>>
      %dma_start3A_122 = tpu.memref_squeeze %dma_start3A_121 : memref<1x16x512xi32, #tpu.memory_space<vmem>> -> memref<16x512xi32, #tpu.memory_space<vmem>>
      %dma_start3A_123 = arith.constant 0 : i32
      %dma_start3A_124 = tpu.memref_slice %arg4[%mul3A_118, %dma_start3A_123] : memref<100000x512xi32, #tpu.memory_space<hbm>> -> memref<16x512xi32, #tpu.memory_space<hbm>>
      %dma_start3A_125 = tpu.memref_slice %run_scoped3A_32[%rem3A_114] : memref<2x!tpu.dma_semaphore, #tpu.memory_space<semaphore_mem>> -> memref<1x!tpu.dma_semaphore, #tpu.memory_space<semaphore_mem>>
      %dma_start3A_126 = tpu.memref_squeeze %dma_start3A_125 : memref<1x!tpu.dma_semaphore, #tpu.memory_space<semaphore_mem>> -> memref<!tpu.dma_semaphore, #tpu.memory_space<semaphore_mem>>
      %dma_start3A_127 = arith.constant 0 : i32
      %dma_start3A_128 = arith.constant 0 : i32
      %dma_start3A_129 = tpu.memref_slice %run_scoped3A_31[%rem3A_114, %dma_start3A_127, %dma_start3A_128] : memref<2x16x512xi32, #tpu.memory_space<vmem>> -> memref<1x16x512xi32, #tpu.memory_space<vmem>>
      %dma_start3A_130 = tpu.memref_squeeze %dma_start3A_129 : memref<1x16x512xi32, #tpu.memory_space<vmem>> -> memref<16x512xi32, #tpu.memory_space<vmem>>
      %dma_start3A_131 = arith.constant 0 : i32
      %dma_start3A_132 = tpu.memref_slice %arg4[%mul3A_118, %dma_start3A_131] : memref<100000x512xi32, #tpu.memory_space<hbm>> -> memref<16x512xi32, #tpu.memory_space<hbm>>
      tpu.enqueue_dma source(%dma_start3A_132 : memref<16x512xi32, #tpu.memory_space<hbm>>) target(%dma_start3A_130 : memref<16x512xi32, #tpu.memory_space<vmem>>) target_semaphore(%dma_start3A_126 : memref<!tpu.dma_semaphore, #tpu.memory_space<semaphore_mem>>)
      %add3A_133 = arith.constant 0 : i32
      %add3A_134 = arith.constant 1 : i32
      %add3A_135 = arith.addi %add3A_133, %add3A_134 : i32
      %select_n3A_136 = arith.constant true
      %select_n3A_137 = arith.constant 0 : i32
      %select_n3A_138 = arith.select %select_n3A_136, %add3A_135, %select_n3A_137 : i32
      "tpu.trace_stop"() : () -> ()
      %scan3A = arith.constant 0 : i32
      %scan3A_139 = arith.constant 0 : i32
      %scan3A_140 = arith.constant 0 : i32
      %scan3A_141 = arith.constant 0 : i32
      %scan3A_142 = arith.constant 0 : i32
      %scan3A_143 = arith.constant 75 : i32
      %scan3A_144 = arith.addi %scan3A_142, %scan3A_143 : i32
      %scan3A_145 = arith.constant 1 : i32
      %scan3A_146:7 = scf.for %scan3A_183 = %scan3A_142 to %scan3A_144 step %scan3A_145 iter_args(%scan3A_184 = %select_n3A_84, %scan3A_185 = %scan3A, %scan3A_186 = %select_n3A_111, %scan3A_187 = %scan3A_139, %scan3A_188 = %select_n3A_138, %scan3A_189 = %scan3A_140, %scan3A_190 = %scan3A_141) -> (i32, i32, i32, i32, i32, i32, i32)  : i32 {
        %eq3A_191 = arith.constant 0 : i32
        %eq3A_192 = arith.cmpi eq, %scan3A_183, %eq3A_191 : i32
        %eq3A_193 = arith.constant 74 : i32
        %eq3A_194 = arith.cmpi eq, %scan3A_183, %eq3A_193 : i32
        %add3A_195 = arith.addi %scan3A_190, %mul3A_27 : i32
        %sub3A_196 = arith.constant 1 : i32
        %sub3A_197 = arith.subi %scan3A_190, %sub3A_196 : i32
        %select_n3A_198 = arith.constant true
        %select_n3A_199 = arith.select %select_n3A_198, %sub3A_197, %scan3A_190 : i32
        %eq3A_200 = arith.constant -1 : i32
        %eq3A_201 = arith.cmpi eq, %select_n3A_199, %eq3A_200 : i32
        %select_n3A_202 = arith.constant 74 : i32
        %select_n3A_203 = arith.select %eq3A_201, %select_n3A_202, %select_n3A_199 : i32
        %add3A_204 = arith.addi %select_n3A_203, %mul3A_27 : i32
        %add3A_205 = arith.constant 1 : i32
        %add3A_206 = arith.addi %scan3A_190, %add3A_205 : i32
        %select_n3A_207 = arith.constant true
        %select_n3A_208 = arith.select %select_n3A_207, %add3A_206, %scan3A_190 : i32
        %eq3A_209 = arith.constant 75 : i32
        %eq3A_210 = arith.cmpi eq, %select_n3A_208, %eq3A_209 : i32
        %select_n3A_211 = arith.constant 0 : i32
        %select_n3A_212 = arith.select %eq3A_210, %select_n3A_211, %select_n3A_208 : i32
        %add3A_213 = arith.addi %select_n3A_212, %mul3A_27 : i32
        %add3A_214 = arith.constant 1 : i32
        %add3A_215 = arith.addi %select_n3A_212, %add3A_214 : i32
        %select_n3A_216 = arith.constant true
        %select_n3A_217 = arith.select %select_n3A_216, %add3A_215, %select_n3A_212 : i32
        %eq3A_218 = arith.constant 75 : i32
        %eq3A_219 = arith.cmpi eq, %select_n3A_217, %eq3A_218 : i32
        %select_n3A_220 = arith.constant 0 : i32
        %select_n3A_221 = arith.select %eq3A_219, %select_n3A_220, %select_n3A_217 : i32
        %add3A_222 = arith.addi %select_n3A_221, %mul3A_27 : i32
        %add3A_223 = arith.constant 3850 : i32
        %add3A_224 = arith.addi %add3A_223, %add3A_195 : i32
        %add3A_225 = arith.constant 3850 : i32
        %add3A_226 = arith.addi %add3A_225, %add3A_213 : i32
        %ne3A = arith.cmpi ne, %add3A_224, %add3A_226 : i32
        %or3A = arith.constant false
        %or3A_227 = arith.ori %or3A, %ne3A : i1
        %or3A_228 = arith.constant false
        %or3A_229 = arith.ori %or3A_227, %or3A_228 : i1
        %ge3A = arith.constant 74 : i32
        %ge3A_230 = arith.cmpi sge, %scan3A_183, %ge3A : i32
        %not3A = arith.constant true
        %not3A_231 = arith.xori %ge3A_230, %not3A : i1
        %and3A = arith.andi %or3A_229, %not3A_231 : i1
        %convert_element_type3A = arith.extui %and3A : i1 to i32
        %cond3A = arith.constant 0 : i32
        %cond3A_232 = arith.cmpi ne, %convert_element_type3A, %cond3A : i32
        scf.if %cond3A_232 {
          "tpu.trace_start"() <{level = 10 : i32, message = "ep_copy_in"}> : () -> ()
          %rem3A_516 = arith.constant 2 : i32
          %rem3A_517 = arith.remui %scan3A_184, %rem3A_516 : i32
          %add3A_518 = arith.constant 3850 : i32
          %add3A_519 = arith.addi %add3A_518, %add3A_213 : i32
          %mul3A_520 = arith.constant 16 : i32
          %mul3A_521 = arith.muli %mul3A_520, %add3A_519 : i32
          %dma_start3A_522 = arith.constant 0 : i32
          %dma_start3A_523 = arith.constant 0 : i32
          %dma_start3A_524 = tpu.memref_slice %run_scoped3A[%rem3A_517, %dma_start3A_522, %dma_start3A_523] : memref<2x16x512xf32, #tpu.memory_space<vmem>> -> memref<1x16x512xf32, #tpu.memory_space<vmem>>
          %dma_start3A_525 = tpu.memref_squeeze %dma_start3A_524 : memref<1x16x512xf32, #tpu.memory_space<vmem>> -> memref<16x512xf32, #tpu.memory_space<vmem>>
          %dma_start3A_526 = arith.constant 0 : i32
          %dma_start3A_527 = tpu.memref_slice %arg2[%mul3A_521, %dma_start3A_526] : memref<100000x512xf32, #tpu.memory_space<hbm>> -> memref<16x512xf32, #tpu.memory_space<hbm>>
          %dma_start3A_528 = tpu.memref_slice %run_scoped3A_28[%rem3A_517] : memref<2x!tpu.dma_semaphore, #tpu.memory_space<semaphore_mem>> -> memref<1x!tpu.dma_semaphore, #tpu.memory_space<semaphore_mem>>
          %dma_start3A_529 = tpu.memref_squeeze %dma_start3A_528 : memref<1x!tpu.dma_semaphore, #tpu.memory_space<semaphore_mem>> -> memref<!tpu.dma_semaphore, #tpu.memory_space<semaphore_mem>>
          %dma_start3A_530 = arith.constant 0 : i32
          %dma_start3A_531 = arith.constant 0 : i32
          %dma_start3A_532 = tpu.memref_slice %run_scoped3A[%rem3A_517, %dma_start3A_530, %dma_start3A_531] : memref<2x16x512xf32, #tpu.memory_space<vmem>> -> memref<1x16x512xf32, #tpu.memory_space<vmem>>
          %dma_start3A_533 = tpu.memref_squeeze %dma_start3A_532 : memref<1x16x512xf32, #tpu.memory_space<vmem>> -> memref<16x512xf32, #tpu.memory_space<vmem>>
          %dma_start3A_534 = arith.constant 0 : i32
          %dma_start3A_535 = tpu.memref_slice %arg2[%mul3A_521, %dma_start3A_534] : memref<100000x512xf32, #tpu.memory_space<hbm>> -> memref<16x512xf32, #tpu.memory_space<hbm>>
          tpu.enqueue_dma source(%dma_start3A_535 : memref<16x512xf32, #tpu.memory_space<hbm>>) target(%dma_start3A_533 : memref<16x512xf32, #tpu.memory_space<vmem>>) target_semaphore(%dma_start3A_529 : memref<!tpu.dma_semaphore, #tpu.memory_space<semaphore_mem>>)
          "tpu.trace_stop"() : () -> ()
        } else {
        }
        %and3A_233 = arith.constant true
        %and3A_234 = arith.andi %and3A, %and3A_233 : i1
        %add3A_235 = arith.constant 1 : i32
        %add3A_236 = arith.addi %scan3A_184, %add3A_235 : i32
        %select_n3A_237 = arith.select %and3A_234, %add3A_236, %scan3A_184 : i32
        %add3A_238 = arith.constant 3850 : i32
        %add3A_239 = arith.addi %add3A_238, %add3A_195 : i32
        %add3A_240 = arith.constant 3850 : i32
        %add3A_241 = arith.addi %add3A_240, %add3A_213 : i32
        %ne3A_242 = arith.cmpi ne, %add3A_239, %add3A_241 : i32
        %or3A_243 = arith.constant false
        %or3A_244 = arith.ori %or3A_243, %ne3A_242 : i1
        %or3A_245 = arith.constant false
        %or3A_246 = arith.ori %or3A_244, %or3A_245 : i1
        %ge3A_247 = arith.constant 74 : i32
        %ge3A_248 = arith.cmpi sge, %scan3A_183, %ge3A_247 : i32
        %not3A_249 = arith.constant true
        %not3A_250 = arith.xori %ge3A_248, %not3A_249 : i1
        %and3A_251 = arith.andi %or3A_246, %not3A_250 : i1
        %convert_element_type3A_252 = arith.extui %and3A_251 : i1 to i32
        %cond3A_253 = arith.constant 0 : i32
        %cond3A_254 = arith.cmpi ne, %convert_element_type3A_252, %cond3A_253 : i32
        scf.if %cond3A_254 {
          "tpu.trace_start"() <{level = 10 : i32, message = "ep_copy_in"}> : () -> ()
          %rem3A_516 = arith.constant 2 : i32
          %rem3A_517 = arith.remui %scan3A_186, %rem3A_516 : i32
          %add3A_518 = arith.constant 3850 : i32
          %add3A_519 = arith.addi %add3A_518, %add3A_213 : i32
          %mul3A_520 = arith.constant 16 : i32
          %mul3A_521 = arith.muli %mul3A_520, %add3A_519 : i32
          %dma_start3A_522 = arith.constant 0 : i32
          %dma_start3A_523 = arith.constant 0 : i32
          %dma_start3A_524 = tpu.memref_slice %run_scoped3A_29[%rem3A_517, %dma_start3A_522, %dma_start3A_523] : memref<2x16x512xf32, #tpu.memory_space<vmem>> -> memref<1x16x512xf32, #tpu.memory_space<vmem>>
          %dma_start3A_525 = tpu.memref_squeeze %dma_start3A_524 : memref<1x16x512xf32, #tpu.memory_space<vmem>> -> memref<16x512xf32, #tpu.memory_space<vmem>>
          %dma_start3A_526 = arith.constant 0 : i32
          %dma_start3A_527 = tpu.memref_slice %arg3[%mul3A_521, %dma_start3A_526] : memref<100000x512xf32, #tpu.memory_space<hbm>> -> memref<16x512xf32, #tpu.memory_space<hbm>>
          %dma_start3A_528 = tpu.memref_slice %run_scoped3A_30[%rem3A_517] : memref<2x!tpu.dma_semaphore, #tpu.memory_space<semaphore_mem>> -> memref<1x!tpu.dma_semaphore, #tpu.memory_space<semaphore_mem>>
          %dma_start3A_529 = tpu.memref_squeeze %dma_start3A_528 : memref<1x!tpu.dma_semaphore, #tpu.memory_space<semaphore_mem>> -> memref<!tpu.dma_semaphore, #tpu.memory_space<semaphore_mem>>
          %dma_start3A_530 = arith.constant 0 : i32
          %dma_start3A_531 = arith.constant 0 : i32
          %dma_start3A_532 = tpu.memref_slice %run_scoped3A_29[%rem3A_517, %dma_start3A_530, %dma_start3A_531] : memref<2x16x512xf32, #tpu.memory_space<vmem>> -> memref<1x16x512xf32, #tpu.memory_space<vmem>>
          %dma_start3A_533 = tpu.memref_squeeze %dma_start3A_532 : memref<1x16x512xf32, #tpu.memory_space<vmem>> -> memref<16x512xf32, #tpu.memory_space<vmem>>
          %dma_start3A_534 = arith.constant 0 : i32
          %dma_start3A_535 = tpu.memref_slice %arg3[%mul3A_521, %dma_start3A_534] : memref<100000x512xf32, #tpu.memory_space<hbm>> -> memref<16x512xf32, #tpu.memory_space<hbm>>
          tpu.enqueue_dma source(%dma_start3A_535 : memref<16x512xf32, #tpu.memory_space<hbm>>) target(%dma_start3A_533 : memref<16x512xf32, #tpu.memory_space<vmem>>) target_semaphore(%dma_start3A_529 : memref<!tpu.dma_semaphore, #tpu.memory_space<semaphore_mem>>)
          "tpu.trace_stop"() : () -> ()
        } else {
        }
        %and3A_255 = arith.constant true
        %and3A_256 = arith.andi %and3A_251, %and3A_255 : i1
        %add3A_257 = arith.constant 1 : i32
        %add3A_258 = arith.addi %scan3A_186, %add3A_257 : i32
        %select_n3A_259 = arith.select %and3A_256, %add3A_258, %scan3A_186 : i32
        %add3A_260 = arith.constant 3850 : i32
        %add3A_261 = arith.addi %add3A_260, %add3A_195 : i32
        %add3A_262 = arith.constant 3850 : i32
        %add3A_263 = arith.addi %add3A_262, %add3A_213 : i32
        %ne3A_264 = arith.cmpi ne, %add3A_261, %add3A_263 : i32
        %or3A_265 = arith.constant false
        %or3A_266 = arith.ori %or3A_265, %ne3A_264 : i1
        %or3A_267 = arith.constant false
        %or3A_268 = arith.ori %or3A_266, %or3A_267 : i1
        %ge3A_269 = arith.constant 74 : i32
        %ge3A_270 = arith.cmpi sge, %scan3A_183, %ge3A_269 : i32
        %not3A_271 = arith.constant true
        %not3A_272 = arith.xori %ge3A_270, %not3A_271 : i1
        %and3A_273 = arith.andi %or3A_268, %not3A_272 : i1
        %convert_element_type3A_274 = arith.extui %and3A_273 : i1 to i32
        %cond3A_275 = arith.constant 0 : i32
        %cond3A_276 = arith.cmpi ne, %convert_element_type3A_274, %cond3A_275 : i32
        scf.if %cond3A_276 {
          "tpu.trace_start"() <{level = 10 : i32, message = "ep_copy_in"}> : () -> ()
          %rem3A_516 = arith.constant 2 : i32
          %rem3A_517 = arith.remui %scan3A_188, %rem3A_516 : i32
          %add3A_518 = arith.constant 3850 : i32
          %add3A_519 = arith.addi %add3A_518, %add3A_213 : i32
          %mul3A_520 = arith.constant 16 : i32
          %mul3A_521 = arith.muli %mul3A_520, %add3A_519 : i32
          %dma_start3A_522 = arith.constant 0 : i32
          %dma_start3A_523 = arith.constant 0 : i32
          %dma_start3A_524 = tpu.memref_slice %run_scoped3A_31[%rem3A_517, %dma_start3A_522, %dma_start3A_523] : memref<2x16x512xi32, #tpu.memory_space<vmem>> -> memref<1x16x512xi32, #tpu.memory_space<vmem>>
          %dma_start3A_525 = tpu.memref_squeeze %dma_start3A_524 : memref<1x16x512xi32, #tpu.memory_space<vmem>> -> memref<16x512xi32, #tpu.memory_space<vmem>>
          %dma_start3A_526 = arith.constant 0 : i32
          %dma_start3A_527 = tpu.memref_slice %arg4[%mul3A_521, %dma_start3A_526] : memref<100000x512xi32, #tpu.memory_space<hbm>> -> memref<16x512xi32, #tpu.memory_space<hbm>>
          %dma_start3A_528 = tpu.memref_slice %run_scoped3A_32[%rem3A_517] : memref<2x!tpu.dma_semaphore, #tpu.memory_space<semaphore_mem>> -> memref<1x!tpu.dma_semaphore, #tpu.memory_space<semaphore_mem>>
          %dma_start3A_529 = tpu.memref_squeeze %dma_start3A_528 : memref<1x!tpu.dma_semaphore, #tpu.memory_space<semaphore_mem>> -> memref<!tpu.dma_semaphore, #tpu.memory_space<semaphore_mem>>
          %dma_start3A_530 = arith.constant 0 : i32
          %dma_start3A_531 = arith.constant 0 : i32
          %dma_start3A_532 = tpu.memref_slice %run_scoped3A_31[%rem3A_517, %dma_start3A_530, %dma_start3A_531] : memref<2x16x512xi32, #tpu.memory_space<vmem>> -> memref<1x16x512xi32, #tpu.memory_space<vmem>>
          %dma_start3A_533 = tpu.memref_squeeze %dma_start3A_532 : memref<1x16x512xi32, #tpu.memory_space<vmem>> -> memref<16x512xi32, #tpu.memory_space<vmem>>
          %dma_start3A_534 = arith.constant 0 : i32
          %dma_start3A_535 = tpu.memref_slice %arg4[%mul3A_521, %dma_start3A_534] : memref<100000x512xi32, #tpu.memory_space<hbm>> -> memref<16x512xi32, #tpu.memory_space<hbm>>
          tpu.enqueue_dma source(%dma_start3A_535 : memref<16x512xi32, #tpu.memory_space<hbm>>) target(%dma_start3A_533 : memref<16x512xi32, #tpu.memory_space<vmem>>) target_semaphore(%dma_start3A_529 : memref<!tpu.dma_semaphore, #tpu.memory_space<semaphore_mem>>)
          "tpu.trace_stop"() : () -> ()
        } else {
        }
        %and3A_277 = arith.constant true
        %and3A_278 = arith.andi %and3A_273, %and3A_277 : i1
        %add3A_279 = arith.constant 1 : i32
        %add3A_280 = arith.addi %scan3A_188, %add3A_279 : i32
        %select_n3A_281 = arith.select %and3A_278, %add3A_280, %scan3A_188 : i32
        %add3A_282 = arith.constant 3850 : i32
        %add3A_283 = arith.addi %add3A_282, %add3A_195 : i32
        %add3A_284 = arith.constant 3850 : i32
        %add3A_285 = arith.addi %add3A_284, %add3A_204 : i32
        %ne3A_286 = arith.cmpi ne, %add3A_283, %add3A_285 : i32
        %or3A_287 = arith.constant false
        %or3A_288 = arith.ori %or3A_287, %ne3A_286 : i1
        %or3A_289 = arith.constant false
        %or3A_290 = arith.ori %or3A_288, %or3A_289 : i1
        %or3A_291 = arith.ori %or3A_290, %eq3A_192 : i1
        %convert_element_type3A_292 = arith.extui %or3A_291 : i1 to i32
        %cond3A_293 = arith.constant 0 : i32
        %cond3A_294 = arith.cmpi ne, %convert_element_type3A_292, %cond3A_293 : i32
        scf.if %cond3A_294 {
          "tpu.trace_start"() <{level = 10 : i32, message = "ep_wait_in"}> : () -> ()
          %add3A_516 = arith.constant 3850 : i32
          %add3A_517 = arith.addi %add3A_516, %add3A_195 : i32
          %mul3A_518 = arith.constant 16 : i32
          %mul3A_519 = arith.muli %mul3A_518, %add3A_517 : i32
          %rem3A_520 = arith.constant 2 : i32
          %rem3A_521 = arith.remui %scan3A_185, %rem3A_520 : i32
          %dma_wait3A = arith.constant 0 : i32
          %dma_wait3A_522 = arith.constant 0 : i32
          %dma_wait3A_523 = tpu.memref_slice %run_scoped3A[%rem3A_521, %dma_wait3A, %dma_wait3A_522] : memref<2x16x512xf32, #tpu.memory_space<vmem>> -> memref<1x16x512xf32, #tpu.memory_space<vmem>>
          %dma_wait3A_524 = tpu.memref_squeeze %dma_wait3A_523 : memref<1x16x512xf32, #tpu.memory_space<vmem>> -> memref<16x512xf32, #tpu.memory_space<vmem>>
          %dma_wait3A_525 = arith.constant 0 : i32
          %dma_wait3A_526 = tpu.memref_slice %arg2[%mul3A_519, %dma_wait3A_525] : memref<100000x512xf32, #tpu.memory_space<hbm>> -> memref<16x512xf32, #tpu.memory_space<hbm>>
          %dma_wait3A_527 = tpu.memref_slice %run_scoped3A_28[%rem3A_521] : memref<2x!tpu.dma_semaphore, #tpu.memory_space<semaphore_mem>> -> memref<1x!tpu.dma_semaphore, #tpu.memory_space<semaphore_mem>>
          %dma_wait3A_528 = tpu.memref_squeeze %dma_wait3A_527 : memref<1x!tpu.dma_semaphore, #tpu.memory_space<semaphore_mem>> -> memref<!tpu.dma_semaphore, #tpu.memory_space<semaphore_mem>>
          %dma_wait3A_529 = arith.constant 0 : i32
          %dma_wait3A_530 = arith.constant 0 : i32
          %dma_wait3A_531 = tpu.memref_slice %run_scoped3A[%rem3A_521, %dma_wait3A_529, %dma_wait3A_530] : memref<2x16x512xf32, #tpu.memory_space<vmem>> -> memref<1x16x512xf32, #tpu.memory_space<vmem>>
          %dma_wait3A_532 = tpu.memref_squeeze %dma_wait3A_531 : memref<1x16x512xf32, #tpu.memory_space<vmem>> -> memref<16x512xf32, #tpu.memory_space<vmem>>
          %dma_wait3A_533 = arith.constant 0 : i32
          %dma_wait3A_534 = tpu.memref_slice %arg2[%mul3A_519, %dma_wait3A_533] : memref<100000x512xf32, #tpu.memory_space<hbm>> -> memref<16x512xf32, #tpu.memory_space<hbm>>
          tpu.wait_dma2 semaphore(%dma_wait3A_528 : memref<!tpu.dma_semaphore, #tpu.memory_space<semaphore_mem>>) src(%dma_wait3A_534 : memref<16x512xf32, #tpu.memory_space<hbm>>) dst(%dma_wait3A_532 : memref<16x512xf32, #tpu.memory_space<vmem>>)
          "tpu.trace_stop"() : () -> ()
        } else {
        }
        %add3A_295 = arith.constant 3850 : i32
        %add3A_296 = arith.addi %add3A_295, %add3A_195 : i32
        %add3A_297 = arith.constant 3850 : i32
        %add3A_298 = arith.addi %add3A_297, %add3A_204 : i32
        %ne3A_299 = arith.cmpi ne, %add3A_296, %add3A_298 : i32
        %or3A_300 = arith.constant false
        %or3A_301 = arith.ori %or3A_300, %ne3A_299 : i1
        %or3A_302 = arith.constant false
        %or3A_303 = arith.ori %or3A_301, %or3A_302 : i1
        %or3A_304 = arith.ori %or3A_303, %eq3A_192 : i1
        %convert_element_type3A_305 = arith.extui %or3A_304 : i1 to i32
        %cond3A_306 = arith.constant 0 : i32
        %cond3A_307 = arith.cmpi ne, %convert_element_type3A_305, %cond3A_306 : i32
        scf.if %cond3A_307 {
          "tpu.trace_start"() <{level = 10 : i32, message = "ep_wait_in"}> : () -> ()
          %add3A_516 = arith.constant 3850 : i32
          %add3A_517 = arith.addi %add3A_516, %add3A_195 : i32
          %mul3A_518 = arith.constant 16 : i32
          %mul3A_519 = arith.muli %mul3A_518, %add3A_517 : i32
          %rem3A_520 = arith.constant 2 : i32
          %rem3A_521 = arith.remui %scan3A_187, %rem3A_520 : i32
          %dma_wait3A = arith.constant 0 : i32
          %dma_wait3A_522 = arith.constant 0 : i32
          %dma_wait3A_523 = tpu.memref_slice %run_scoped3A_29[%rem3A_521, %dma_wait3A, %dma_wait3A_522] : memref<2x16x512xf32, #tpu.memory_space<vmem>> -> memref<1x16x512xf32, #tpu.memory_space<vmem>>
          %dma_wait3A_524 = tpu.memref_squeeze %dma_wait3A_523 : memref<1x16x512xf32, #tpu.memory_space<vmem>> -> memref<16x512xf32, #tpu.memory_space<vmem>>
          %dma_wait3A_525 = arith.constant 0 : i32
          %dma_wait3A_526 = tpu.memref_slice %arg3[%mul3A_519, %dma_wait3A_525] : memref<100000x512xf32, #tpu.memory_space<hbm>> -> memref<16x512xf32, #tpu.memory_space<hbm>>
          %dma_wait3A_527 = tpu.memref_slice %run_scoped3A_30[%rem3A_521] : memref<2x!tpu.dma_semaphore, #tpu.memory_space<semaphore_mem>> -> memref<1x!tpu.dma_semaphore, #tpu.memory_space<semaphore_mem>>
          %dma_wait3A_528 = tpu.memref_squeeze %dma_wait3A_527 : memref<1x!tpu.dma_semaphore, #tpu.memory_space<semaphore_mem>> -> memref<!tpu.dma_semaphore, #tpu.memory_space<semaphore_mem>>
          %dma_wait3A_529 = arith.constant 0 : i32
          %dma_wait3A_530 = arith.constant 0 : i32
          %dma_wait3A_531 = tpu.memref_slice %run_scoped3A_29[%rem3A_521, %dma_wait3A_529, %dma_wait3A_530] : memref<2x16x512xf32, #tpu.memory_space<vmem>> -> memref<1x16x512xf32, #tpu.memory_space<vmem>>
          %dma_wait3A_532 = tpu.memref_squeeze %dma_wait3A_531 : memref<1x16x512xf32, #tpu.memory_space<vmem>> -> memref<16x512xf32, #tpu.memory_space<vmem>>
          %dma_wait3A_533 = arith.constant 0 : i32
          %dma_wait3A_534 = tpu.memref_slice %arg3[%mul3A_519, %dma_wait3A_533] : memref<100000x512xf32, #tpu.memory_space<hbm>> -> memref<16x512xf32, #tpu.memory_space<hbm>>
          tpu.wait_dma2 semaphore(%dma_wait3A_528 : memref<!tpu.dma_semaphore, #tpu.memory_space<semaphore_mem>>) src(%dma_wait3A_534 : memref<16x512xf32, #tpu.memory_space<hbm>>) dst(%dma_wait3A_532 : memref<16x512xf32, #tpu.memory_space<vmem>>)
          "tpu.trace_stop"() : () -> ()
        } else {
        }
        %add3A_308 = arith.constant 3850 : i32
        %add3A_309 = arith.addi %add3A_308, %add3A_195 : i32
        %add3A_310 = arith.constant 3850 : i32
        %add3A_311 = arith.addi %add3A_310, %add3A_204 : i32
        %ne3A_312 = arith.cmpi ne, %add3A_309, %add3A_311 : i32
        %or3A_313 = arith.constant false
        %or3A_314 = arith.ori %or3A_313, %ne3A_312 : i1
        %or3A_315 = arith.constant false
        %or3A_316 = arith.ori %or3A_314, %or3A_315 : i1
        %or3A_317 = arith.ori %or3A_316, %eq3A_192 : i1
        %convert_element_type3A_318 = arith.extui %or3A_317 : i1 to i32
        %cond3A_319 = arith.constant 0 : i32
        %cond3A_320 = arith.cmpi ne, %convert_element_type3A_318, %cond3A_319 : i32
        scf.if %cond3A_320 {
          "tpu.trace_start"() <{level = 10 : i32, message = "ep_wait_in"}> : () -> ()
          %add3A_516 = arith.constant 3850 : i32
          %add3A_517 = arith.addi %add3A_516, %add3A_195 : i32
          %mul3A_518 = arith.constant 16 : i32
          %mul3A_519 = arith.muli %mul3A_518, %add3A_517 : i32
          %rem3A_520 = arith.constant 2 : i32
          %rem3A_521 = arith.remui %scan3A_189, %rem3A_520 : i32
          %dma_wait3A = arith.constant 0 : i32
          %dma_wait3A_522 = arith.constant 0 : i32
          %dma_wait3A_523 = tpu.memref_slice %run_scoped3A_31[%rem3A_521, %dma_wait3A, %dma_wait3A_522] : memref<2x16x512xi32, #tpu.memory_space<vmem>> -> memref<1x16x512xi32, #tpu.memory_space<vmem>>
          %dma_wait3A_524 = tpu.memref_squeeze %dma_wait3A_523 : memref<1x16x512xi32, #tpu.memory_space<vmem>> -> memref<16x512xi32, #tpu.memory_space<vmem>>
          %dma_wait3A_525 = arith.constant 0 : i32
          %dma_wait3A_526 = tpu.memref_slice %arg4[%mul3A_519, %dma_wait3A_525] : memref<100000x512xi32, #tpu.memory_space<hbm>> -> memref<16x512xi32, #tpu.memory_space<hbm>>
          %dma_wait3A_527 = tpu.memref_slice %run_scoped3A_32[%rem3A_521] : memref<2x!tpu.dma_semaphore, #tpu.memory_space<semaphore_mem>> -> memref<1x!tpu.dma_semaphore, #tpu.memory_space<semaphore_mem>>
          %dma_wait3A_528 = tpu.memref_squeeze %dma_wait3A_527 : memref<1x!tpu.dma_semaphore, #tpu.memory_space<semaphore_mem>> -> memref<!tpu.dma_semaphore, #tpu.memory_space<semaphore_mem>>
          %dma_wait3A_529 = arith.constant 0 : i32
          %dma_wait3A_530 = arith.constant 0 : i32
          %dma_wait3A_531 = tpu.memref_slice %run_scoped3A_31[%rem3A_521, %dma_wait3A_529, %dma_wait3A_530] : memref<2x16x512xi32, #tpu.memory_space<vmem>> -> memref<1x16x512xi32, #tpu.memory_space<vmem>>
          %dma_wait3A_532 = tpu.memref_squeeze %dma_wait3A_531 : memref<1x16x512xi32, #tpu.memory_space<vmem>> -> memref<16x512xi32, #tpu.memory_space<vmem>>
          %dma_wait3A_533 = arith.constant 0 : i32
          %dma_wait3A_534 = tpu.memref_slice %arg4[%mul3A_519, %dma_wait3A_533] : memref<100000x512xi32, #tpu.memory_space<hbm>> -> memref<16x512xi32, #tpu.memory_space<hbm>>
          tpu.wait_dma2 semaphore(%dma_wait3A_528 : memref<!tpu.dma_semaphore, #tpu.memory_space<semaphore_mem>>) src(%dma_wait3A_534 : memref<16x512xi32, #tpu.memory_space<hbm>>) dst(%dma_wait3A_532 : memref<16x512xi32, #tpu.memory_space<vmem>>)
          "tpu.trace_stop"() : () -> ()
        } else {
        }
        %rem3A_321 = arith.constant 2 : i32
        %rem3A_322 = arith.remui %scan3A_185, %rem3A_321 : i32
        %rem3A_323 = arith.constant 2 : i32
        %rem3A_324 = arith.remui %scan3A_187, %rem3A_323 : i32
        %rem3A_325 = arith.constant 2 : i32
        %rem3A_326 = arith.remui %scan3A_189, %rem3A_325 : i32
        %broadcast_in_dim3A_327 = arith.constant 0.000000e+00 : f32
        "tpu.trace_start"() <{level = 10 : i32, message = "ep_run_kernel"}> : () -> ()
        %broadcast_in_dim3A_328 = vector.broadcast %broadcast_in_dim3A_327 : f32 to vector<16xf32>
        %scan3A_329 = arith.constant 0 : i32
        %scan3A_330 = arith.constant 16 : i32
        %scan3A_331 = arith.addi %scan3A_329, %scan3A_330 : i32
        %scan3A_332 = arith.constant 1 : i32
        %scan3A_333:6 = scf.for %scan3A_516 = %scan3A_329 to %scan3A_331 step %scan3A_332 iter_args(%scan3A_517 = %broadcast_in_dim3A_328, %scan3A_518 = %broadcast_in_dim3A_328, %scan3A_519 = %broadcast_in_dim3A_328, %scan3A_520 = %broadcast_in_dim3A_328, %scan3A_521 = %broadcast_in_dim3A_328, %scan3A_522 = %broadcast_in_dim3A_328) -> (vector<16xf32>, vector<16xf32>, vector<16xf32>, vector<16xf32>, vector<16xf32>, vector<16xf32>)  : i32 {
          %get3A_523 = arith.constant 0 : i32
          %get3A_524 = arith.constant 0 : i32
          %get3A_525 = tpu.memref_slice %run_scoped3A[%rem3A_322, %get3A_523, %get3A_524] : memref<2x16x512xf32, #tpu.memory_space<vmem>> -> memref<1x16x512xf32, #tpu.memory_space<vmem>>
          %get3A_526 = tpu.memref_squeeze %get3A_525 : memref<1x16x512xf32, #tpu.memory_space<vmem>> -> memref<16x512xf32, #tpu.memory_space<vmem>>
          %get3A_527 = arith.index_cast %scan3A_516 : i32 to index
          %get3A_528 = arith.constant 0 : index
          %get3A_529 = tpu.vector_load %get3A_526[%get3A_527, %get3A_528] {strides = array<i32>} : memref<16x512xf32, #tpu.memory_space<vmem>>, vector<1x16xf32>,
          %get3A_530 = vector.shape_cast %get3A_529 : vector<1x16xf32> to vector<16xf32>
          %get3A_531 = arith.constant 0 : i32
          %get3A_532 = arith.constant 0 : i32
          %get3A_533 = tpu.memref_slice %run_scoped3A_29[%rem3A_324, %get3A_531, %get3A_532] : memref<2x16x512xf32, #tpu.memory_space<vmem>> -> memref<1x16x512xf32, #tpu.memory_space<vmem>>
          %get3A_534 = tpu.memref_squeeze %get3A_533 : memref<1x16x512xf32, #tpu.memory_space<vmem>> -> memref<16x512xf32, #tpu.memory_space<vmem>>
          %get3A_535 = arith.index_cast %scan3A_516 : i32 to index
          %get3A_536 = arith.constant 0 : index
          %get3A_537 = tpu.vector_load %get3A_534[%get3A_535, %get3A_536] {strides = array<i32>} : memref<16x512xf32, #tpu.memory_space<vmem>>, vector<1x16xf32>,
          %get3A_538 = vector.shape_cast %get3A_537 : vector<1x16xf32> to vector<16xf32>
          %get3A_539 = arith.constant 0 : i32
          %get3A_540 = arith.constant 0 : i32
          %get3A_541 = tpu.memref_slice %run_scoped3A_31[%rem3A_326, %get3A_539, %get3A_540] : memref<2x16x512xi32, #tpu.memory_space<vmem>> -> memref<1x16x512xi32, #tpu.memory_space<vmem>>
          %get3A_542 = tpu.memref_squeeze %get3A_541 : memref<1x16x512xi32, #tpu.memory_space<vmem>> -> memref<16x512xi32, #tpu.memory_space<vmem>>
          %get3A_543 = arith.index_cast %scan3A_516 : i32 to index
          %get3A_544 = arith.constant 0 : index
          %get3A_545 = tpu.vector_load %get3A_542[%get3A_543, %get3A_544] {strides = array<i32>} : memref<16x512xi32, #tpu.memory_space<vmem>>, vector<1x16xi32>,
          %get3A_546 = vector.shape_cast %get3A_545 : vector<1x16xi32> to vector<16xi32>
          %convert_element_type3A_547 = arith.sitofp %get3A_546 : vector<16xi32> to vector<16xf32>
          %sub3A_548 = arith.subf %get3A_530, %get3A_538 : vector<16xf32>
          %mul3A_549 = arith.mulf %sub3A_548, %sub3A_548 : vector<16xf32>
          %mul3A_550 = arith.mulf %mul3A_549, %convert_element_type3A_547 : vector<16xf32>
          %add3A_551 = arith.addf %scan3A_517, %mul3A_550 : vector<16xf32>
          %add3A_552 = arith.addf %scan3A_518, %mul3A_549 : vector<16xf32>
          %add3A_553 = arith.addf %scan3A_519, %convert_element_type3A_547 : vector<16xf32>
          %get3A_554 = arith.constant 0 : i32
          %get3A_555 = arith.constant 0 : i32
          %get3A_556 = tpu.memref_slice %run_scoped3A[%rem3A_322, %get3A_554, %get3A_555] : memref<2x16x512xf32, #tpu.memory_space<vmem>> -> memref<1x16x512xf32, #tpu.memory_space<vmem>>
          %get3A_557 = tpu.memref_squeeze %get3A_556 : memref<1x16x512xf32, #tpu.memory_space<vmem>> -> memref<16x512xf32, #tpu.memory_space<vmem>>
          %get3A_558 = arith.index_cast %scan3A_516 : i32 to index
          %get3A_559 = arith.constant 16 : index
          %get3A_560 = tpu.vector_load %get3A_557[%get3A_558, %get3A_559] {strides = array<i32>} : memref<16x512xf32, #tpu.memory_space<vmem>>, vector<1x16xf32>,
          %get3A_561 = vector.shape_cast %get3A_560 : vector<1x16xf32> to vector<16xf32>
          %get3A_562 = arith.constant 0 : i32
          %get3A_563 = arith.constant 0 : i32
          %get3A_564 = tpu.memref_slice %run_scoped3A_29[%rem3A_324, %get3A_562, %get3A_563] : memref<2x16x512xf32, #tpu.memory_space<vmem>> -> memref<1x16x512xf32, #tpu.memory_space<vmem>>
          %get3A_565 = tpu.memref_squeeze %get3A_564 : memref<1x16x512xf32, #tpu.memory_space<vmem>> -> memref<16x512xf32, #tpu.memory_space<vmem>>
          %get3A_566 = arith.index_cast %scan3A_516 : i32 to index
          %get3A_567 = arith.constant 16 : index
          %get3A_568 = tpu.vector_load %get3A_565[%get3A_566, %get3A_567] {strides = array<i32>} : memref<16x512xf32, #tpu.memory_space<vmem>>, vector<1x16xf32>,
          %get3A_569 = vector.shape_cast %get3A_568 : vector<1x16xf32> to vector<16xf32>
          %get3A_570 = arith.constant 0 : i32
          %get3A_571 = arith.constant 0 : i32
          %get3A_572 = tpu.memref_slice %run_scoped3A_31[%rem3A_326, %get3A_570, %get3A_571] : memref<2x16x512xi32, #tpu.memory_space<vmem>> -> memref<1x16x512xi32, #tpu.memory_space<vmem>>
          %get3A_573 = tpu.memref_squeeze %get3A_572 : memref<1x16x512xi32, #tpu.memory_space<vmem>> -> memref<16x512xi32, #tpu.memory_space<vmem>>
          %get3A_574 = arith.index_cast %scan3A_516 : i32 to index
          %get3A_575 = arith.constant 16 : index
          %get3A_576 = tpu.vector_load %get3A_573[%get3A_574, %get3A_575] {strides = array<i32>} : memref<16x512xi32, #tpu.memory_space<vmem>>, vector<1x16xi32>,
          %get3A_577 = vector.shape_cast %get3A_576 : vector<1x16xi32> to vector<16xi32>
          %convert_element_type3A_578 = arith.sitofp %get3A_577 : vector<16xi32> to vector<16xf32>
          %sub3A_579 = arith.subf %get3A_561, %get3A_569 : vector<16xf32>
          %mul3A_580 = arith.mulf %sub3A_579, %sub3A_579 : vector<16xf32>
          %mul3A_581 = arith.mulf %mul3A_580, %convert_element_type3A_578 : vector<16xf32>
          %add3A_582 = arith.addf %scan3A_520, %mul3A_581 : vector<16xf32>
          %add3A_583 = arith.addf %scan3A_521, %mul3A_580 : vector<16xf32>
          %add3A_584 = arith.addf %scan3A_522, %convert_element_type3A_578 : vector<16xf32>
          %get3A_585 = arith.constant 0 : i32
          %get3A_586 = arith.constant 0 : i32
          %get3A_587 = tpu.memref_slice %run_scoped3A[%rem3A_322, %get3A_585, %get3A_586] : memref<2x16x512xf32, #tpu.memory_space<vmem>> -> memref<1x16x512xf32, #tpu.memory_space<vmem>>
          %get3A_588 = tpu.memref_squeeze %get3A_587 : memref<1x16x512xf32, #tpu.memory_space<vmem>> -> memref<16x512xf32, #tpu.memory_space<vmem>>
          %get3A_589 = arith.index_cast %scan3A_516 : i32 to index
          %get3A_590 = arith.constant 32 : index
          %get3A_591 = tpu.vector_load %get3A_588[%get3A_589, %get3A_590] {strides = array<i32>} : memref<16x512xf32, #tpu.memory_space<vmem>>, vector<1x16xf32>,
          %get3A_592 = vector.shape_cast %get3A_591 : vector<1x16xf32> to vector<16xf32>
          %get3A_593 = arith.constant 0 : i32
          %get3A_594 = arith.constant 0 : i32
          %get3A_595 = tpu.memref_slice %run_scoped3A_29[%rem3A_324, %get3A_593, %get3A_594] : memref<2x16x512xf32, #tpu.memory_space<vmem>> -> memref<1x16x512xf32, #tpu.memory_space<vmem>>
          %get3A_596 = tpu.memref_squeeze %get3A_595 : memref<1x16x512xf32, #tpu.memory_space<vmem>> -> memref<16x512xf32, #tpu.memory_space<vmem>>
          %get3A_597 = arith.index_cast %scan3A_516 : i32 to index
          %get3A_598 = arith.constant 32 : index
          %get3A_599 = tpu.vector_load %get3A_596[%get3A_597, %get3A_598] {strides = array<i32>} : memref<16x512xf32, #tpu.memory_space<vmem>>, vector<1x16xf32>,
          %get3A_600 = vector.shape_cast %get3A_599 : vector<1x16xf32> to vector<16xf32>
          %get3A_601 = arith.constant 0 : i32
          %get3A_602 = arith.constant 0 : i32
          %get3A_603 = tpu.memref_slice %run_scoped3A_31[%rem3A_326, %get3A_601, %get3A_602] : memref<2x16x512xi32, #tpu.memory_space<vmem>> -> memref<1x16x512xi32, #tpu.memory_space<vmem>>
          %get3A_604 = tpu.memref_squeeze %get3A_603 : memref<1x16x512xi32, #tpu.memory_space<vmem>> -> memref<16x512xi32, #tpu.memory_space<vmem>>
          %get3A_605 = arith.index_cast %scan3A_516 : i32 to index
          %get3A_606 = arith.constant 32 : index
          %get3A_607 = tpu.vector_load %get3A_604[%get3A_605, %get3A_606] {strides = array<i32>} : memref<16x512xi32, #tpu.memory_space<vmem>>, vector<1x16xi32>,
          %get3A_608 = vector.shape_cast %get3A_607 : vector<1x16xi32> to vector<16xi32>
          %convert_element_type3A_609 = arith.sitofp %get3A_608 : vector<16xi32> to vector<16xf32>
          %sub3A_610 = arith.subf %get3A_592, %get3A_600 : vector<16xf32>
          %mul3A_611 = arith.mulf %sub3A_610, %sub3A_610 : vector<16xf32>
          %mul3A_612 = arith.mulf %mul3A_611, %convert_element_type3A_609 : vector<16xf32>
          %add3A_613 = arith.addf %add3A_551, %mul3A_612 : vector<16xf32>
          %add3A_614 = arith.addf %add3A_552, %mul3A_611 : vector<16xf32>
          %add3A_615 = arith.addf %add3A_553, %convert_element_type3A_609 : vector<16xf32>
          %get3A_616 = arith.constant 0 : i32
          %get3A_617 = arith.constant 0 : i32
          %get3A_618 = tpu.memref_slice %run_scoped3A[%rem3A_322, %get3A_616, %get3A_617] : memref<2x16x512xf32, #tpu.memory_space<vmem>> -> memref<1x16x512xf32, #tpu.memory_space<vmem>>
          %get3A_619 = tpu.memref_squeeze %get3A_618 : memref<1x16x512xf32, #tpu.memory_space<vmem>> -> memref<16x512xf32, #tpu.memory_space<vmem>>
          %get3A_620 = arith.index_cast %scan3A_516 : i32 to index
          %get3A_621 = arith.constant 48 : index
          %get3A_622 = tpu.vector_load %get3A_619[%get3A_620, %get3A_621] {strides = array<i32>} : memref<16x512xf32, #tpu.memory_space<vmem>>, vector<1x16xf32>,
          %get3A_623 = vector.shape_cast %get3A_622 : vector<1x16xf32> to vector<16xf32>
          %get3A_624 = arith.constant 0 : i32
          %get3A_625 = arith.constant 0 : i32
          %get3A_626 = tpu.memref_slice %run_scoped3A_29[%rem3A_324, %get3A_624, %get3A_625] : memref<2x16x512xf32, #tpu.memory_space<vmem>> -> memref<1x16x512xf32, #tpu.memory_space<vmem>>
          %get3A_627 = tpu.memref_squeeze %get3A_626 : memref<1x16x512xf32, #tpu.memory_space<vmem>> -> memref<16x512xf32, #tpu.memory_space<vmem>>
          %get3A_628 = arith.index_cast %scan3A_516 : i32 to index
          %get3A_629 = arith.constant 48 : index
          %get3A_630 = tpu.vector_load %get3A_627[%get3A_628, %get3A_629] {strides = array<i32>} : memref<16x512xf32, #tpu.memory_space<vmem>>, vector<1x16xf32>,
          %get3A_631 = vector.shape_cast %get3A_630 : vector<1x16xf32> to vector<16xf32>
          %get3A_632 = arith.constant 0 : i32
          %get3A_633 = arith.constant 0 : i32
          %get3A_634 = tpu.memref_slice %run_scoped3A_31[%rem3A_326, %get3A_632, %get3A_633] : memref<2x16x512xi32, #tpu.memory_space<vmem>> -> memref<1x16x512xi32, #tpu.memory_space<vmem>>
          %get3A_635 = tpu.memref_squeeze %get3A_634 : memref<1x16x512xi32, #tpu.memory_space<vmem>> -> memref<16x512xi32, #tpu.memory_space<vmem>>
          %get3A_636 = arith.index_cast %scan3A_516 : i32 to index
          %get3A_637 = arith.constant 48 : index
          %get3A_638 = tpu.vector_load %get3A_635[%get3A_636, %get3A_637] {strides = array<i32>} : memref<16x512xi32, #tpu.memory_space<vmem>>, vector<1x16xi32>,
          %get3A_639 = vector.shape_cast %get3A_638 : vector<1x16xi32> to vector<16xi32>
          %convert_element_type3A_640 = arith.sitofp %get3A_639 : vector<16xi32> to vector<16xf32>
          %sub3A_641 = arith.subf %get3A_623, %get3A_631 : vector<16xf32>
          %mul3A_642 = arith.mulf %sub3A_641, %sub3A_641 : vector<16xf32>
          %mul3A_643 = arith.mulf %mul3A_642, %convert_element_type3A_640 : vector<16xf32>
          %add3A_644 = arith.addf %add3A_582, %mul3A_643 : vector<16xf32>
          %add3A_645 = arith.addf %add3A_583, %mul3A_642 : vector<16xf32>
          %add3A_646 = arith.addf %add3A_584, %convert_element_type3A_640 : vector<16xf32>
          %get3A_647 = arith.constant 0 : i32
          %get3A_648 = arith.constant 0 : i32
          %get3A_649 = tpu.memref_slice %run_scoped3A[%rem3A_322, %get3A_647, %get3A_648] : memref<2x16x512xf32, #tpu.memory_space<vmem>> -> memref<1x16x512xf32, #tpu.memory_space<vmem>>
          %get3A_650 = tpu.memref_squeeze %get3A_649 : memref<1x16x512xf32, #tpu.memory_space<vmem>> -> memref<16x512xf32, #tpu.memory_space<vmem>>
          %get3A_651 = arith.index_cast %scan3A_516 : i32 to index
          %get3A_652 = arith.constant 64 : index
          %get3A_653 = tpu.vector_load %get3A_650[%get3A_651, %get3A_652] {strides = array<i32>} : memref<16x512xf32, #tpu.memory_space<vmem>>, vector<1x16xf32>,
          %get3A_654 = vector.shape_cast %get3A_653 : vector<1x16xf32> to vector<16xf32>
          %get3A_655 = arith.constant 0 : i32
          %get3A_656 = arith.constant 0 : i32
          %get3A_657 = tpu.memref_slice %run_scoped3A_29[%rem3A_324, %get3A_655, %get3A_656] : memref<2x16x512xf32, #tpu.memory_space<vmem>> -> memref<1x16x512xf32, #tpu.memory_space<vmem>>
          %get3A_658 = tpu.memref_squeeze %get3A_657 : memref<1x16x512xf32, #tpu.memory_space<vmem>> -> memref<16x512xf32, #tpu.memory_space<vmem>>
          %get3A_659 = arith.index_cast %scan3A_516 : i32 to index
          %get3A_660 = arith.constant 64 : index
          %get3A_661 = tpu.vector_load %get3A_658[%get3A_659, %get3A_660] {strides = array<i32>} : memref<16x512xf32, #tpu.memory_space<vmem>>, vector<1x16xf32>,
          %get3A_662 = vector.shape_cast %get3A_661 : vector<1x16xf32> to vector<16xf32>
          %get3A_663 = arith.constant 0 : i32
          %get3A_664 = arith.constant 0 : i32
          %get3A_665 = tpu.memref_slice %run_scoped3A_31[%rem3A_326, %get3A_663, %get3A_664] : memref<2x16x512xi32, #tpu.memory_space<vmem>> -> memref<1x16x512xi32, #tpu.memory_space<vmem>>
          %get3A_666 = tpu.memref_squeeze %get3A_665 : memref<1x16x512xi32, #tpu.memory_space<vmem>> -> memref<16x512xi32, #tpu.memory_space<vmem>>
          %get3A_667 = arith.index_cast %scan3A_516 : i32 to index
          %get3A_668 = arith.constant 64 : index
          %get3A_669 = tpu.vector_load %get3A_666[%get3A_667, %get3A_668] {strides = array<i32>} : memref<16x512xi32, #tpu.memory_space<vmem>>, vector<1x16xi32>,
          %get3A_670 = vector.shape_cast %get3A_669 : vector<1x16xi32> to vector<16xi32>
          %convert_element_type3A_671 = arith.sitofp %get3A_670 : vector<16xi32> to vector<16xf32>
          %sub3A_672 = arith.subf %get3A_654, %get3A_662 : vector<16xf32>
          %mul3A_673 = arith.mulf %sub3A_672, %sub3A_672 : vector<16xf32>
          %mul3A_674 = arith.mulf %mul3A_673, %convert_element_type3A_671 : vector<16xf32>
          %add3A_675 = arith.addf %add3A_613, %mul3A_674 : vector<16xf32>
          %add3A_676 = arith.addf %add3A_614, %mul3A_673 : vector<16xf32>
          %add3A_677 = arith.addf %add3A_615, %convert_element_type3A_671 : vector<16xf32>
          %get3A_678 = arith.constant 0 : i32
          %get3A_679 = arith.constant 0 : i32
          %get3A_680 = tpu.memref_slice %run_scoped3A[%rem3A_322, %get3A_678, %get3A_679] : memref<2x16x512xf32, #tpu.memory_space<vmem>> -> memref<1x16x512xf32, #tpu.memory_space<vmem>>
          %get3A_681 = tpu.memref_squeeze %get3A_680 : memref<1x16x512xf32, #tpu.memory_space<vmem>> -> memref<16x512xf32, #tpu.memory_space<vmem>>
          %get3A_682 = arith.index_cast %scan3A_516 : i32 to index
          %get3A_683 = arith.constant 80 : index
          %get3A_684 = tpu.vector_load %get3A_681[%get3A_682, %get3A_683] {strides = array<i32>} : memref<16x512xf32, #tpu.memory_space<vmem>>, vector<1x16xf32>,
          %get3A_685 = vector.shape_cast %get3A_684 : vector<1x16xf32> to vector<16xf32>
          %get3A_686 = arith.constant 0 : i32
          %get3A_687 = arith.constant 0 : i32
          %get3A_688 = tpu.memref_slice %run_scoped3A_29[%rem3A_324, %get3A_686, %get3A_687] : memref<2x16x512xf32, #tpu.memory_space<vmem>> -> memref<1x16x512xf32, #tpu.memory_space<vmem>>
          %get3A_689 = tpu.memref_squeeze %get3A_688 : memref<1x16x512xf32, #tpu.memory_space<vmem>> -> memref<16x512xf32, #tpu.memory_space<vmem>>
          %get3A_690 = arith.index_cast %scan3A_516 : i32 to index
          %get3A_691 = arith.constant 80 : index
          %get3A_692 = tpu.vector_load %get3A_689[%get3A_690, %get3A_691] {strides = array<i32>} : memref<16x512xf32, #tpu.memory_space<vmem>>, vector<1x16xf32>,
          %get3A_693 = vector.shape_cast %get3A_692 : vector<1x16xf32> to vector<16xf32>
          %get3A_694 = arith.constant 0 : i32
          %get3A_695 = arith.constant 0 : i32
          %get3A_696 = tpu.memref_slice %run_scoped3A_31[%rem3A_326, %get3A_694, %get3A_695] : memref<2x16x512xi32, #tpu.memory_space<vmem>> -> memref<1x16x512xi32, #tpu.memory_space<vmem>>
          %get3A_697 = tpu.memref_squeeze %get3A_696 : memref<1x16x512xi32, #tpu.memory_space<vmem>> -> memref<16x512xi32, #tpu.memory_space<vmem>>
          %get3A_698 = arith.index_cast %scan3A_516 : i32 to index
          %get3A_699 = arith.constant 80 : index
          %get3A_700 = tpu.vector_load %get3A_697[%get3A_698, %get3A_699] {strides = array<i32>} : memref<16x512xi32, #tpu.memory_space<vmem>>, vector<1x16xi32>,
          %get3A_701 = vector.shape_cast %get3A_700 : vector<1x16xi32> to vector<16xi32>
          %convert_element_type3A_702 = arith.sitofp %get3A_701 : vector<16xi32> to vector<16xf32>
          %sub3A_703 = arith.subf %get3A_685, %get3A_693 : vector<16xf32>
          %mul3A_704 = arith.mulf %sub3A_703, %sub3A_703 : vector<16xf32>
          %mul3A_705 = arith.mulf %mul3A_704, %convert_element_type3A_702 : vector<16xf32>
          %add3A_706 = arith.addf %add3A_644, %mul3A_705 : vector<16xf32>
          %add3A_707 = arith.addf %add3A_645, %mul3A_704 : vector<16xf32>
          %add3A_708 = arith.addf %add3A_646, %convert_element_type3A_702 : vector<16xf32>
          %get3A_709 = arith.constant 0 : i32
          %get3A_710 = arith.constant 0 : i32
          %get3A_711 = tpu.memref_slice %run_scoped3A[%rem3A_322, %get3A_709, %get3A_710] : memref<2x16x512xf32, #tpu.memory_space<vmem>> -> memref<1x16x512xf32, #tpu.memory_space<vmem>>
          %get3A_712 = tpu.memref_squeeze %get3A_711 : memref<1x16x512xf32, #tpu.memory_space<vmem>> -> memref<16x512xf32, #tpu.memory_space<vmem>>
          %get3A_713 = arith.index_cast %scan3A_516 : i32 to index
          %get3A_714 = arith.constant 96 : index
          %get3A_715 = tpu.vector_load %get3A_712[%get3A_713, %get3A_714] {strides = array<i32>} : memref<16x512xf32, #tpu.memory_space<vmem>>, vector<1x16xf32>,
          %get3A_716 = vector.shape_cast %get3A_715 : vector<1x16xf32> to vector<16xf32>
          %get3A_717 = arith.constant 0 : i32
          %get3A_718 = arith.constant 0 : i32
          %get3A_719 = tpu.memref_slice %run_scoped3A_29[%rem3A_324, %get3A_717, %get3A_718] : memref<2x16x512xf32, #tpu.memory_space<vmem>> -> memref<1x16x512xf32, #tpu.memory_space<vmem>>
          %get3A_720 = tpu.memref_squeeze %get3A_719 : memref<1x16x512xf32, #tpu.memory_space<vmem>> -> memref<16x512xf32, #tpu.memory_space<vmem>>
          %get3A_721 = arith.index_cast %scan3A_516 : i32 to index
          %get3A_722 = arith.constant 96 : index
          %get3A_723 = tpu.vector_load %get3A_720[%get3A_721, %get3A_722] {strides = array<i32>} : memref<16x512xf32, #tpu.memory_space<vmem>>, vector<1x16xf32>,
          %get3A_724 = vector.shape_cast %get3A_723 : vector<1x16xf32> to vector<16xf32>
          %get3A_725 = arith.constant 0 : i32
          %get3A_726 = arith.constant 0 : i32
          %get3A_727 = tpu.memref_slice %run_scoped3A_31[%rem3A_326, %get3A_725, %get3A_726] : memref<2x16x512xi32, #tpu.memory_space<vmem>> -> memref<1x16x512xi32, #tpu.memory_space<vmem>>
          %get3A_728 = tpu.memref_squeeze %get3A_727 : memref<1x16x512xi32, #tpu.memory_space<vmem>> -> memref<16x512xi32, #tpu.memory_space<vmem>>
          %get3A_729 = arith.index_cast %scan3A_516 : i32 to index
          %get3A_730 = arith.constant 96 : index
          %get3A_731 = tpu.vector_load %get3A_728[%get3A_729, %get3A_730] {strides = array<i32>} : memref<16x512xi32, #tpu.memory_space<vmem>>, vector<1x16xi32>,
          %get3A_732 = vector.shape_cast %get3A_731 : vector<1x16xi32> to vector<16xi32>
          %convert_element_type3A_733 = arith.sitofp %get3A_732 : vector<16xi32> to vector<16xf32>
          %sub3A_734 = arith.subf %get3A_716, %get3A_724 : vector<16xf32>
          %mul3A_735 = arith.mulf %sub3A_734, %sub3A_734 : vector<16xf32>
          %mul3A_736 = arith.mulf %mul3A_735, %convert_element_type3A_733 : vector<16xf32>
          %add3A_737 = arith.addf %add3A_675, %mul3A_736 : vector<16xf32>
          %add3A_738 = arith.addf %add3A_676, %mul3A_735 : vector<16xf32>
          %add3A_739 = arith.addf %add3A_677, %convert_element_type3A_733 : vector<16xf32>
          %get3A_740 = arith.constant 0 : i32
          %get3A_741 = arith.constant 0 : i32
          %get3A_742 = tpu.memref_slice %run_scoped3A[%rem3A_322, %get3A_740, %get3A_741] : memref<2x16x512xf32, #tpu.memory_space<vmem>> -> memref<1x16x512xf32, #tpu.memory_space<vmem>>
          %get3A_743 = tpu.memref_squeeze %get3A_742 : memref<1x16x512xf32, #tpu.memory_space<vmem>> -> memref<16x512xf32, #tpu.memory_space<vmem>>
          %get3A_744 = arith.index_cast %scan3A_516 : i32 to index
          %get3A_745 = arith.constant 112 : index
          %get3A_746 = tpu.vector_load %get3A_743[%get3A_744, %get3A_745] {strides = array<i32>} : memref<16x512xf32, #tpu.memory_space<vmem>>, vector<1x16xf32>,
          %get3A_747 = vector.shape_cast %get3A_746 : vector<1x16xf32> to vector<16xf32>
          %get3A_748 = arith.constant 0 : i32
          %get3A_749 = arith.constant 0 : i32
          %get3A_750 = tpu.memref_slice %run_scoped3A_29[%rem3A_324, %get3A_748, %get3A_749] : memref<2x16x512xf32, #tpu.memory_space<vmem>> -> memref<1x16x512xf32, #tpu.memory_space<vmem>>
          %get3A_751 = tpu.memref_squeeze %get3A_750 : memref<1x16x512xf32, #tpu.memory_space<vmem>> -> memref<16x512xf32, #tpu.memory_space<vmem>>
          %get3A_752 = arith.index_cast %scan3A_516 : i32 to index
          %get3A_753 = arith.constant 112 : index
          %get3A_754 = tpu.vector_load %get3A_751[%get3A_752, %get3A_753] {strides = array<i32>} : memref<16x512xf32, #tpu.memory_space<vmem>>, vector<1x16xf32>,
          %get3A_755 = vector.shape_cast %get3A_754 : vector<1x16xf32> to vector<16xf32>
          %get3A_756 = arith.constant 0 : i32
          %get3A_757 = arith.constant 0 : i32
          %get3A_758 = tpu.memref_slice %run_scoped3A_31[%rem3A_326, %get3A_756, %get3A_757] : memref<2x16x512xi32, #tpu.memory_space<vmem>> -> memref<1x16x512xi32, #tpu.memory_space<vmem>>
          %get3A_759 = tpu.memref_squeeze %get3A_758 : memref<1x16x512xi32, #tpu.memory_space<vmem>> -> memref<16x512xi32, #tpu.memory_space<vmem>>
          %get3A_760 = arith.index_cast %scan3A_516 : i32 to index
          %get3A_761 = arith.constant 112 : index
          %get3A_762 = tpu.vector_load %get3A_759[%get3A_760, %get3A_761] {strides = array<i32>} : memref<16x512xi32, #tpu.memory_space<vmem>>, vector<1x16xi32>,
          %get3A_763 = vector.shape_cast %get3A_762 : vector<1x16xi32> to vector<16xi32>
          %convert_element_type3A_764 = arith.sitofp %get3A_763 : vector<16xi32> to vector<16xf32>
          %sub3A_765 = arith.subf %get3A_747, %get3A_755 : vector<16xf32>
          %mul3A_766 = arith.mulf %sub3A_765, %sub3A_765 : vector<16xf32>
          %mul3A_767 = arith.mulf %mul3A_766, %convert_element_type3A_764 : vector<16xf32>
          %add3A_768 = arith.addf %add3A_706, %mul3A_767 : vector<16xf32>
          %add3A_769 = arith.addf %add3A_707, %mul3A_766 : vector<16xf32>
          %add3A_770 = arith.addf %add3A_708, %convert_element_type3A_764 : vector<16xf32>
          %get3A_771 = arith.constant 0 : i32
          %get3A_772 = arith.constant 0 : i32
          %get3A_773 = tpu.memref_slice %run_scoped3A[%rem3A_322, %get3A_771, %get3A_772] : memref<2x16x512xf32, #tpu.memory_space<vmem>> -> memref<1x16x512xf32, #tpu.memory_space<vmem>>
          %get3A_774 = tpu.memref_squeeze %get3A_773 : memref<1x16x512xf32, #tpu.memory_space<vmem>> -> memref<16x512xf32, #tpu.memory_space<vmem>>
          %get3A_775 = arith.index_cast %scan3A_516 : i32 to index
          %get3A_776 = arith.constant 128 : index
          %get3A_777 = tpu.vector_load %get3A_774[%get3A_775, %get3A_776] {strides = array<i32>} : memref<16x512xf32, #tpu.memory_space<vmem>>, vector<1x16xf32>,
          %get3A_778 = vector.shape_cast %get3A_777 : vector<1x16xf32> to vector<16xf32>
          %get3A_779 = arith.constant 0 : i32
          %get3A_780 = arith.constant 0 : i32
          %get3A_781 = tpu.memref_slice %run_scoped3A_29[%rem3A_324, %get3A_779, %get3A_780] : memref<2x16x512xf32, #tpu.memory_space<vmem>> -> memref<1x16x512xf32, #tpu.memory_space<vmem>>
          %get3A_782 = tpu.memref_squeeze %get3A_781 : memref<1x16x512xf32, #tpu.memory_space<vmem>> -> memref<16x512xf32, #tpu.memory_space<vmem>>
          %get3A_783 = arith.index_cast %scan3A_516 : i32 to index
          %get3A_784 = arith.constant 128 : index
          %get3A_785 = tpu.vector_load %get3A_782[%get3A_783, %get3A_784] {strides = array<i32>} : memref<16x512xf32, #tpu.memory_space<vmem>>, vector<1x16xf32>,
          %get3A_786 = vector.shape_cast %get3A_785 : vector<1x16xf32> to vector<16xf32>
          %get3A_787 = arith.constant 0 : i32
          %get3A_788 = arith.constant 0 : i32
          %get3A_789 = tpu.memref_slice %run_scoped3A_31[%rem3A_326, %get3A_787, %get3A_788] : memref<2x16x512xi32, #tpu.memory_space<vmem>> -> memref<1x16x512xi32, #tpu.memory_space<vmem>>
          %get3A_790 = tpu.memref_squeeze %get3A_789 : memref<1x16x512xi32, #tpu.memory_space<vmem>> -> memref<16x512xi32, #tpu.memory_space<vmem>>
          %get3A_791 = arith.index_cast %scan3A_516 : i32 to index
          %get3A_792 = arith.constant 128 : index
          %get3A_793 = tpu.vector_load %get3A_790[%get3A_791, %get3A_792] {strides = array<i32>} : memref<16x512xi32, #tpu.memory_space<vmem>>, vector<1x16xi32>,
          %get3A_794 = vector.shape_cast %get3A_793 : vector<1x16xi32> to vector<16xi32>
          %convert_element_type3A_795 = arith.sitofp %get3A_794 : vector<16xi32> to vector<16xf32>
          %sub3A_796 = arith.subf %get3A_778, %get3A_786 : vector<16xf32>
          %mul3A_797 = arith.mulf %sub3A_796, %sub3A_796 : vector<16xf32>
          %mul3A_798 = arith.mulf %mul3A_797, %convert_element_type3A_795 : vector<16xf32>
          %add3A_799 = arith.addf %add3A_737, %mul3A_798 : vector<16xf32>
          %add3A_800 = arith.addf %add3A_738, %mul3A_797 : vector<16xf32>
          %add3A_801 = arith.addf %add3A_739, %convert_element_type3A_795 : vector<16xf32>
          %get3A_802 = arith.constant 0 : i32
          %get3A_803 = arith.constant 0 : i32
          %get3A_804 = tpu.memref_slice %run_scoped3A[%rem3A_322, %get3A_802, %get3A_803] : memref<2x16x512xf32, #tpu.memory_space<vmem>> -> memref<1x16x512xf32, #tpu.memory_space<vmem>>
          %get3A_805 = tpu.memref_squeeze %get3A_804 : memref<1x16x512xf32, #tpu.memory_space<vmem>> -> memref<16x512xf32, #tpu.memory_space<vmem>>
          %get3A_806 = arith.index_cast %scan3A_516 : i32 to index
          %get3A_807 = arith.constant 144 : index
          %get3A_808 = tpu.vector_load %get3A_805[%get3A_806, %get3A_807] {strides = array<i32>} : memref<16x512xf32, #tpu.memory_space<vmem>>, vector<1x16xf32>,
          %get3A_809 = vector.shape_cast %get3A_808 : vector<1x16xf32> to vector<16xf32>
          %get3A_810 = arith.constant 0 : i32
          %get3A_811 = arith.constant 0 : i32
          %get3A_812 = tpu.memref_slice %run_scoped3A_29[%rem3A_324, %get3A_810, %get3A_811] : memref<2x16x512xf32, #tpu.memory_space<vmem>> -> memref<1x16x512xf32, #tpu.memory_space<vmem>>
          %get3A_813 = tpu.memref_squeeze %get3A_812 : memref<1x16x512xf32, #tpu.memory_space<vmem>> -> memref<16x512xf32, #tpu.memory_space<vmem>>
          %get3A_814 = arith.index_cast %scan3A_516 : i32 to index
          %get3A_815 = arith.constant 144 : index
          %get3A_816 = tpu.vector_load %get3A_813[%get3A_814, %get3A_815] {strides = array<i32>} : memref<16x512xf32, #tpu.memory_space<vmem>>, vector<1x16xf32>,
          %get3A_817 = vector.shape_cast %get3A_816 : vector<1x16xf32> to vector<16xf32>
          %get3A_818 = arith.constant 0 : i32
          %get3A_819 = arith.constant 0 : i32
          %get3A_820 = tpu.memref_slice %run_scoped3A_31[%rem3A_326, %get3A_818, %get3A_819] : memref<2x16x512xi32, #tpu.memory_space<vmem>> -> memref<1x16x512xi32, #tpu.memory_space<vmem>>
          %get3A_821 = tpu.memref_squeeze %get3A_820 : memref<1x16x512xi32, #tpu.memory_space<vmem>> -> memref<16x512xi32, #tpu.memory_space<vmem>>
          %get3A_822 = arith.index_cast %scan3A_516 : i32 to index
          %get3A_823 = arith.constant 144 : index
          %get3A_824 = tpu.vector_load %get3A_821[%get3A_822, %get3A_823] {strides = array<i32>} : memref<16x512xi32, #tpu.memory_space<vmem>>, vector<1x16xi32>,
          %get3A_825 = vector.shape_cast %get3A_824 : vector<1x16xi32> to vector<16xi32>
          %convert_element_type3A_826 = arith.sitofp %get3A_825 : vector<16xi32> to vector<16xf32>
          %sub3A_827 = arith.subf %get3A_809, %get3A_817 : vector<16xf32>
          %mul3A_828 = arith.mulf %sub3A_827, %sub3A_827 : vector<16xf32>
          %mul3A_829 = arith.mulf %mul3A_828, %convert_element_type3A_826 : vector<16xf32>
          %add3A_830 = arith.addf %add3A_768, %mul3A_829 : vector<16xf32>
          %add3A_831 = arith.addf %add3A_769, %mul3A_828 : vector<16xf32>
          %add3A_832 = arith.addf %add3A_770, %convert_element_type3A_826 : vector<16xf32>
          %get3A_833 = arith.constant 0 : i32
          %get3A_834 = arith.constant 0 : i32
          %get3A_835 = tpu.memref_slice %run_scoped3A[%rem3A_322, %get3A_833, %get3A_834] : memref<2x16x512xf32, #tpu.memory_space<vmem>> -> memref<1x16x512xf32, #tpu.memory_space<vmem>>
          %get3A_836 = tpu.memref_squeeze %get3A_835 : memref<1x16x512xf32, #tpu.memory_space<vmem>> -> memref<16x512xf32, #tpu.memory_space<vmem>>
          %get3A_837 = arith.index_cast %scan3A_516 : i32 to index
          %get3A_838 = arith.constant 160 : index
          %get3A_839 = tpu.vector_load %get3A_836[%get3A_837, %get3A_838] {strides = array<i32>} : memref<16x512xf32, #tpu.memory_space<vmem>>, vector<1x16xf32>,
          %get3A_840 = vector.shape_cast %get3A_839 : vector<1x16xf32> to vector<16xf32>
          %get3A_841 = arith.constant 0 : i32
          %get3A_842 = arith.constant 0 : i32
          %get3A_843 = tpu.memref_slice %run_scoped3A_29[%rem3A_324, %get3A_841, %get3A_842] : memref<2x16x512xf32, #tpu.memory_space<vmem>> -> memref<1x16x512xf32, #tpu.memory_space<vmem>>
          %get3A_844 = tpu.memref_squeeze %get3A_843 : memref<1x16x512xf32, #tpu.memory_space<vmem>> -> memref<16x512xf32, #tpu.memory_space<vmem>>
          %get3A_845 = arith.index_cast %scan3A_516 : i32 to index
          %get3A_846 = arith.constant 160 : index
          %get3A_847 = tpu.vector_load %get3A_844[%get3A_845, %get3A_846] {strides = array<i32>} : memref<16x512xf32, #tpu.memory_space<vmem>>, vector<1x16xf32>,
          %get3A_848 = vector.shape_cast %get3A_847 : vector<1x16xf32> to vector<16xf32>
          %get3A_849 = arith.constant 0 : i32
          %get3A_850 = arith.constant 0 : i32
          %get3A_851 = tpu.memref_slice %run_scoped3A_31[%rem3A_326, %get3A_849, %get3A_850] : memref<2x16x512xi32, #tpu.memory_space<vmem>> -> memref<1x16x512xi32, #tpu.memory_space<vmem>>
          %get3A_852 = tpu.memref_squeeze %get3A_851 : memref<1x16x512xi32, #tpu.memory_space<vmem>> -> memref<16x512xi32, #tpu.memory_space<vmem>>
          %get3A_853 = arith.index_cast %scan3A_516 : i32 to index
          %get3A_854 = arith.constant 160 : index
          %get3A_855 = tpu.vector_load %get3A_852[%get3A_853, %get3A_854] {strides = array<i32>} : memref<16x512xi32, #tpu.memory_space<vmem>>, vector<1x16xi32>,
          %get3A_856 = vector.shape_cast %get3A_855 : vector<1x16xi32> to vector<16xi32>
          %convert_element_type3A_857 = arith.sitofp %get3A_856 : vector<16xi32> to vector<16xf32>
          %sub3A_858 = arith.subf %get3A_840, %get3A_848 : vector<16xf32>
          %mul3A_859 = arith.mulf %sub3A_858, %sub3A_858 : vector<16xf32>
          %mul3A_860 = arith.mulf %mul3A_859, %convert_element_type3A_857 : vector<16xf32>
          %add3A_861 = arith.addf %add3A_799, %mul3A_860 : vector<16xf32>
          %add3A_862 = arith.addf %add3A_800, %mul3A_859 : vector<16xf32>
          %add3A_863 = arith.addf %add3A_801, %convert_element_type3A_857 : vector<16xf32>
          %get3A_864 = arith.constant 0 : i32
          %get3A_865 = arith.constant 0 : i32
          %get3A_866 = tpu.memref_slice %run_scoped3A[%rem3A_322, %get3A_864, %get3A_865] : memref<2x16x512xf32, #tpu.memory_space<vmem>> -> memref<1x16x512xf32, #tpu.memory_space<vmem>>
          %get3A_867 = tpu.memref_squeeze %get3A_866 : memref<1x16x512xf32, #tpu.memory_space<vmem>> -> memref<16x512xf32, #tpu.memory_space<vmem>>
          %get3A_868 = arith.index_cast %scan3A_516 : i32 to index
          %get3A_869 = arith.constant 176 : index
          %get3A_870 = tpu.vector_load %get3A_867[%get3A_868, %get3A_869] {strides = array<i32>} : memref<16x512xf32, #tpu.memory_space<vmem>>, vector<1x16xf32>,
          %get3A_871 = vector.shape_cast %get3A_870 : vector<1x16xf32> to vector<16xf32>
          %get3A_872 = arith.constant 0 : i32
          %get3A_873 = arith.constant 0 : i32
          %get3A_874 = tpu.memref_slice %run_scoped3A_29[%rem3A_324, %get3A_872, %get3A_873] : memref<2x16x512xf32, #tpu.memory_space<vmem>> -> memref<1x16x512xf32, #tpu.memory_space<vmem>>
          %get3A_875 = tpu.memref_squeeze %get3A_874 : memref<1x16x512xf32, #tpu.memory_space<vmem>> -> memref<16x512xf32, #tpu.memory_space<vmem>>
          %get3A_876 = arith.index_cast %scan3A_516 : i32 to index
          %get3A_877 = arith.constant 176 : index
          %get3A_878 = tpu.vector_load %get3A_875[%get3A_876, %get3A_877] {strides = array<i32>} : memref<16x512xf32, #tpu.memory_space<vmem>>, vector<1x16xf32>,
          %get3A_879 = vector.shape_cast %get3A_878 : vector<1x16xf32> to vector<16xf32>
          %get3A_880 = arith.constant 0 : i32
          %get3A_881 = arith.constant 0 : i32
          %get3A_882 = tpu.memref_slice %run_scoped3A_31[%rem3A_326, %get3A_880, %get3A_881] : memref<2x16x512xi32, #tpu.memory_space<vmem>> -> memref<1x16x512xi32, #tpu.memory_space<vmem>>
          %get3A_883 = tpu.memref_squeeze %get3A_882 : memref<1x16x512xi32, #tpu.memory_space<vmem>> -> memref<16x512xi32, #tpu.memory_space<vmem>>
          %get3A_884 = arith.index_cast %scan3A_516 : i32 to index
          %get3A_885 = arith.constant 176 : index
          %get3A_886 = tpu.vector_load %get3A_883[%get3A_884, %get3A_885] {strides = array<i32>} : memref<16x512xi32, #tpu.memory_space<vmem>>, vector<1x16xi32>,
          %get3A_887 = vector.shape_cast %get3A_886 : vector<1x16xi32> to vector<16xi32>
          %convert_element_type3A_888 = arith.sitofp %get3A_887 : vector<16xi32> to vector<16xf32>
          %sub3A_889 = arith.subf %get3A_871, %get3A_879 : vector<16xf32>
          %mul3A_890 = arith.mulf %sub3A_889, %sub3A_889 : vector<16xf32>
          %mul3A_891 = arith.mulf %mul3A_890, %convert_element_type3A_888 : vector<16xf32>
          %add3A_892 = arith.addf %add3A_830, %mul3A_891 : vector<16xf32>
          %add3A_893 = arith.addf %add3A_831, %mul3A_890 : vector<16xf32>
          %add3A_894 = arith.addf %add3A_832, %convert_element_type3A_888 : vector<16xf32>
          %get3A_895 = arith.constant 0 : i32
          %get3A_896 = arith.constant 0 : i32
          %get3A_897 = tpu.memref_slice %run_scoped3A[%rem3A_322, %get3A_895, %get3A_896] : memref<2x16x512xf32, #tpu.memory_space<vmem>> -> memref<1x16x512xf32, #tpu.memory_space<vmem>>
          %get3A_898 = tpu.memref_squeeze %get3A_897 : memref<1x16x512xf32, #tpu.memory_space<vmem>> -> memref<16x512xf32, #tpu.memory_space<vmem>>
          %get3A_899 = arith.index_cast %scan3A_516 : i32 to index
          %get3A_900 = arith.constant 192 : index
          %get3A_901 = tpu.vector_load %get3A_898[%get3A_899, %get3A_900] {strides = array<i32>} : memref<16x512xf32, #tpu.memory_space<vmem>>, vector<1x16xf32>,
          %get3A_902 = vector.shape_cast %get3A_901 : vector<1x16xf32> to vector<16xf32>
          %get3A_903 = arith.constant 0 : i32
          %get3A_904 = arith.constant 0 : i32
          %get3A_905 = tpu.memref_slice %run_scoped3A_29[%rem3A_324, %get3A_903, %get3A_904] : memref<2x16x512xf32, #tpu.memory_space<vmem>> -> memref<1x16x512xf32, #tpu.memory_space<vmem>>
          %get3A_906 = tpu.memref_squeeze %get3A_905 : memref<1x16x512xf32, #tpu.memory_space<vmem>> -> memref<16x512xf32, #tpu.memory_space<vmem>>
          %get3A_907 = arith.index_cast %scan3A_516 : i32 to index
          %get3A_908 = arith.constant 192 : index
          %get3A_909 = tpu.vector_load %get3A_906[%get3A_907, %get3A_908] {strides = array<i32>} : memref<16x512xf32, #tpu.memory_space<vmem>>, vector<1x16xf32>,
          %get3A_910 = vector.shape_cast %get3A_909 : vector<1x16xf32> to vector<16xf32>
          %get3A_911 = arith.constant 0 : i32
          %get3A_912 = arith.constant 0 : i32
          %get3A_913 = tpu.memref_slice %run_scoped3A_31[%rem3A_326, %get3A_911, %get3A_912] : memref<2x16x512xi32, #tpu.memory_space<vmem>> -> memref<1x16x512xi32, #tpu.memory_space<vmem>>
          %get3A_914 = tpu.memref_squeeze %get3A_913 : memref<1x16x512xi32, #tpu.memory_space<vmem>> -> memref<16x512xi32, #tpu.memory_space<vmem>>
          %get3A_915 = arith.index_cast %scan3A_516 : i32 to index
          %get3A_916 = arith.constant 192 : index
          %get3A_917 = tpu.vector_load %get3A_914[%get3A_915, %get3A_916] {strides = array<i32>} : memref<16x512xi32, #tpu.memory_space<vmem>>, vector<1x16xi32>,
          %get3A_918 = vector.shape_cast %get3A_917 : vector<1x16xi32> to vector<16xi32>
          %convert_element_type3A_919 = arith.sitofp %get3A_918 : vector<16xi32> to vector<16xf32>
          %sub3A_920 = arith.subf %get3A_902, %get3A_910 : vector<16xf32>
          %mul3A_921 = arith.mulf %sub3A_920, %sub3A_920 : vector<16xf32>
          %mul3A_922 = arith.mulf %mul3A_921, %convert_element_type3A_919 : vector<16xf32>
          %add3A_923 = arith.addf %add3A_861, %mul3A_922 : vector<16xf32>
          %add3A_924 = arith.addf %add3A_862, %mul3A_921 : vector<16xf32>
          %add3A_925 = arith.addf %add3A_863, %convert_element_type3A_919 : vector<16xf32>
          %get3A_926 = arith.constant 0 : i32
          %get3A_927 = arith.constant 0 : i32
          %get3A_928 = tpu.memref_slice %run_scoped3A[%rem3A_322, %get3A_926, %get3A_927] : memref<2x16x512xf32, #tpu.memory_space<vmem>> -> memref<1x16x512xf32, #tpu.memory_space<vmem>>
          %get3A_929 = tpu.memref_squeeze %get3A_928 : memref<1x16x512xf32, #tpu.memory_space<vmem>> -> memref<16x512xf32, #tpu.memory_space<vmem>>
          %get3A_930 = arith.index_cast %scan3A_516 : i32 to index
          %get3A_931 = arith.constant 208 : index
          %get3A_932 = tpu.vector_load %get3A_929[%get3A_930, %get3A_931] {strides = array<i32>} : memref<16x512xf32, #tpu.memory_space<vmem>>, vector<1x16xf32>,
          %get3A_933 = vector.shape_cast %get3A_932 : vector<1x16xf32> to vector<16xf32>
          %get3A_934 = arith.constant 0 : i32
          %get3A_935 = arith.constant 0 : i32
          %get3A_936 = tpu.memref_slice %run_scoped3A_29[%rem3A_324, %get3A_934, %get3A_935] : memref<2x16x512xf32, #tpu.memory_space<vmem>> -> memref<1x16x512xf32, #tpu.memory_space<vmem>>
          %get3A_937 = tpu.memref_squeeze %get3A_936 : memref<1x16x512xf32, #tpu.memory_space<vmem>> -> memref<16x512xf32, #tpu.memory_space<vmem>>
          %get3A_938 = arith.index_cast %scan3A_516 : i32 to index
          %get3A_939 = arith.constant 208 : index
          %get3A_940 = tpu.vector_load %get3A_937[%get3A_938, %get3A_939] {strides = array<i32>} : memref<16x512xf32, #tpu.memory_space<vmem>>, vector<1x16xf32>,
          %get3A_941 = vector.shape_cast %get3A_940 : vector<1x16xf32> to vector<16xf32>
          %get3A_942 = arith.constant 0 : i32
          %get3A_943 = arith.constant 0 : i32
          %get3A_944 = tpu.memref_slice %run_scoped3A_31[%rem3A_326, %get3A_942, %get3A_943] : memref<2x16x512xi32, #tpu.memory_space<vmem>> -> memref<1x16x512xi32, #tpu.memory_space<vmem>>
          %get3A_945 = tpu.memref_squeeze %get3A_944 : memref<1x16x512xi32, #tpu.memory_space<vmem>> -> memref<16x512xi32, #tpu.memory_space<vmem>>
          %get3A_946 = arith.index_cast %scan3A_516 : i32 to index
          %get3A_947 = arith.constant 208 : index
          %get3A_948 = tpu.vector_load %get3A_945[%get3A_946, %get3A_947] {strides = array<i32>} : memref<16x512xi32, #tpu.memory_space<vmem>>, vector<1x16xi32>,
          %get3A_949 = vector.shape_cast %get3A_948 : vector<1x16xi32> to vector<16xi32>
          %convert_element_type3A_950 = arith.sitofp %get3A_949 : vector<16xi32> to vector<16xf32>
          %sub3A_951 = arith.subf %get3A_933, %get3A_941 : vector<16xf32>
          %mul3A_952 = arith.mulf %sub3A_951, %sub3A_951 : vector<16xf32>
          %mul3A_953 = arith.mulf %mul3A_952, %convert_element_type3A_950 : vector<16xf32>
          %add3A_954 = arith.addf %add3A_892, %mul3A_953 : vector<16xf32>
          %add3A_955 = arith.addf %add3A_893, %mul3A_952 : vector<16xf32>
          %add3A_956 = arith.addf %add3A_894, %convert_element_type3A_950 : vector<16xf32>
          %get3A_957 = arith.constant 0 : i32
          %get3A_958 = arith.constant 0 : i32
          %get3A_959 = tpu.memref_slice %run_scoped3A[%rem3A_322, %get3A_957, %get3A_958] : memref<2x16x512xf32, #tpu.memory_space<vmem>> -> memref<1x16x512xf32, #tpu.memory_space<vmem>>
          %get3A_960 = tpu.memref_squeeze %get3A_959 : memref<1x16x512xf32, #tpu.memory_space<vmem>> -> memref<16x512xf32, #tpu.memory_space<vmem>>
          %get3A_961 = arith.index_cast %scan3A_516 : i32 to index
          %get3A_962 = arith.constant 224 : index
          %get3A_963 = tpu.vector_load %get3A_960[%get3A_961, %get3A_962] {strides = array<i32>} : memref<16x512xf32, #tpu.memory_space<vmem>>, vector<1x16xf32>,
          %get3A_964 = vector.shape_cast %get3A_963 : vector<1x16xf32> to vector<16xf32>
          %get3A_965 = arith.constant 0 : i32
          %get3A_966 = arith.constant 0 : i32
          %get3A_967 = tpu.memref_slice %run_scoped3A_29[%rem3A_324, %get3A_965, %get3A_966] : memref<2x16x512xf32, #tpu.memory_space<vmem>> -> memref<1x16x512xf32, #tpu.memory_space<vmem>>
          %get3A_968 = tpu.memref_squeeze %get3A_967 : memref<1x16x512xf32, #tpu.memory_space<vmem>> -> memref<16x512xf32, #tpu.memory_space<vmem>>
          %get3A_969 = arith.index_cast %scan3A_516 : i32 to index
          %get3A_970 = arith.constant 224 : index
          %get3A_971 = tpu.vector_load %get3A_968[%get3A_969, %get3A_970] {strides = array<i32>} : memref<16x512xf32, #tpu.memory_space<vmem>>, vector<1x16xf32>,
          %get3A_972 = vector.shape_cast %get3A_971 : vector<1x16xf32> to vector<16xf32>
          %get3A_973 = arith.constant 0 : i32
          %get3A_974 = arith.constant 0 : i32
          %get3A_975 = tpu.memref_slice %run_scoped3A_31[%rem3A_326, %get3A_973, %get3A_974] : memref<2x16x512xi32, #tpu.memory_space<vmem>> -> memref<1x16x512xi32, #tpu.memory_space<vmem>>
          %get3A_976 = tpu.memref_squeeze %get3A_975 : memref<1x16x512xi32, #tpu.memory_space<vmem>> -> memref<16x512xi32, #tpu.memory_space<vmem>>
          %get3A_977 = arith.index_cast %scan3A_516 : i32 to index
          %get3A_978 = arith.constant 224 : index
          %get3A_979 = tpu.vector_load %get3A_976[%get3A_977, %get3A_978] {strides = array<i32>} : memref<16x512xi32, #tpu.memory_space<vmem>>, vector<1x16xi32>,
          %get3A_980 = vector.shape_cast %get3A_979 : vector<1x16xi32> to vector<16xi32>
          %convert_element_type3A_981 = arith.sitofp %get3A_980 : vector<16xi32> to vector<16xf32>
          %sub3A_982 = arith.subf %get3A_964, %get3A_972 : vector<16xf32>
          %mul3A_983 = arith.mulf %sub3A_982, %sub3A_982 : vector<16xf32>
          %mul3A_984 = arith.mulf %mul3A_983, %convert_element_type3A_981 : vector<16xf32>
          %add3A_985 = arith.addf %add3A_923, %mul3A_984 : vector<16xf32>
          %add3A_986 = arith.addf %add3A_924, %mul3A_983 : vector<16xf32>
          %add3A_987 = arith.addf %add3A_925, %convert_element_type3A_981 : vector<16xf32>
          %get3A_988 = arith.constant 0 : i32
          %get3A_989 = arith.constant 0 : i32
          %get3A_990 = tpu.memref_slice %run_scoped3A[%rem3A_322, %get3A_988, %get3A_989] : memref<2x16x512xf32, #tpu.memory_space<vmem>> -> memref<1x16x512xf32, #tpu.memory_space<vmem>>
          %get3A_991 = tpu.memref_squeeze %get3A_990 : memref<1x16x512xf32, #tpu.memory_space<vmem>> -> memref<16x512xf32, #tpu.memory_space<vmem>>
          %get3A_992 = arith.index_cast %scan3A_516 : i32 to index
          %get3A_993 = arith.constant 240 : index
          %get3A_994 = tpu.vector_load %get3A_991[%get3A_992, %get3A_993] {strides = array<i32>} : memref<16x512xf32, #tpu.memory_space<vmem>>, vector<1x16xf32>,
          %get3A_995 = vector.shape_cast %get3A_994 : vector<1x16xf32> to vector<16xf32>
          %get3A_996 = arith.constant 0 : i32
          %get3A_997 = arith.constant 0 : i32
          %get3A_998 = tpu.memref_slice %run_scoped3A_29[%rem3A_324, %get3A_996, %get3A_997] : memref<2x16x512xf32, #tpu.memory_space<vmem>> -> memref<1x16x512xf32, #tpu.memory_space<vmem>>
          %get3A_999 = tpu.memref_squeeze %get3A_998 : memref<1x16x512xf32, #tpu.memory_space<vmem>> -> memref<16x512xf32, #tpu.memory_space<vmem>>
          %get3A_1000 = arith.index_cast %scan3A_516 : i32 to index
          %get3A_1001 = arith.constant 240 : index
          %get3A_1002 = tpu.vector_load %get3A_999[%get3A_1000, %get3A_1001] {strides = array<i32>} : memref<16x512xf32, #tpu.memory_space<vmem>>, vector<1x16xf32>,
          %get3A_1003 = vector.shape_cast %get3A_1002 : vector<1x16xf32> to vector<16xf32>
          %get3A_1004 = arith.constant 0 : i32
          %get3A_1005 = arith.constant 0 : i32
          %get3A_1006 = tpu.memref_slice %run_scoped3A_31[%rem3A_326, %get3A_1004, %get3A_1005] : memref<2x16x512xi32, #tpu.memory_space<vmem>> -> memref<1x16x512xi32, #tpu.memory_space<vmem>>
          %get3A_1007 = tpu.memref_squeeze %get3A_1006 : memref<1x16x512xi32, #tpu.memory_space<vmem>> -> memref<16x512xi32, #tpu.memory_space<vmem>>
          %get3A_1008 = arith.index_cast %scan3A_516 : i32 to index
          %get3A_1009 = arith.constant 240 : index
          %get3A_1010 = tpu.vector_load %get3A_1007[%get3A_1008, %get3A_1009] {strides = array<i32>} : memref<16x512xi32, #tpu.memory_space<vmem>>, vector<1x16xi32>,
          %get3A_1011 = vector.shape_cast %get3A_1010 : vector<1x16xi32> to vector<16xi32>
          %convert_element_type3A_1012 = arith.sitofp %get3A_1011 : vector<16xi32> to vector<16xf32>
          %sub3A_1013 = arith.subf %get3A_995, %get3A_1003 : vector<16xf32>
          %mul3A_1014 = arith.mulf %sub3A_1013, %sub3A_1013 : vector<16xf32>
          %mul3A_1015 = arith.mulf %mul3A_1014, %convert_element_type3A_1012 : vector<16xf32>
          %add3A_1016 = arith.addf %add3A_954, %mul3A_1015 : vector<16xf32>
          %add3A_1017 = arith.addf %add3A_955, %mul3A_1014 : vector<16xf32>
          %add3A_1018 = arith.addf %add3A_956, %convert_element_type3A_1012 : vector<16xf32>
          %get3A_1019 = arith.constant 0 : i32
          %get3A_1020 = arith.constant 0 : i32
          %get3A_1021 = tpu.memref_slice %run_scoped3A[%rem3A_322, %get3A_1019, %get3A_1020] : memref<2x16x512xf32, #tpu.memory_space<vmem>> -> memref<1x16x512xf32, #tpu.memory_space<vmem>>
          %get3A_1022 = tpu.memref_squeeze %get3A_1021 : memref<1x16x512xf32, #tpu.memory_space<vmem>> -> memref<16x512xf32, #tpu.memory_space<vmem>>
          %get3A_1023 = arith.index_cast %scan3A_516 : i32 to index
          %get3A_1024 = arith.constant 256 : index
          %get3A_1025 = tpu.vector_load %get3A_1022[%get3A_1023, %get3A_1024] {strides = array<i32>} : memref<16x512xf32, #tpu.memory_space<vmem>>, vector<1x16xf32>,
          %get3A_1026 = vector.shape_cast %get3A_1025 : vector<1x16xf32> to vector<16xf32>
          %get3A_1027 = arith.constant 0 : i32
          %get3A_1028 = arith.constant 0 : i32
          %get3A_1029 = tpu.memref_slice %run_scoped3A_29[%rem3A_324, %get3A_1027, %get3A_1028] : memref<2x16x512xf32, #tpu.memory_space<vmem>> -> memref<1x16x512xf32, #tpu.memory_space<vmem>>
          %get3A_1030 = tpu.memref_squeeze %get3A_1029 : memref<1x16x512xf32, #tpu.memory_space<vmem>> -> memref<16x512xf32, #tpu.memory_space<vmem>>
          %get3A_1031 = arith.index_cast %scan3A_516 : i32 to index
          %get3A_1032 = arith.constant 256 : index
          %get3A_1033 = tpu.vector_load %get3A_1030[%get3A_1031, %get3A_1032] {strides = array<i32>} : memref<16x512xf32, #tpu.memory_space<vmem>>, vector<1x16xf32>,
          %get3A_1034 = vector.shape_cast %get3A_1033 : vector<1x16xf32> to vector<16xf32>
          %get3A_1035 = arith.constant 0 : i32
          %get3A_1036 = arith.constant 0 : i32
          %get3A_1037 = tpu.memref_slice %run_scoped3A_31[%rem3A_326, %get3A_1035, %get3A_1036] : memref<2x16x512xi32, #tpu.memory_space<vmem>> -> memref<1x16x512xi32, #tpu.memory_space<vmem>>
          %get3A_1038 = tpu.memref_squeeze %get3A_1037 : memref<1x16x512xi32, #tpu.memory_space<vmem>> -> memref<16x512xi32, #tpu.memory_space<vmem>>
          %get3A_1039 = arith.index_cast %scan3A_516 : i32 to index
          %get3A_1040 = arith.constant 256 : index
          %get3A_1041 = tpu.vector_load %get3A_1038[%get3A_1039, %get3A_1040] {strides = array<i32>} : memref<16x512xi32, #tpu.memory_space<vmem>>, vector<1x16xi32>,
          %get3A_1042 = vector.shape_cast %get3A_1041 : vector<1x16xi32> to vector<16xi32>
          %convert_element_type3A_1043 = arith.sitofp %get3A_1042 : vector<16xi32> to vector<16xf32>
          %sub3A_1044 = arith.subf %get3A_1026, %get3A_1034 : vector<16xf32>
          %mul3A_1045 = arith.mulf %sub3A_1044, %sub3A_1044 : vector<16xf32>
          %mul3A_1046 = arith.mulf %mul3A_1045, %convert_element_type3A_1043 : vector<16xf32>
          %add3A_1047 = arith.addf %add3A_985, %mul3A_1046 : vector<16xf32>
          %add3A_1048 = arith.addf %add3A_986, %mul3A_1045 : vector<16xf32>
          %add3A_1049 = arith.addf %add3A_987, %convert_element_type3A_1043 : vector<16xf32>
          %get3A_1050 = arith.constant 0 : i32
          %get3A_1051 = arith.constant 0 : i32
          %get3A_1052 = tpu.memref_slice %run_scoped3A[%rem3A_322, %get3A_1050, %get3A_1051] : memref<2x16x512xf32, #tpu.memory_space<vmem>> -> memref<1x16x512xf32, #tpu.memory_space<vmem>>
          %get3A_1053 = tpu.memref_squeeze %get3A_1052 : memref<1x16x512xf32, #tpu.memory_space<vmem>> -> memref<16x512xf32, #tpu.memory_space<vmem>>
          %get3A_1054 = arith.index_cast %scan3A_516 : i32 to index
          %get3A_1055 = arith.constant 272 : index
          %get3A_1056 = tpu.vector_load %get3A_1053[%get3A_1054, %get3A_1055] {strides = array<i32>} : memref<16x512xf32, #tpu.memory_space<vmem>>, vector<1x16xf32>,
          %get3A_1057 = vector.shape_cast %get3A_1056 : vector<1x16xf32> to vector<16xf32>
          %get3A_1058 = arith.constant 0 : i32
          %get3A_1059 = arith.constant 0 : i32
          %get3A_1060 = tpu.memref_slice %run_scoped3A_29[%rem3A_324, %get3A_1058, %get3A_1059] : memref<2x16x512xf32, #tpu.memory_space<vmem>> -> memref<1x16x512xf32, #tpu.memory_space<vmem>>
          %get3A_1061 = tpu.memref_squeeze %get3A_1060 : memref<1x16x512xf32, #tpu.memory_space<vmem>> -> memref<16x512xf32, #tpu.memory_space<vmem>>
          %get3A_1062 = arith.index_cast %scan3A_516 : i32 to index
          %get3A_1063 = arith.constant 272 : index
          %get3A_1064 = tpu.vector_load %get3A_1061[%get3A_1062, %get3A_1063] {strides = array<i32>} : memref<16x512xf32, #tpu.memory_space<vmem>>, vector<1x16xf32>,
          %get3A_1065 = vector.shape_cast %get3A_1064 : vector<1x16xf32> to vector<16xf32>
          %get3A_1066 = arith.constant 0 : i32
          %get3A_1067 = arith.constant 0 : i32
          %get3A_1068 = tpu.memref_slice %run_scoped3A_31[%rem3A_326, %get3A_1066, %get3A_1067] : memref<2x16x512xi32, #tpu.memory_space<vmem>> -> memref<1x16x512xi32, #tpu.memory_space<vmem>>
          %get3A_1069 = tpu.memref_squeeze %get3A_1068 : memref<1x16x512xi32, #tpu.memory_space<vmem>> -> memref<16x512xi32, #tpu.memory_space<vmem>>
          %get3A_1070 = arith.index_cast %scan3A_516 : i32 to index
          %get3A_1071 = arith.constant 272 : index
          %get3A_1072 = tpu.vector_load %get3A_1069[%get3A_1070, %get3A_1071] {strides = array<i32>} : memref<16x512xi32, #tpu.memory_space<vmem>>, vector<1x16xi32>,
          %get3A_1073 = vector.shape_cast %get3A_1072 : vector<1x16xi32> to vector<16xi32>
          %convert_element_type3A_1074 = arith.sitofp %get3A_1073 : vector<16xi32> to vector<16xf32>
          %sub3A_1075 = arith.subf %get3A_1057, %get3A_1065 : vector<16xf32>
          %mul3A_1076 = arith.mulf %sub3A_1075, %sub3A_1075 : vector<16xf32>
          %mul3A_1077 = arith.mulf %mul3A_1076, %convert_element_type3A_1074 : vector<16xf32>
          %add3A_1078 = arith.addf %add3A_1016, %mul3A_1077 : vector<16xf32>
          %add3A_1079 = arith.addf %add3A_1017, %mul3A_1076 : vector<16xf32>
          %add3A_1080 = arith.addf %add3A_1018, %convert_element_type3A_1074 : vector<16xf32>
          %get3A_1081 = arith.constant 0 : i32
          %get3A_1082 = arith.constant 0 : i32
          %get3A_1083 = tpu.memref_slice %run_scoped3A[%rem3A_322, %get3A_1081, %get3A_1082] : memref<2x16x512xf32, #tpu.memory_space<vmem>> -> memref<1x16x512xf32, #tpu.memory_space<vmem>>
          %get3A_1084 = tpu.memref_squeeze %get3A_1083 : memref<1x16x512xf32, #tpu.memory_space<vmem>> -> memref<16x512xf32, #tpu.memory_space<vmem>>
          %get3A_1085 = arith.index_cast %scan3A_516 : i32 to index
          %get3A_1086 = arith.constant 288 : index
          %get3A_1087 = tpu.vector_load %get3A_1084[%get3A_1085, %get3A_1086] {strides = array<i32>} : memref<16x512xf32, #tpu.memory_space<vmem>>, vector<1x16xf32>,
          %get3A_1088 = vector.shape_cast %get3A_1087 : vector<1x16xf32> to vector<16xf32>
          %get3A_1089 = arith.constant 0 : i32
          %get3A_1090 = arith.constant 0 : i32
          %get3A_1091 = tpu.memref_slice %run_scoped3A_29[%rem3A_324, %get3A_1089, %get3A_1090] : memref<2x16x512xf32, #tpu.memory_space<vmem>> -> memref<1x16x512xf32, #tpu.memory_space<vmem>>
          %get3A_1092 = tpu.memref_squeeze %get3A_1091 : memref<1x16x512xf32, #tpu.memory_space<vmem>> -> memref<16x512xf32, #tpu.memory_space<vmem>>
          %get3A_1093 = arith.index_cast %scan3A_516 : i32 to index
          %get3A_1094 = arith.constant 288 : index
          %get3A_1095 = tpu.vector_load %get3A_1092[%get3A_1093, %get3A_1094] {strides = array<i32>} : memref<16x512xf32, #tpu.memory_space<vmem>>, vector<1x16xf32>,
          %get3A_1096 = vector.shape_cast %get3A_1095 : vector<1x16xf32> to vector<16xf32>
          %get3A_1097 = arith.constant 0 : i32
          %get3A_1098 = arith.constant 0 : i32
          %get3A_1099 = tpu.memref_slice %run_scoped3A_31[%rem3A_326, %get3A_1097, %get3A_1098] : memref<2x16x512xi32, #tpu.memory_space<vmem>> -> memref<1x16x512xi32, #tpu.memory_space<vmem>>
          %get3A_1100 = tpu.memref_squeeze %get3A_1099 : memref<1x16x512xi32, #tpu.memory_space<vmem>> -> memref<16x512xi32, #tpu.memory_space<vmem>>
          %get3A_1101 = arith.index_cast %scan3A_516 : i32 to index
          %get3A_1102 = arith.constant 288 : index
          %get3A_1103 = tpu.vector_load %get3A_1100[%get3A_1101, %get3A_1102] {strides = array<i32>} : memref<16x512xi32, #tpu.memory_space<vmem>>, vector<1x16xi32>,
          %get3A_1104 = vector.shape_cast %get3A_1103 : vector<1x16xi32> to vector<16xi32>
          %convert_element_type3A_1105 = arith.sitofp %get3A_1104 : vector<16xi32> to vector<16xf32>
          %sub3A_1106 = arith.subf %get3A_1088, %get3A_1096 : vector<16xf32>
          %mul3A_1107 = arith.mulf %sub3A_1106, %sub3A_1106 : vector<16xf32>
          %mul3A_1108 = arith.mulf %mul3A_1107, %convert_element_type3A_1105 : vector<16xf32>
          %add3A_1109 = arith.addf %add3A_1047, %mul3A_1108 : vector<16xf32>
          %add3A_1110 = arith.addf %add3A_1048, %mul3A_1107 : vector<16xf32>
          %add3A_1111 = arith.addf %add3A_1049, %convert_element_type3A_1105 : vector<16xf32>
          %get3A_1112 = arith.constant 0 : i32
          %get3A_1113 = arith.constant 0 : i32
          %get3A_1114 = tpu.memref_slice %run_scoped3A[%rem3A_322, %get3A_1112, %get3A_1113] : memref<2x16x512xf32, #tpu.memory_space<vmem>> -> memref<1x16x512xf32, #tpu.memory_space<vmem>>
          %get3A_1115 = tpu.memref_squeeze %get3A_1114 : memref<1x16x512xf32, #tpu.memory_space<vmem>> -> memref<16x512xf32, #tpu.memory_space<vmem>>
          %get3A_1116 = arith.index_cast %scan3A_516 : i32 to index
          %get3A_1117 = arith.constant 304 : index
          %get3A_1118 = tpu.vector_load %get3A_1115[%get3A_1116, %get3A_1117] {strides = array<i32>} : memref<16x512xf32, #tpu.memory_space<vmem>>, vector<1x16xf32>,
          %get3A_1119 = vector.shape_cast %get3A_1118 : vector<1x16xf32> to vector<16xf32>
          %get3A_1120 = arith.constant 0 : i32
          %get3A_1121 = arith.constant 0 : i32
          %get3A_1122 = tpu.memref_slice %run_scoped3A_29[%rem3A_324, %get3A_1120, %get3A_1121] : memref<2x16x512xf32, #tpu.memory_space<vmem>> -> memref<1x16x512xf32, #tpu.memory_space<vmem>>
          %get3A_1123 = tpu.memref_squeeze %get3A_1122 : memref<1x16x512xf32, #tpu.memory_space<vmem>> -> memref<16x512xf32, #tpu.memory_space<vmem>>
          %get3A_1124 = arith.index_cast %scan3A_516 : i32 to index
          %get3A_1125 = arith.constant 304 : index
          %get3A_1126 = tpu.vector_load %get3A_1123[%get3A_1124, %get3A_1125] {strides = array<i32>} : memref<16x512xf32, #tpu.memory_space<vmem>>, vector<1x16xf32>,
          %get3A_1127 = vector.shape_cast %get3A_1126 : vector<1x16xf32> to vector<16xf32>
          %get3A_1128 = arith.constant 0 : i32
          %get3A_1129 = arith.constant 0 : i32
          %get3A_1130 = tpu.memref_slice %run_scoped3A_31[%rem3A_326, %get3A_1128, %get3A_1129] : memref<2x16x512xi32, #tpu.memory_space<vmem>> -> memref<1x16x512xi32, #tpu.memory_space<vmem>>
          %get3A_1131 = tpu.memref_squeeze %get3A_1130 : memref<1x16x512xi32, #tpu.memory_space<vmem>> -> memref<16x512xi32, #tpu.memory_space<vmem>>
          %get3A_1132 = arith.index_cast %scan3A_516 : i32 to index
          %get3A_1133 = arith.constant 304 : index
          %get3A_1134 = tpu.vector_load %get3A_1131[%get3A_1132, %get3A_1133] {strides = array<i32>} : memref<16x512xi32, #tpu.memory_space<vmem>>, vector<1x16xi32>,
          %get3A_1135 = vector.shape_cast %get3A_1134 : vector<1x16xi32> to vector<16xi32>
          %convert_element_type3A_1136 = arith.sitofp %get3A_1135 : vector<16xi32> to vector<16xf32>
          %sub3A_1137 = arith.subf %get3A_1119, %get3A_1127 : vector<16xf32>
          %mul3A_1138 = arith.mulf %sub3A_1137, %sub3A_1137 : vector<16xf32>
          %mul3A_1139 = arith.mulf %mul3A_1138, %convert_element_type3A_1136 : vector<16xf32>
          %add3A_1140 = arith.addf %add3A_1078, %mul3A_1139 : vector<16xf32>
          %add3A_1141 = arith.addf %add3A_1079, %mul3A_1138 : vector<16xf32>
          %add3A_1142 = arith.addf %add3A_1080, %convert_element_type3A_1136 : vector<16xf32>
          %get3A_1143 = arith.constant 0 : i32
          %get3A_1144 = arith.constant 0 : i32
          %get3A_1145 = tpu.memref_slice %run_scoped3A[%rem3A_322, %get3A_1143, %get3A_1144] : memref<2x16x512xf32, #tpu.memory_space<vmem>> -> memref<1x16x512xf32, #tpu.memory_space<vmem>>
          %get3A_1146 = tpu.memref_squeeze %get3A_1145 : memref<1x16x512xf32, #tpu.memory_space<vmem>> -> memref<16x512xf32, #tpu.memory_space<vmem>>
          %get3A_1147 = arith.index_cast %scan3A_516 : i32 to index
          %get3A_1148 = arith.constant 320 : index
          %get3A_1149 = tpu.vector_load %get3A_1146[%get3A_1147, %get3A_1148] {strides = array<i32>} : memref<16x512xf32, #tpu.memory_space<vmem>>, vector<1x16xf32>,
          %get3A_1150 = vector.shape_cast %get3A_1149 : vector<1x16xf32> to vector<16xf32>
          %get3A_1151 = arith.constant 0 : i32
          %get3A_1152 = arith.constant 0 : i32
          %get3A_1153 = tpu.memref_slice %run_scoped3A_29[%rem3A_324, %get3A_1151, %get3A_1152] : memref<2x16x512xf32, #tpu.memory_space<vmem>> -> memref<1x16x512xf32, #tpu.memory_space<vmem>>
          %get3A_1154 = tpu.memref_squeeze %get3A_1153 : memref<1x16x512xf32, #tpu.memory_space<vmem>> -> memref<16x512xf32, #tpu.memory_space<vmem>>
          %get3A_1155 = arith.index_cast %scan3A_516 : i32 to index
          %get3A_1156 = arith.constant 320 : index
          %get3A_1157 = tpu.vector_load %get3A_1154[%get3A_1155, %get3A_1156] {strides = array<i32>} : memref<16x512xf32, #tpu.memory_space<vmem>>, vector<1x16xf32>,
          %get3A_1158 = vector.shape_cast %get3A_1157 : vector<1x16xf32> to vector<16xf32>
          %get3A_1159 = arith.constant 0 : i32
          %get3A_1160 = arith.constant 0 : i32
          %get3A_1161 = tpu.memref_slice %run_scoped3A_31[%rem3A_326, %get3A_1159, %get3A_1160] : memref<2x16x512xi32, #tpu.memory_space<vmem>> -> memref<1x16x512xi32, #tpu.memory_space<vmem>>
          %get3A_1162 = tpu.memref_squeeze %get3A_1161 : memref<1x16x512xi32, #tpu.memory_space<vmem>> -> memref<16x512xi32, #tpu.memory_space<vmem>>
          %get3A_1163 = arith.index_cast %scan3A_516 : i32 to index
          %get3A_1164 = arith.constant 320 : index
          %get3A_1165 = tpu.vector_load %get3A_1162[%get3A_1163, %get3A_1164] {strides = array<i32>} : memref<16x512xi32, #tpu.memory_space<vmem>>, vector<1x16xi32>,
          %get3A_1166 = vector.shape_cast %get3A_1165 : vector<1x16xi32> to vector<16xi32>
          %convert_element_type3A_1167 = arith.sitofp %get3A_1166 : vector<16xi32> to vector<16xf32>
          %sub3A_1168 = arith.subf %get3A_1150, %get3A_1158 : vector<16xf32>
          %mul3A_1169 = arith.mulf %sub3A_1168, %sub3A_1168 : vector<16xf32>
          %mul3A_1170 = arith.mulf %mul3A_1169, %convert_element_type3A_1167 : vector<16xf32>
          %add3A_1171 = arith.addf %add3A_1109, %mul3A_1170 : vector<16xf32>
          %add3A_1172 = arith.addf %add3A_1110, %mul3A_1169 : vector<16xf32>
          %add3A_1173 = arith.addf %add3A_1111, %convert_element_type3A_1167 : vector<16xf32>
          %get3A_1174 = arith.constant 0 : i32
          %get3A_1175 = arith.constant 0 : i32
          %get3A_1176 = tpu.memref_slice %run_scoped3A[%rem3A_322, %get3A_1174, %get3A_1175] : memref<2x16x512xf32, #tpu.memory_space<vmem>> -> memref<1x16x512xf32, #tpu.memory_space<vmem>>
          %get3A_1177 = tpu.memref_squeeze %get3A_1176 : memref<1x16x512xf32, #tpu.memory_space<vmem>> -> memref<16x512xf32, #tpu.memory_space<vmem>>
          %get3A_1178 = arith.index_cast %scan3A_516 : i32 to index
          %get3A_1179 = arith.constant 336 : index
          %get3A_1180 = tpu.vector_load %get3A_1177[%get3A_1178, %get3A_1179] {strides = array<i32>} : memref<16x512xf32, #tpu.memory_space<vmem>>, vector<1x16xf32>,
          %get3A_1181 = vector.shape_cast %get3A_1180 : vector<1x16xf32> to vector<16xf32>
          %get3A_1182 = arith.constant 0 : i32
          %get3A_1183 = arith.constant 0 : i32
          %get3A_1184 = tpu.memref_slice %run_scoped3A_29[%rem3A_324, %get3A_1182, %get3A_1183] : memref<2x16x512xf32, #tpu.memory_space<vmem>> -> memref<1x16x512xf32, #tpu.memory_space<vmem>>
          %get3A_1185 = tpu.memref_squeeze %get3A_1184 : memref<1x16x512xf32, #tpu.memory_space<vmem>> -> memref<16x512xf32, #tpu.memory_space<vmem>>
          %get3A_1186 = arith.index_cast %scan3A_516 : i32 to index
          %get3A_1187 = arith.constant 336 : index
          %get3A_1188 = tpu.vector_load %get3A_1185[%get3A_1186, %get3A_1187] {strides = array<i32>} : memref<16x512xf32, #tpu.memory_space<vmem>>, vector<1x16xf32>,
          %get3A_1189 = vector.shape_cast %get3A_1188 : vector<1x16xf32> to vector<16xf32>
          %get3A_1190 = arith.constant 0 : i32
          %get3A_1191 = arith.constant 0 : i32
          %get3A_1192 = tpu.memref_slice %run_scoped3A_31[%rem3A_326, %get3A_1190, %get3A_1191] : memref<2x16x512xi32, #tpu.memory_space<vmem>> -> memref<1x16x512xi32, #tpu.memory_space<vmem>>
          %get3A_1193 = tpu.memref_squeeze %get3A_1192 : memref<1x16x512xi32, #tpu.memory_space<vmem>> -> memref<16x512xi32, #tpu.memory_space<vmem>>
          %get3A_1194 = arith.index_cast %scan3A_516 : i32 to index
          %get3A_1195 = arith.constant 336 : index
          %get3A_1196 = tpu.vector_load %get3A_1193[%get3A_1194, %get3A_1195] {strides = array<i32>} : memref<16x512xi32, #tpu.memory_space<vmem>>, vector<1x16xi32>,
          %get3A_1197 = vector.shape_cast %get3A_1196 : vector<1x16xi32> to vector<16xi32>
          %convert_element_type3A_1198 = arith.sitofp %get3A_1197 : vector<16xi32> to vector<16xf32>
          %sub3A_1199 = arith.subf %get3A_1181, %get3A_1189 : vector<16xf32>
          %mul3A_1200 = arith.mulf %sub3A_1199, %sub3A_1199 : vector<16xf32>
          %mul3A_1201 = arith.mulf %mul3A_1200, %convert_element_type3A_1198 : vector<16xf32>
          %add3A_1202 = arith.addf %add3A_1140, %mul3A_1201 : vector<16xf32>
          %add3A_1203 = arith.addf %add3A_1141, %mul3A_1200 : vector<16xf32>
          %add3A_1204 = arith.addf %add3A_1142, %convert_element_type3A_1198 : vector<16xf32>
          %get3A_1205 = arith.constant 0 : i32
          %get3A_1206 = arith.constant 0 : i32
          %get3A_1207 = tpu.memref_slice %run_scoped3A[%rem3A_322, %get3A_1205, %get3A_1206] : memref<2x16x512xf32, #tpu.memory_space<vmem>> -> memref<1x16x512xf32, #tpu.memory_space<vmem>>
          %get3A_1208 = tpu.memref_squeeze %get3A_1207 : memref<1x16x512xf32, #tpu.memory_space<vmem>> -> memref<16x512xf32, #tpu.memory_space<vmem>>
          %get3A_1209 = arith.index_cast %scan3A_516 : i32 to index
          %get3A_1210 = arith.constant 352 : index
          %get3A_1211 = tpu.vector_load %get3A_1208[%get3A_1209, %get3A_1210] {strides = array<i32>} : memref<16x512xf32, #tpu.memory_space<vmem>>, vector<1x16xf32>,
          %get3A_1212 = vector.shape_cast %get3A_1211 : vector<1x16xf32> to vector<16xf32>
          %get3A_1213 = arith.constant 0 : i32
          %get3A_1214 = arith.constant 0 : i32
          %get3A_1215 = tpu.memref_slice %run_scoped3A_29[%rem3A_324, %get3A_1213, %get3A_1214] : memref<2x16x512xf32, #tpu.memory_space<vmem>> -> memref<1x16x512xf32, #tpu.memory_space<vmem>>
          %get3A_1216 = tpu.memref_squeeze %get3A_1215 : memref<1x16x512xf32, #tpu.memory_space<vmem>> -> memref<16x512xf32, #tpu.memory_space<vmem>>
          %get3A_1217 = arith.index_cast %scan3A_516 : i32 to index
          %get3A_1218 = arith.constant 352 : index
          %get3A_1219 = tpu.vector_load %get3A_1216[%get3A_1217, %get3A_1218] {strides = array<i32>} : memref<16x512xf32, #tpu.memory_space<vmem>>, vector<1x16xf32>,
          %get3A_1220 = vector.shape_cast %get3A_1219 : vector<1x16xf32> to vector<16xf32>
          %get3A_1221 = arith.constant 0 : i32
          %get3A_1222 = arith.constant 0 : i32
          %get3A_1223 = tpu.memref_slice %run_scoped3A_31[%rem3A_326, %get3A_1221, %get3A_1222] : memref<2x16x512xi32, #tpu.memory_space<vmem>> -> memref<1x16x512xi32, #tpu.memory_space<vmem>>
          %get3A_1224 = tpu.memref_squeeze %get3A_1223 : memref<1x16x512xi32, #tpu.memory_space<vmem>> -> memref<16x512xi32, #tpu.memory_space<vmem>>
          %get3A_1225 = arith.index_cast %scan3A_516 : i32 to index
          %get3A_1226 = arith.constant 352 : index
          %get3A_1227 = tpu.vector_load %get3A_1224[%get3A_1225, %get3A_1226] {strides = array<i32>} : memref<16x512xi32, #tpu.memory_space<vmem>>, vector<1x16xi32>,
          %get3A_1228 = vector.shape_cast %get3A_1227 : vector<1x16xi32> to vector<16xi32>
          %convert_element_type3A_1229 = arith.sitofp %get3A_1228 : vector<16xi32> to vector<16xf32>
          %sub3A_1230 = arith.subf %get3A_1212, %get3A_1220 : vector<16xf32>
          %mul3A_1231 = arith.mulf %sub3A_1230, %sub3A_1230 : vector<16xf32>
          %mul3A_1232 = arith.mulf %mul3A_1231, %convert_element_type3A_1229 : vector<16xf32>
          %add3A_1233 = arith.addf %add3A_1171, %mul3A_1232 : vector<16xf32>
          %add3A_1234 = arith.addf %add3A_1172, %mul3A_1231 : vector<16xf32>
          %add3A_1235 = arith.addf %add3A_1173, %convert_element_type3A_1229 : vector<16xf32>
          %get3A_1236 = arith.constant 0 : i32
          %get3A_1237 = arith.constant 0 : i32
          %get3A_1238 = tpu.memref_slice %run_scoped3A[%rem3A_322, %get3A_1236, %get3A_1237] : memref<2x16x512xf32, #tpu.memory_space<vmem>> -> memref<1x16x512xf32, #tpu.memory_space<vmem>>
          %get3A_1239 = tpu.memref_squeeze %get3A_1238 : memref<1x16x512xf32, #tpu.memory_space<vmem>> -> memref<16x512xf32, #tpu.memory_space<vmem>>
          %get3A_1240 = arith.index_cast %scan3A_516 : i32 to index
          %get3A_1241 = arith.constant 368 : index
          %get3A_1242 = tpu.vector_load %get3A_1239[%get3A_1240, %get3A_1241] {strides = array<i32>} : memref<16x512xf32, #tpu.memory_space<vmem>>, vector<1x16xf32>,
          %get3A_1243 = vector.shape_cast %get3A_1242 : vector<1x16xf32> to vector<16xf32>
          %get3A_1244 = arith.constant 0 : i32
          %get3A_1245 = arith.constant 0 : i32
          %get3A_1246 = tpu.memref_slice %run_scoped3A_29[%rem3A_324, %get3A_1244, %get3A_1245] : memref<2x16x512xf32, #tpu.memory_space<vmem>> -> memref<1x16x512xf32, #tpu.memory_space<vmem>>
          %get3A_1247 = tpu.memref_squeeze %get3A_1246 : memref<1x16x512xf32, #tpu.memory_space<vmem>> -> memref<16x512xf32, #tpu.memory_space<vmem>>
          %get3A_1248 = arith.index_cast %scan3A_516 : i32 to index
          %get3A_1249 = arith.constant 368 : index
          %get3A_1250 = tpu.vector_load %get3A_1247[%get3A_1248, %get3A_1249] {strides = array<i32>} : memref<16x512xf32, #tpu.memory_space<vmem>>, vector<1x16xf32>,
          %get3A_1251 = vector.shape_cast %get3A_1250 : vector<1x16xf32> to vector<16xf32>
          %get3A_1252 = arith.constant 0 : i32
          %get3A_1253 = arith.constant 0 : i32
          %get3A_1254 = tpu.memref_slice %run_scoped3A_31[%rem3A_326, %get3A_1252, %get3A_1253] : memref<2x16x512xi32, #tpu.memory_space<vmem>> -> memref<1x16x512xi32, #tpu.memory_space<vmem>>
          %get3A_1255 = tpu.memref_squeeze %get3A_1254 : memref<1x16x512xi32, #tpu.memory_space<vmem>> -> memref<16x512xi32, #tpu.memory_space<vmem>>
          %get3A_1256 = arith.index_cast %scan3A_516 : i32 to index
          %get3A_1257 = arith.constant 368 : index
          %get3A_1258 = tpu.vector_load %get3A_1255[%get3A_1256, %get3A_1257] {strides = array<i32>} : memref<16x512xi32, #tpu.memory_space<vmem>>, vector<1x16xi32>,
          %get3A_1259 = vector.shape_cast %get3A_1258 : vector<1x16xi32> to vector<16xi32>
          %convert_element_type3A_1260 = arith.sitofp %get3A_1259 : vector<16xi32> to vector<16xf32>
          %sub3A_1261 = arith.subf %get3A_1243, %get3A_1251 : vector<16xf32>
          %mul3A_1262 = arith.mulf %sub3A_1261, %sub3A_1261 : vector<16xf32>
          %mul3A_1263 = arith.mulf %mul3A_1262, %convert_element_type3A_1260 : vector<16xf32>
          %add3A_1264 = arith.addf %add3A_1202, %mul3A_1263 : vector<16xf32>
          %add3A_1265 = arith.addf %add3A_1203, %mul3A_1262 : vector<16xf32>
          %add3A_1266 = arith.addf %add3A_1204, %convert_element_type3A_1260 : vector<16xf32>
          %get3A_1267 = arith.constant 0 : i32
          %get3A_1268 = arith.constant 0 : i32
          %get3A_1269 = tpu.memref_slice %run_scoped3A[%rem3A_322, %get3A_1267, %get3A_1268] : memref<2x16x512xf32, #tpu.memory_space<vmem>> -> memref<1x16x512xf32, #tpu.memory_space<vmem>>
          %get3A_1270 = tpu.memref_squeeze %get3A_1269 : memref<1x16x512xf32, #tpu.memory_space<vmem>> -> memref<16x512xf32, #tpu.memory_space<vmem>>
          %get3A_1271 = arith.index_cast %scan3A_516 : i32 to index
          %get3A_1272 = arith.constant 384 : index
          %get3A_1273 = tpu.vector_load %get3A_1270[%get3A_1271, %get3A_1272] {strides = array<i32>} : memref<16x512xf32, #tpu.memory_space<vmem>>, vector<1x16xf32>,
          %get3A_1274 = vector.shape_cast %get3A_1273 : vector<1x16xf32> to vector<16xf32>
          %get3A_1275 = arith.constant 0 : i32
          %get3A_1276 = arith.constant 0 : i32
          %get3A_1277 = tpu.memref_slice %run_scoped3A_29[%rem3A_324, %get3A_1275, %get3A_1276] : memref<2x16x512xf32, #tpu.memory_space<vmem>> -> memref<1x16x512xf32, #tpu.memory_space<vmem>>
          %get3A_1278 = tpu.memref_squeeze %get3A_1277 : memref<1x16x512xf32, #tpu.memory_space<vmem>> -> memref<16x512xf32, #tpu.memory_space<vmem>>
          %get3A_1279 = arith.index_cast %scan3A_516 : i32 to index
          %get3A_1280 = arith.constant 384 : index
          %get3A_1281 = tpu.vector_load %get3A_1278[%get3A_1279, %get3A_1280] {strides = array<i32>} : memref<16x512xf32, #tpu.memory_space<vmem>>, vector<1x16xf32>,
          %get3A_1282 = vector.shape_cast %get3A_1281 : vector<1x16xf32> to vector<16xf32>
          %get3A_1283 = arith.constant 0 : i32
          %get3A_1284 = arith.constant 0 : i32
          %get3A_1285 = tpu.memref_slice %run_scoped3A_31[%rem3A_326, %get3A_1283, %get3A_1284] : memref<2x16x512xi32, #tpu.memory_space<vmem>> -> memref<1x16x512xi32, #tpu.memory_space<vmem>>
          %get3A_1286 = tpu.memref_squeeze %get3A_1285 : memref<1x16x512xi32, #tpu.memory_space<vmem>> -> memref<16x512xi32, #tpu.memory_space<vmem>>
          %get3A_1287 = arith.index_cast %scan3A_516 : i32 to index
          %get3A_1288 = arith.constant 384 : index
          %get3A_1289 = tpu.vector_load %get3A_1286[%get3A_1287, %get3A_1288] {strides = array<i32>} : memref<16x512xi32, #tpu.memory_space<vmem>>, vector<1x16xi32>,
          %get3A_1290 = vector.shape_cast %get3A_1289 : vector<1x16xi32> to vector<16xi32>
          %convert_element_type3A_1291 = arith.sitofp %get3A_1290 : vector<16xi32> to vector<16xf32>
          %sub3A_1292 = arith.subf %get3A_1274, %get3A_1282 : vector<16xf32>
          %mul3A_1293 = arith.mulf %sub3A_1292, %sub3A_1292 : vector<16xf32>
          %mul3A_1294 = arith.mulf %mul3A_1293, %convert_element_type3A_1291 : vector<16xf32>
          %add3A_1295 = arith.addf %add3A_1233, %mul3A_1294 : vector<16xf32>
          %add3A_1296 = arith.addf %add3A_1234, %mul3A_1293 : vector<16xf32>
          %add3A_1297 = arith.addf %add3A_1235, %convert_element_type3A_1291 : vector<16xf32>
          %get3A_1298 = arith.constant 0 : i32
          %get3A_1299 = arith.constant 0 : i32
          %get3A_1300 = tpu.memref_slice %run_scoped3A[%rem3A_322, %get3A_1298, %get3A_1299] : memref<2x16x512xf32, #tpu.memory_space<vmem>> -> memref<1x16x512xf32, #tpu.memory_space<vmem>>
          %get3A_1301 = tpu.memref_squeeze %get3A_1300 : memref<1x16x512xf32, #tpu.memory_space<vmem>> -> memref<16x512xf32, #tpu.memory_space<vmem>>
          %get3A_1302 = arith.index_cast %scan3A_516 : i32 to index
          %get3A_1303 = arith.constant 400 : index
          %get3A_1304 = tpu.vector_load %get3A_1301[%get3A_1302, %get3A_1303] {strides = array<i32>} : memref<16x512xf32, #tpu.memory_space<vmem>>, vector<1x16xf32>,
          %get3A_1305 = vector.shape_cast %get3A_1304 : vector<1x16xf32> to vector<16xf32>
          %get3A_1306 = arith.constant 0 : i32
          %get3A_1307 = arith.constant 0 : i32
          %get3A_1308 = tpu.memref_slice %run_scoped3A_29[%rem3A_324, %get3A_1306, %get3A_1307] : memref<2x16x512xf32, #tpu.memory_space<vmem>> -> memref<1x16x512xf32, #tpu.memory_space<vmem>>
          %get3A_1309 = tpu.memref_squeeze %get3A_1308 : memref<1x16x512xf32, #tpu.memory_space<vmem>> -> memref<16x512xf32, #tpu.memory_space<vmem>>
          %get3A_1310 = arith.index_cast %scan3A_516 : i32 to index
          %get3A_1311 = arith.constant 400 : index
          %get3A_1312 = tpu.vector_load %get3A_1309[%get3A_1310, %get3A_1311] {strides = array<i32>} : memref<16x512xf32, #tpu.memory_space<vmem>>, vector<1x16xf32>,
          %get3A_1313 = vector.shape_cast %get3A_1312 : vector<1x16xf32> to vector<16xf32>
          %get3A_1314 = arith.constant 0 : i32
          %get3A_1315 = arith.constant 0 : i32
          %get3A_1316 = tpu.memref_slice %run_scoped3A_31[%rem3A_326, %get3A_1314, %get3A_1315] : memref<2x16x512xi32, #tpu.memory_space<vmem>> -> memref<1x16x512xi32, #tpu.memory_space<vmem>>
          %get3A_1317 = tpu.memref_squeeze %get3A_1316 : memref<1x16x512xi32, #tpu.memory_space<vmem>> -> memref<16x512xi32, #tpu.memory_space<vmem>>
          %get3A_1318 = arith.index_cast %scan3A_516 : i32 to index
          %get3A_1319 = arith.constant 400 : index
          %get3A_1320 = tpu.vector_load %get3A_1317[%get3A_1318, %get3A_1319] {strides = array<i32>} : memref<16x512xi32, #tpu.memory_space<vmem>>, vector<1x16xi32>,
          %get3A_1321 = vector.shape_cast %get3A_1320 : vector<1x16xi32> to vector<16xi32>
          %convert_element_type3A_1322 = arith.sitofp %get3A_1321 : vector<16xi32> to vector<16xf32>
          %sub3A_1323 = arith.subf %get3A_1305, %get3A_1313 : vector<16xf32>
          %mul3A_1324 = arith.mulf %sub3A_1323, %sub3A_1323 : vector<16xf32>
          %mul3A_1325 = arith.mulf %mul3A_1324, %convert_element_type3A_1322 : vector<16xf32>
          %add3A_1326 = arith.addf %add3A_1264, %mul3A_1325 : vector<16xf32>
          %add3A_1327 = arith.addf %add3A_1265, %mul3A_1324 : vector<16xf32>
          %add3A_1328 = arith.addf %add3A_1266, %convert_element_type3A_1322 : vector<16xf32>
          %get3A_1329 = arith.constant 0 : i32
          %get3A_1330 = arith.constant 0 : i32
          %get3A_1331 = tpu.memref_slice %run_scoped3A[%rem3A_322, %get3A_1329, %get3A_1330] : memref<2x16x512xf32, #tpu.memory_space<vmem>> -> memref<1x16x512xf32, #tpu.memory_space<vmem>>
          %get3A_1332 = tpu.memref_squeeze %get3A_1331 : memref<1x16x512xf32, #tpu.memory_space<vmem>> -> memref<16x512xf32, #tpu.memory_space<vmem>>
          %get3A_1333 = arith.index_cast %scan3A_516 : i32 to index
          %get3A_1334 = arith.constant 416 : index
          %get3A_1335 = tpu.vector_load %get3A_1332[%get3A_1333, %get3A_1334] {strides = array<i32>} : memref<16x512xf32, #tpu.memory_space<vmem>>, vector<1x16xf32>,
          %get3A_1336 = vector.shape_cast %get3A_1335 : vector<1x16xf32> to vector<16xf32>
          %get3A_1337 = arith.constant 0 : i32
          %get3A_1338 = arith.constant 0 : i32
          %get3A_1339 = tpu.memref_slice %run_scoped3A_29[%rem3A_324, %get3A_1337, %get3A_1338] : memref<2x16x512xf32, #tpu.memory_space<vmem>> -> memref<1x16x512xf32, #tpu.memory_space<vmem>>
          %get3A_1340 = tpu.memref_squeeze %get3A_1339 : memref<1x16x512xf32, #tpu.memory_space<vmem>> -> memref<16x512xf32, #tpu.memory_space<vmem>>
          %get3A_1341 = arith.index_cast %scan3A_516 : i32 to index
          %get3A_1342 = arith.constant 416 : index
          %get3A_1343 = tpu.vector_load %get3A_1340[%get3A_1341, %get3A_1342] {strides = array<i32>} : memref<16x512xf32, #tpu.memory_space<vmem>>, vector<1x16xf32>,
          %get3A_1344 = vector.shape_cast %get3A_1343 : vector<1x16xf32> to vector<16xf32>
          %get3A_1345 = arith.constant 0 : i32
          %get3A_1346 = arith.constant 0 : i32
          %get3A_1347 = tpu.memref_slice %run_scoped3A_31[%rem3A_326, %get3A_1345, %get3A_1346] : memref<2x16x512xi32, #tpu.memory_space<vmem>> -> memref<1x16x512xi32, #tpu.memory_space<vmem>>
          %get3A_1348 = tpu.memref_squeeze %get3A_1347 : memref<1x16x512xi32, #tpu.memory_space<vmem>> -> memref<16x512xi32, #tpu.memory_space<vmem>>
          %get3A_1349 = arith.index_cast %scan3A_516 : i32 to index
          %get3A_1350 = arith.constant 416 : index
          %get3A_1351 = tpu.vector_load %get3A_1348[%get3A_1349, %get3A_1350] {strides = array<i32>} : memref<16x512xi32, #tpu.memory_space<vmem>>, vector<1x16xi32>,
          %get3A_1352 = vector.shape_cast %get3A_1351 : vector<1x16xi32> to vector<16xi32>
          %convert_element_type3A_1353 = arith.sitofp %get3A_1352 : vector<16xi32> to vector<16xf32>
          %sub3A_1354 = arith.subf %get3A_1336, %get3A_1344 : vector<16xf32>
          %mul3A_1355 = arith.mulf %sub3A_1354, %sub3A_1354 : vector<16xf32>
          %mul3A_1356 = arith.mulf %mul3A_1355, %convert_element_type3A_1353 : vector<16xf32>
          %add3A_1357 = arith.addf %add3A_1295, %mul3A_1356 : vector<16xf32>
          %add3A_1358 = arith.addf %add3A_1296, %mul3A_1355 : vector<16xf32>
          %add3A_1359 = arith.addf %add3A_1297, %convert_element_type3A_1353 : vector<16xf32>
          %get3A_1360 = arith.constant 0 : i32
          %get3A_1361 = arith.constant 0 : i32
          %get3A_1362 = tpu.memref_slice %run_scoped3A[%rem3A_322, %get3A_1360, %get3A_1361] : memref<2x16x512xf32, #tpu.memory_space<vmem>> -> memref<1x16x512xf32, #tpu.memory_space<vmem>>
          %get3A_1363 = tpu.memref_squeeze %get3A_1362 : memref<1x16x512xf32, #tpu.memory_space<vmem>> -> memref<16x512xf32, #tpu.memory_space<vmem>>
          %get3A_1364 = arith.index_cast %scan3A_516 : i32 to index
          %get3A_1365 = arith.constant 432 : index
          %get3A_1366 = tpu.vector_load %get3A_1363[%get3A_1364, %get3A_1365] {strides = array<i32>} : memref<16x512xf32, #tpu.memory_space<vmem>>, vector<1x16xf32>,
          %get3A_1367 = vector.shape_cast %get3A_1366 : vector<1x16xf32> to vector<16xf32>
          %get3A_1368 = arith.constant 0 : i32
          %get3A_1369 = arith.constant 0 : i32
          %get3A_1370 = tpu.memref_slice %run_scoped3A_29[%rem3A_324, %get3A_1368, %get3A_1369] : memref<2x16x512xf32, #tpu.memory_space<vmem>> -> memref<1x16x512xf32, #tpu.memory_space<vmem>>
          %get3A_1371 = tpu.memref_squeeze %get3A_1370 : memref<1x16x512xf32, #tpu.memory_space<vmem>> -> memref<16x512xf32, #tpu.memory_space<vmem>>
          %get3A_1372 = arith.index_cast %scan3A_516 : i32 to index
          %get3A_1373 = arith.constant 432 : index
          %get3A_1374 = tpu.vector_load %get3A_1371[%get3A_1372, %get3A_1373] {strides = array<i32>} : memref<16x512xf32, #tpu.memory_space<vmem>>, vector<1x16xf32>,
          %get3A_1375 = vector.shape_cast %get3A_1374 : vector<1x16xf32> to vector<16xf32>
          %get3A_1376 = arith.constant 0 : i32
          %get3A_1377 = arith.constant 0 : i32
          %get3A_1378 = tpu.memref_slice %run_scoped3A_31[%rem3A_326, %get3A_1376, %get3A_1377] : memref<2x16x512xi32, #tpu.memory_space<vmem>> -> memref<1x16x512xi32, #tpu.memory_space<vmem>>
          %get3A_1379 = tpu.memref_squeeze %get3A_1378 : memref<1x16x512xi32, #tpu.memory_space<vmem>> -> memref<16x512xi32, #tpu.memory_space<vmem>>
          %get3A_1380 = arith.index_cast %scan3A_516 : i32 to index
          %get3A_1381 = arith.constant 432 : index
          %get3A_1382 = tpu.vector_load %get3A_1379[%get3A_1380, %get3A_1381] {strides = array<i32>} : memref<16x512xi32, #tpu.memory_space<vmem>>, vector<1x16xi32>,
          %get3A_1383 = vector.shape_cast %get3A_1382 : vector<1x16xi32> to vector<16xi32>
          %convert_element_type3A_1384 = arith.sitofp %get3A_1383 : vector<16xi32> to vector<16xf32>
          %sub3A_1385 = arith.subf %get3A_1367, %get3A_1375 : vector<16xf32>
          %mul3A_1386 = arith.mulf %sub3A_1385, %sub3A_1385 : vector<16xf32>
          %mul3A_1387 = arith.mulf %mul3A_1386, %convert_element_type3A_1384 : vector<16xf32>
          %add3A_1388 = arith.addf %add3A_1326, %mul3A_1387 : vector<16xf32>
          %add3A_1389 = arith.addf %add3A_1327, %mul3A_1386 : vector<16xf32>
          %add3A_1390 = arith.addf %add3A_1328, %convert_element_type3A_1384 : vector<16xf32>
          %get3A_1391 = arith.constant 0 : i32
          %get3A_1392 = arith.constant 0 : i32
          %get3A_1393 = tpu.memref_slice %run_scoped3A[%rem3A_322, %get3A_1391, %get3A_1392] : memref<2x16x512xf32, #tpu.memory_space<vmem>> -> memref<1x16x512xf32, #tpu.memory_space<vmem>>
          %get3A_1394 = tpu.memref_squeeze %get3A_1393 : memref<1x16x512xf32, #tpu.memory_space<vmem>> -> memref<16x512xf32, #tpu.memory_space<vmem>>
          %get3A_1395 = arith.index_cast %scan3A_516 : i32 to index
          %get3A_1396 = arith.constant 448 : index
          %get3A_1397 = tpu.vector_load %get3A_1394[%get3A_1395, %get3A_1396] {strides = array<i32>} : memref<16x512xf32, #tpu.memory_space<vmem>>, vector<1x16xf32>,
          %get3A_1398 = vector.shape_cast %get3A_1397 : vector<1x16xf32> to vector<16xf32>
          %get3A_1399 = arith.constant 0 : i32
          %get3A_1400 = arith.constant 0 : i32
          %get3A_1401 = tpu.memref_slice %run_scoped3A_29[%rem3A_324, %get3A_1399, %get3A_1400] : memref<2x16x512xf32, #tpu.memory_space<vmem>> -> memref<1x16x512xf32, #tpu.memory_space<vmem>>
          %get3A_1402 = tpu.memref_squeeze %get3A_1401 : memref<1x16x512xf32, #tpu.memory_space<vmem>> -> memref<16x512xf32, #tpu.memory_space<vmem>>
          %get3A_1403 = arith.index_cast %scan3A_516 : i32 to index
          %get3A_1404 = arith.constant 448 : index
          %get3A_1405 = tpu.vector_load %get3A_1402[%get3A_1403, %get3A_1404] {strides = array<i32>} : memref<16x512xf32, #tpu.memory_space<vmem>>, vector<1x16xf32>,
          %get3A_1406 = vector.shape_cast %get3A_1405 : vector<1x16xf32> to vector<16xf32>
          %get3A_1407 = arith.constant 0 : i32
          %get3A_1408 = arith.constant 0 : i32
          %get3A_1409 = tpu.memref_slice %run_scoped3A_31[%rem3A_326, %get3A_1407, %get3A_1408] : memref<2x16x512xi32, #tpu.memory_space<vmem>> -> memref<1x16x512xi32, #tpu.memory_space<vmem>>
          %get3A_1410 = tpu.memref_squeeze %get3A_1409 : memref<1x16x512xi32, #tpu.memory_space<vmem>> -> memref<16x512xi32, #tpu.memory_space<vmem>>
          %get3A_1411 = arith.index_cast %scan3A_516 : i32 to index
          %get3A_1412 = arith.constant 448 : index
          %get3A_1413 = tpu.vector_load %get3A_1410[%get3A_1411, %get3A_1412] {strides = array<i32>} : memref<16x512xi32, #tpu.memory_space<vmem>>, vector<1x16xi32>,
          %get3A_1414 = vector.shape_cast %get3A_1413 : vector<1x16xi32> to vector<16xi32>
          %convert_element_type3A_1415 = arith.sitofp %get3A_1414 : vector<16xi32> to vector<16xf32>
          %sub3A_1416 = arith.subf %get3A_1398, %get3A_1406 : vector<16xf32>
          %mul3A_1417 = arith.mulf %sub3A_1416, %sub3A_1416 : vector<16xf32>
          %mul3A_1418 = arith.mulf %mul3A_1417, %convert_element_type3A_1415 : vector<16xf32>
          %add3A_1419 = arith.addf %add3A_1357, %mul3A_1418 : vector<16xf32>
          %add3A_1420 = arith.addf %add3A_1358, %mul3A_1417 : vector<16xf32>
          %add3A_1421 = arith.addf %add3A_1359, %convert_element_type3A_1415 : vector<16xf32>
          %get3A_1422 = arith.constant 0 : i32
          %get3A_1423 = arith.constant 0 : i32
          %get3A_1424 = tpu.memref_slice %run_scoped3A[%rem3A_322, %get3A_1422, %get3A_1423] : memref<2x16x512xf32, #tpu.memory_space<vmem>> -> memref<1x16x512xf32, #tpu.memory_space<vmem>>
          %get3A_1425 = tpu.memref_squeeze %get3A_1424 : memref<1x16x512xf32, #tpu.memory_space<vmem>> -> memref<16x512xf32, #tpu.memory_space<vmem>>
          %get3A_1426 = arith.index_cast %scan3A_516 : i32 to index
          %get3A_1427 = arith.constant 464 : index
          %get3A_1428 = tpu.vector_load %get3A_1425[%get3A_1426, %get3A_1427] {strides = array<i32>} : memref<16x512xf32, #tpu.memory_space<vmem>>, vector<1x16xf32>,
          %get3A_1429 = vector.shape_cast %get3A_1428 : vector<1x16xf32> to vector<16xf32>
          %get3A_1430 = arith.constant 0 : i32
          %get3A_1431 = arith.constant 0 : i32
          %get3A_1432 = tpu.memref_slice %run_scoped3A_29[%rem3A_324, %get3A_1430, %get3A_1431] : memref<2x16x512xf32, #tpu.memory_space<vmem>> -> memref<1x16x512xf32, #tpu.memory_space<vmem>>
          %get3A_1433 = tpu.memref_squeeze %get3A_1432 : memref<1x16x512xf32, #tpu.memory_space<vmem>> -> memref<16x512xf32, #tpu.memory_space<vmem>>
          %get3A_1434 = arith.index_cast %scan3A_516 : i32 to index
          %get3A_1435 = arith.constant 464 : index
          %get3A_1436 = tpu.vector_load %get3A_1433[%get3A_1434, %get3A_1435] {strides = array<i32>} : memref<16x512xf32, #tpu.memory_space<vmem>>, vector<1x16xf32>,
          %get3A_1437 = vector.shape_cast %get3A_1436 : vector<1x16xf32> to vector<16xf32>
          %get3A_1438 = arith.constant 0 : i32
          %get3A_1439 = arith.constant 0 : i32
          %get3A_1440 = tpu.memref_slice %run_scoped3A_31[%rem3A_326, %get3A_1438, %get3A_1439] : memref<2x16x512xi32, #tpu.memory_space<vmem>> -> memref<1x16x512xi32, #tpu.memory_space<vmem>>
          %get3A_1441 = tpu.memref_squeeze %get3A_1440 : memref<1x16x512xi32, #tpu.memory_space<vmem>> -> memref<16x512xi32, #tpu.memory_space<vmem>>
          %get3A_1442 = arith.index_cast %scan3A_516 : i32 to index
          %get3A_1443 = arith.constant 464 : index
          %get3A_1444 = tpu.vector_load %get3A_1441[%get3A_1442, %get3A_1443] {strides = array<i32>} : memref<16x512xi32, #tpu.memory_space<vmem>>, vector<1x16xi32>,
          %get3A_1445 = vector.shape_cast %get3A_1444 : vector<1x16xi32> to vector<16xi32>
          %convert_element_type3A_1446 = arith.sitofp %get3A_1445 : vector<16xi32> to vector<16xf32>
          %sub3A_1447 = arith.subf %get3A_1429, %get3A_1437 : vector<16xf32>
          %mul3A_1448 = arith.mulf %sub3A_1447, %sub3A_1447 : vector<16xf32>
          %mul3A_1449 = arith.mulf %mul3A_1448, %convert_element_type3A_1446 : vector<16xf32>
          %add3A_1450 = arith.addf %add3A_1388, %mul3A_1449 : vector<16xf32>
          %add3A_1451 = arith.addf %add3A_1389, %mul3A_1448 : vector<16xf32>
          %add3A_1452 = arith.addf %add3A_1390, %convert_element_type3A_1446 : vector<16xf32>
          %get3A_1453 = arith.constant 0 : i32
          %get3A_1454 = arith.constant 0 : i32
          %get3A_1455 = tpu.memref_slice %run_scoped3A[%rem3A_322, %get3A_1453, %get3A_1454] : memref<2x16x512xf32, #tpu.memory_space<vmem>> -> memref<1x16x512xf32, #tpu.memory_space<vmem>>
          %get3A_1456 = tpu.memref_squeeze %get3A_1455 : memref<1x16x512xf32, #tpu.memory_space<vmem>> -> memref<16x512xf32, #tpu.memory_space<vmem>>
          %get3A_1457 = arith.index_cast %scan3A_516 : i32 to index
          %get3A_1458 = arith.constant 480 : index
          %get3A_1459 = tpu.vector_load %get3A_1456[%get3A_1457, %get3A_1458] {strides = array<i32>} : memref<16x512xf32, #tpu.memory_space<vmem>>, vector<1x16xf32>,
          %get3A_1460 = vector.shape_cast %get3A_1459 : vector<1x16xf32> to vector<16xf32>
          %get3A_1461 = arith.constant 0 : i32
          %get3A_1462 = arith.constant 0 : i32
          %get3A_1463 = tpu.memref_slice %run_scoped3A_29[%rem3A_324, %get3A_1461, %get3A_1462] : memref<2x16x512xf32, #tpu.memory_space<vmem>> -> memref<1x16x512xf32, #tpu.memory_space<vmem>>
          %get3A_1464 = tpu.memref_squeeze %get3A_1463 : memref<1x16x512xf32, #tpu.memory_space<vmem>> -> memref<16x512xf32, #tpu.memory_space<vmem>>
          %get3A_1465 = arith.index_cast %scan3A_516 : i32 to index
          %get3A_1466 = arith.constant 480 : index
          %get3A_1467 = tpu.vector_load %get3A_1464[%get3A_1465, %get3A_1466] {strides = array<i32>} : memref<16x512xf32, #tpu.memory_space<vmem>>, vector<1x16xf32>,
          %get3A_1468 = vector.shape_cast %get3A_1467 : vector<1x16xf32> to vector<16xf32>
          %get3A_1469 = arith.constant 0 : i32
          %get3A_1470 = arith.constant 0 : i32
          %get3A_1471 = tpu.memref_slice %run_scoped3A_31[%rem3A_326, %get3A_1469, %get3A_1470] : memref<2x16x512xi32, #tpu.memory_space<vmem>> -> memref<1x16x512xi32, #tpu.memory_space<vmem>>
          %get3A_1472 = tpu.memref_squeeze %get3A_1471 : memref<1x16x512xi32, #tpu.memory_space<vmem>> -> memref<16x512xi32, #tpu.memory_space<vmem>>
          %get3A_1473 = arith.index_cast %scan3A_516 : i32 to index
          %get3A_1474 = arith.constant 480 : index
          %get3A_1475 = tpu.vector_load %get3A_1472[%get3A_1473, %get3A_1474] {strides = array<i32>} : memref<16x512xi32, #tpu.memory_space<vmem>>, vector<1x16xi32>,
          %get3A_1476 = vector.shape_cast %get3A_1475 : vector<1x16xi32> to vector<16xi32>
          %convert_element_type3A_1477 = arith.sitofp %get3A_1476 : vector<16xi32> to vector<16xf32>
          %sub3A_1478 = arith.subf %get3A_1460, %get3A_1468 : vector<16xf32>
          %mul3A_1479 = arith.mulf %sub3A_1478, %sub3A_1478 : vector<16xf32>
          %mul3A_1480 = arith.mulf %mul3A_1479, %convert_element_type3A_1477 : vector<16xf32>
          %add3A_1481 = arith.addf %add3A_1419, %mul3A_1480 : vector<16xf32>
          %add3A_1482 = arith.addf %add3A_1420, %mul3A_1479 : vector<16xf32>
          %add3A_1483 = arith.addf %add3A_1421, %convert_element_type3A_1477 : vector<16xf32>
          %get3A_1484 = arith.constant 0 : i32
          %get3A_1485 = arith.constant 0 : i32
          %get3A_1486 = tpu.memref_slice %run_scoped3A[%rem3A_322, %get3A_1484, %get3A_1485] : memref<2x16x512xf32, #tpu.memory_space<vmem>> -> memref<1x16x512xf32, #tpu.memory_space<vmem>>
          %get3A_1487 = tpu.memref_squeeze %get3A_1486 : memref<1x16x512xf32, #tpu.memory_space<vmem>> -> memref<16x512xf32, #tpu.memory_space<vmem>>
          %get3A_1488 = arith.index_cast %scan3A_516 : i32 to index
          %get3A_1489 = arith.constant 496 : index
          %get3A_1490 = tpu.vector_load %get3A_1487[%get3A_1488, %get3A_1489] {strides = array<i32>} : memref<16x512xf32, #tpu.memory_space<vmem>>, vector<1x16xf32>,
          %get3A_1491 = vector.shape_cast %get3A_1490 : vector<1x16xf32> to vector<16xf32>
          %get3A_1492 = arith.constant 0 : i32
          %get3A_1493 = arith.constant 0 : i32
          %get3A_1494 = tpu.memref_slice %run_scoped3A_29[%rem3A_324, %get3A_1492, %get3A_1493] : memref<2x16x512xf32, #tpu.memory_space<vmem>> -> memref<1x16x512xf32, #tpu.memory_space<vmem>>
          %get3A_1495 = tpu.memref_squeeze %get3A_1494 : memref<1x16x512xf32, #tpu.memory_space<vmem>> -> memref<16x512xf32, #tpu.memory_space<vmem>>
          %get3A_1496 = arith.index_cast %scan3A_516 : i32 to index
          %get3A_1497 = arith.constant 496 : index
          %get3A_1498 = tpu.vector_load %get3A_1495[%get3A_1496, %get3A_1497] {strides = array<i32>} : memref<16x512xf32, #tpu.memory_space<vmem>>, vector<1x16xf32>,
          %get3A_1499 = vector.shape_cast %get3A_1498 : vector<1x16xf32> to vector<16xf32>
          %get3A_1500 = arith.constant 0 : i32
          %get3A_1501 = arith.constant 0 : i32
          %get3A_1502 = tpu.memref_slice %run_scoped3A_31[%rem3A_326, %get3A_1500, %get3A_1501] : memref<2x16x512xi32, #tpu.memory_space<vmem>> -> memref<1x16x512xi32, #tpu.memory_space<vmem>>
          %get3A_1503 = tpu.memref_squeeze %get3A_1502 : memref<1x16x512xi32, #tpu.memory_space<vmem>> -> memref<16x512xi32, #tpu.memory_space<vmem>>
          %get3A_1504 = arith.index_cast %scan3A_516 : i32 to index
          %get3A_1505 = arith.constant 496 : index
          %get3A_1506 = tpu.vector_load %get3A_1503[%get3A_1504, %get3A_1505] {strides = array<i32>} : memref<16x512xi32, #tpu.memory_space<vmem>>, vector<1x16xi32>,
          %get3A_1507 = vector.shape_cast %get3A_1506 : vector<1x16xi32> to vector<16xi32>
          %convert_element_type3A_1508 = arith.sitofp %get3A_1507 : vector<16xi32> to vector<16xf32>
          %sub3A_1509 = arith.subf %get3A_1491, %get3A_1499 : vector<16xf32>
          %mul3A_1510 = arith.mulf %sub3A_1509, %sub3A_1509 : vector<16xf32>
          %mul3A_1511 = arith.mulf %mul3A_1510, %convert_element_type3A_1508 : vector<16xf32>
          %add3A_1512 = arith.addf %add3A_1450, %mul3A_1511 : vector<16xf32>
          %add3A_1513 = arith.addf %add3A_1451, %mul3A_1510 : vector<16xf32>
          %add3A_1514 = arith.addf %add3A_1452, %convert_element_type3A_1508 : vector<16xf32>
          scf.yield %add3A_1481, %add3A_1482, %add3A_1483, %add3A_1512, %add3A_1513, %add3A_1514 : vector<16xf32>, vector<16xf32>, vector<16xf32>, vector<16xf32>, vector<16xf32>, vector<16xf32>
        }
        %scan3A_334 = arith.constant 16 : i32
        %get3A = arith.constant 0 : i32
        %get3A_335 = arith.index_cast %get3A : i32 to index
        %get3A_336 = arith.constant 0 : index
        %get3A_337 = tpu.vector_load %arg6[%get3A_335, %get3A_336] {strides = array<i32>} : memref<3x16xf32, #tpu.memory_space<vmem>>, vector<1x16xf32>,
        %get3A_338 = vector.shape_cast %get3A_337 : vector<1x16xf32> to vector<16xf32>
        %add3A_339 = arith.addf %scan3A_333#0, %scan3A_333#3 : vector<16xf32>
        %add3A_340 = arith.addf %get3A_338, %add3A_339 : vector<16xf32>
        %swap3A_341 = arith.constant 0 : i32
        %swap3A_342 = arith.index_cast %swap3A_341 : i32 to index
        %swap3A_343 = arith.constant 0 : index
        %swap3A_344 = tpu.vector_load %arg6[%swap3A_342, %swap3A_343] {strides = array<i32>} : memref<3x16xf32, #tpu.memory_space<vmem>>, vector<1x16xf32>,
        %swap3A_345 = vector.shape_cast %swap3A_344 : vector<1x16xf32> to vector<16xf32>
        %swap3A_346 = vector.shape_cast %add3A_340 : vector<16xf32> to vector<1x16xf32>
        tpu.vector_store %arg6[%swap3A_342, %swap3A_343], %swap3A_346 {strides = array<i32>} : memref<3x16xf32, #tpu.memory_space<vmem>>, vector<1x16xf32>,
        %get3A_347 = arith.constant 1 : i32
        %get3A_348 = arith.index_cast %get3A_347 : i32 to index
        %get3A_349 = arith.constant 0 : index
        %get3A_350 = tpu.vector_load %arg6[%get3A_348, %get3A_349] {strides = array<i32>} : memref<3x16xf32, #tpu.memory_space<vmem>>, vector<1x16xf32>,
        %get3A_351 = vector.shape_cast %get3A_350 : vector<1x16xf32> to vector<16xf32>
        %add3A_352 = arith.addf %scan3A_333#1, %scan3A_333#4 : vector<16xf32>
        %add3A_353 = arith.addf %get3A_351, %add3A_352 : vector<16xf32>
        %swap3A_354 = arith.constant 1 : i32
        %swap3A_355 = arith.index_cast %swap3A_354 : i32 to index
        %swap3A_356 = arith.constant 0 : index
        %swap3A_357 = tpu.vector_load %arg6[%swap3A_355, %swap3A_356] {strides = array<i32>} : memref<3x16xf32, #tpu.memory_space<vmem>>, vector<1x16xf32>,
        %swap3A_358 = vector.shape_cast %swap3A_357 : vector<1x16xf32> to vector<16xf32>
        %swap3A_359 = vector.shape_cast %add3A_353 : vector<16xf32> to vector<1x16xf32>
        tpu.vector_store %arg6[%swap3A_355, %swap3A_356], %swap3A_359 {strides = array<i32>} : memref<3x16xf32, #tpu.memory_space<vmem>>, vector<1x16xf32>,
        %get3A_360 = arith.constant 2 : i32
        %get3A_361 = arith.index_cast %get3A_360 : i32 to index
        %get3A_362 = arith.constant 0 : index
        %get3A_363 = tpu.vector_load %arg6[%get3A_361, %get3A_362] {strides = array<i32>} : memref<3x16xf32, #tpu.memory_space<vmem>>, vector<1x16xf32>,
        %get3A_364 = vector.shape_cast %get3A_363 : vector<1x16xf32> to vector<16xf32>
        %add3A_365 = arith.addf %scan3A_333#2, %scan3A_333#5 : vector<16xf32>
        %add3A_366 = arith.addf %get3A_364, %add3A_365 : vector<16xf32>
        %swap3A_367 = arith.constant 2 : i32
        %swap3A_368 = arith.index_cast %swap3A_367 : i32 to index
        %swap3A_369 = arith.constant 0 : index
        %swap3A_370 = tpu.vector_load %arg6[%swap3A_368, %swap3A_369] {strides = array<i32>} : memref<3x16xf32, #tpu.memory_space<vmem>>, vector<1x16xf32>,
        %swap3A_371 = vector.shape_cast %swap3A_370 : vector<1x16xf32> to vector<16xf32>
        %swap3A_372 = vector.shape_cast %add3A_366 : vector<16xf32> to vector<1x16xf32>
        tpu.vector_store %arg6[%swap3A_368, %swap3A_369], %swap3A_372 {strides = array<i32>} : memref<3x16xf32, #tpu.memory_space<vmem>>, vector<1x16xf32>,
        "tpu.trace_stop"() : () -> ()
        %add3A_373 = arith.constant 3850 : i32
        %add3A_374 = arith.addi %add3A_373, %add3A_195 : i32
        %add3A_375 = arith.constant 3850 : i32
        %add3A_376 = arith.addi %add3A_375, %add3A_213 : i32
        %ne3A_377 = arith.cmpi ne, %add3A_374, %add3A_376 : i32
        %or3A_378 = arith.constant false
        %or3A_379 = arith.ori %or3A_378, %ne3A_377 : i1
        %or3A_380 = arith.constant false
        %or3A_381 = arith.ori %or3A_379, %or3A_380 : i1
        %or3A_382 = arith.ori %or3A_381, %eq3A_194 : i1
        %convert_element_type3A_383 = arith.extui %or3A_382 : i1 to i32
        %cond3A_384 = arith.constant 0 : i32
        %cond3A_385 = arith.cmpi ne, %convert_element_type3A_383, %cond3A_384 : i32
        scf.if %cond3A_385 {
        } else {
        }
        %and3A_386 = arith.constant false
        %and3A_387 = arith.andi %or3A_382, %and3A_386 : i1
        %add3A_388 = arith.constant 3850 : i32
        %add3A_389 = arith.addi %add3A_388, %add3A_195 : i32
        %add3A_390 = arith.constant 3850 : i32
        %add3A_391 = arith.addi %add3A_390, %add3A_213 : i32
        %ne3A_392 = arith.cmpi ne, %add3A_389, %add3A_391 : i32
        %or3A_393 = arith.constant false
        %or3A_394 = arith.ori %or3A_393, %ne3A_392 : i1
        %or3A_395 = arith.constant false
        %or3A_396 = arith.ori %or3A_394, %or3A_395 : i1
        %or3A_397 = arith.ori %or3A_396, %eq3A_194 : i1
        %convert_element_type3A_398 = arith.extui %or3A_397 : i1 to i32
        %cond3A_399 = arith.constant 0 : i32
        %cond3A_400 = arith.cmpi ne, %convert_element_type3A_398, %cond3A_399 : i32
        scf.if %cond3A_400 {
        } else {
        }
        %and3A_401 = arith.constant false
        %and3A_402 = arith.andi %or3A_397, %and3A_401 : i1
        %add3A_403 = arith.constant 3850 : i32
        %add3A_404 = arith.addi %add3A_403, %add3A_195 : i32
        %add3A_405 = arith.constant 3850 : i32
        %add3A_406 = arith.addi %add3A_405, %add3A_213 : i32
        %ne3A_407 = arith.cmpi ne, %add3A_404, %add3A_406 : i32
        %or3A_408 = arith.constant false
        %or3A_409 = arith.ori %or3A_408, %ne3A_407 : i1
        %or3A_410 = arith.constant false
        %or3A_411 = arith.ori %or3A_409, %or3A_410 : i1
        %or3A_412 = arith.ori %or3A_411, %eq3A_194 : i1
        %convert_element_type3A_413 = arith.extui %or3A_412 : i1 to i32
        %cond3A_414 = arith.constant 0 : i32
        %cond3A_415 = arith.cmpi ne, %convert_element_type3A_413, %cond3A_414 : i32
        scf.if %cond3A_415 {
        } else {
        }
        %and3A_416 = arith.constant false
        %and3A_417 = arith.andi %or3A_412, %and3A_416 : i1
        %add3A_418 = arith.constant 3850 : i32
        %add3A_419 = arith.addi %add3A_418, %add3A_195 : i32
        %add3A_420 = arith.constant 3850 : i32
        %add3A_421 = arith.addi %add3A_420, %add3A_204 : i32
        %ne3A_422 = arith.cmpi ne, %add3A_419, %add3A_421 : i32
        %or3A_423 = arith.constant false
        %or3A_424 = arith.ori %or3A_423, %ne3A_422 : i1
        %or3A_425 = arith.constant false
        %or3A_426 = arith.ori %or3A_424, %or3A_425 : i1
        %not3A_427 = arith.constant true
        %not3A_428 = arith.xori %eq3A_192, %not3A_427 : i1
        %and3A_429 = arith.andi %or3A_426, %not3A_428 : i1
        %convert_element_type3A_430 = arith.extui %and3A_429 : i1 to i32
        %cond3A_431 = arith.constant 0 : i32
        %cond3A_432 = arith.cmpi ne, %convert_element_type3A_430, %cond3A_431 : i32
        scf.if %cond3A_432 {
        } else {
        }
        %and3A_433 = arith.constant false
        %and3A_434 = arith.andi %and3A_429, %and3A_433 : i1
        %add3A_435 = arith.constant 3850 : i32
        %add3A_436 = arith.addi %add3A_435, %add3A_195 : i32
        %add3A_437 = arith.constant 3850 : i32
        %add3A_438 = arith.addi %add3A_437, %add3A_204 : i32
        %ne3A_439 = arith.cmpi ne, %add3A_436, %add3A_438 : i32
        %or3A_440 = arith.constant false
        %or3A_441 = arith.ori %or3A_440, %ne3A_439 : i1
        %or3A_442 = arith.constant false
        %or3A_443 = arith.ori %or3A_441, %or3A_442 : i1
        %not3A_444 = arith.constant true
        %not3A_445 = arith.xori %eq3A_192, %not3A_444 : i1
        %and3A_446 = arith.andi %or3A_443, %not3A_445 : i1
        %convert_element_type3A_447 = arith.extui %and3A_446 : i1 to i32
        %cond3A_448 = arith.constant 0 : i32
        %cond3A_449 = arith.cmpi ne, %convert_element_type3A_447, %cond3A_448 : i32
        scf.if %cond3A_449 {
        } else {
        }
        %and3A_450 = arith.constant false
        %and3A_451 = arith.andi %and3A_446, %and3A_450 : i1
        %add3A_452 = arith.constant 3850 : i32
        %add3A_453 = arith.addi %add3A_452, %add3A_195 : i32
        %add3A_454 = arith.constant 3850 : i32
        %add3A_455 = arith.addi %add3A_454, %add3A_204 : i32
        %ne3A_456 = arith.cmpi ne, %add3A_453, %add3A_455 : i32
        %or3A_457 = arith.constant false
        %or3A_458 = arith.ori %or3A_457, %ne3A_456 : i1
        %or3A_459 = arith.constant false
        %or3A_460 = arith.ori %or3A_458, %or3A_459 : i1
        %not3A_461 = arith.constant true
        %not3A_462 = arith.xori %eq3A_192, %not3A_461 : i1
        %and3A_463 = arith.andi %or3A_460, %not3A_462 : i1
        %convert_element_type3A_464 = arith.extui %and3A_463 : i1 to i32
        %cond3A_465 = arith.constant 0 : i32
        %cond3A_466 = arith.cmpi ne, %convert_element_type3A_464, %cond3A_465 : i32
        scf.if %cond3A_466 {
        } else {
        }
        %and3A_467 = arith.constant false
        %and3A_468 = arith.andi %and3A_463, %and3A_467 : i1
        %add3A_469 = arith.constant 3850 : i32
        %add3A_470 = arith.addi %add3A_469, %add3A_195 : i32
        %add3A_471 = arith.constant 3850 : i32
        %add3A_472 = arith.addi %add3A_471, %add3A_213 : i32
        %ne3A_473 = arith.cmpi ne, %add3A_470, %add3A_472 : i32
        %or3A_474 = arith.constant false
        %or3A_475 = arith.ori %or3A_474, %ne3A_473 : i1
        %or3A_476 = arith.constant false
        %or3A_477 = arith.ori %or3A_475, %or3A_476 : i1
        %or3A_478 = arith.ori %or3A_477, %eq3A_194 : i1
        %add3A_479 = arith.constant 1 : i32
        %add3A_480 = arith.addi %scan3A_185, %add3A_479 : i32
        %select_n3A_481 = arith.select %or3A_478, %add3A_480, %scan3A_185 : i32
        %add3A_482 = arith.constant 3850 : i32
        %add3A_483 = arith.addi %add3A_482, %add3A_195 : i32
        %add3A_484 = arith.constant 3850 : i32
        %add3A_485 = arith.addi %add3A_484, %add3A_213 : i32
        %ne3A_486 = arith.cmpi ne, %add3A_483, %add3A_485 : i32
        %or3A_487 = arith.constant false
        %or3A_488 = arith.ori %or3A_487, %ne3A_486 : i1
        %or3A_489 = arith.constant false
        %or3A_490 = arith.ori %or3A_488, %or3A_489 : i1
        %or3A_491 = arith.ori %or3A_490, %eq3A_194 : i1
        %add3A_492 = arith.constant 1 : i32
        %add3A_493 = arith.addi %scan3A_187, %add3A_492 : i32
        %select_n3A_494 = arith.select %or3A_491, %add3A_493, %scan3A_187 : i32
        %add3A_495 = arith.constant 3850 : i32
        %add3A_496 = arith.addi %add3A_495, %add3A_195 : i32
        %add3A_497 = arith.constant 3850 : i32
        %add3A_498 = arith.addi %add3A_497, %add3A_213 : i32
        %ne3A_499 = arith.cmpi ne, %add3A_496, %add3A_498 : i32
        %or3A_500 = arith.constant false
        %or3A_501 = arith.ori %or3A_500, %ne3A_499 : i1
        %or3A_502 = arith.constant false
        %or3A_503 = arith.ori %or3A_501, %or3A_502 : i1
        %or3A_504 = arith.ori %or3A_503, %eq3A_194 : i1
        %add3A_505 = arith.constant 1 : i32
        %add3A_506 = arith.addi %scan3A_189, %add3A_505 : i32
        %select_n3A_507 = arith.select %or3A_504, %add3A_506, %scan3A_189 : i32
        %add3A_508 = arith.constant 1 : i32
        %add3A_509 = arith.addi %scan3A_190, %add3A_508 : i32
        %select_n3A_510 = arith.constant true
        %select_n3A_511 = arith.select %select_n3A_510, %add3A_509, %scan3A_190 : i32
        %eq3A_512 = arith.constant 75 : i32
        %eq3A_513 = arith.cmpi eq, %select_n3A_511, %eq3A_512 : i32
        %select_n3A_514 = arith.constant 0 : i32
        %select_n3A_515 = arith.select %eq3A_513, %select_n3A_514, %select_n3A_511 : i32
        scf.yield %select_n3A_237, %select_n3A_481, %select_n3A_259, %select_n3A_494, %select_n3A_281, %select_n3A_507, %select_n3A_515 : i32, i32, i32, i32, i32, i32, i32
      }
      %scan3A_147 = arith.constant 75 : i32
      %sub3A = arith.constant 1 : i32
      %sub3A_148 = arith.subi %scan3A_146#6, %sub3A : i32
      %select_n3A_149 = arith.constant true
      %select_n3A_150 = arith.select %select_n3A_149, %sub3A_148, %scan3A_146#6 : i32
      %eq3A_151 = arith.constant -1 : i32
      %eq3A_152 = arith.cmpi eq, %select_n3A_150, %eq3A_151 : i32
      %select_n3A_153 = arith.constant 74 : i32
      %select_n3A_154 = arith.select %eq3A_152, %select_n3A_153, %select_n3A_150 : i32
      %add3A_155 = arith.addi %select_n3A_154, %mul3A_27 : i32
      %sub3A_156 = arith.constant 1 : i32
      %sub3A_157 = arith.subi %select_n3A_154, %sub3A_156 : i32
      %select_n3A_158 = arith.constant true
      %select_n3A_159 = arith.select %select_n3A_158, %sub3A_157, %select_n3A_154 : i32
      %eq3A_160 = arith.constant -1 : i32
      %eq3A_161 = arith.cmpi eq, %select_n3A_159, %eq3A_160 : i32
      %select_n3A_162 = arith.constant 74 : i32
      %select_n3A_163 = arith.select %eq3A_161, %select_n3A_162, %select_n3A_159 : i32
      %add3A_164 = arith.addi %select_n3A_163, %mul3A_27 : i32
      %add3A_165 = arith.constant 1 : i32
      %add3A_166 = arith.addi %select_n3A_154, %add3A_165 : i32
      %select_n3A_167 = arith.constant true
      %select_n3A_168 = arith.select %select_n3A_167, %add3A_166, %select_n3A_154 : i32
      %eq3A_169 = arith.constant 75 : i32
      %eq3A_170 = arith.cmpi eq, %select_n3A_168, %eq3A_169 : i32
      %select_n3A_171 = arith.constant 0 : i32
      %select_n3A_172 = arith.select %eq3A_170, %select_n3A_171, %select_n3A_168 : i32
      %add3A_173 = arith.addi %select_n3A_172, %mul3A_27 : i32
      %add3A_174 = arith.constant 1 : i32
      %add3A_175 = arith.addi %select_n3A_172, %add3A_174 : i32
      %select_n3A_176 = arith.constant true
      %select_n3A_177 = arith.select %select_n3A_176, %add3A_175, %select_n3A_172 : i32
      %eq3A_178 = arith.constant 75 : i32
      %eq3A_179 = arith.cmpi eq, %select_n3A_177, %eq3A_178 : i32
      %select_n3A_180 = arith.constant 0 : i32
      %select_n3A_181 = arith.select %eq3A_179, %select_n3A_180, %select_n3A_177 : i32
      %add3A_182 = arith.addi %select_n3A_181, %mul3A_27 : i32
      tpu.yield
    }) : () -> ()
    "tpu.region"() ({
      %run_scoped3A = tpu.sem_alloc : memref<!tpu.dma_semaphore, #tpu.memory_space<semaphore_mem>>
      %dma_start3A = arith.constant 0 : i32
      %dma_start3A_28 = arith.constant 0 : i32
      %dma_start3A_29 = tpu.memref_slice %arg5[%add3A, %dma_start3A, %dma_start3A_28] : memref<32x3x16xf32, #tpu.memory_space<hbm>> -> memref<1x3x16xf32, #tpu.memory_space<hbm>>
      %dma_start3A_30 = tpu.memref_squeeze %dma_start3A_29 : memref<1x3x16xf32, #tpu.memory_space<hbm>> -> memref<3x16xf32, #tpu.memory_space<hbm>>
      %dma_start3A_31 = arith.constant 0 : i32
      %dma_start3A_32 = arith.constant 0 : i32
      %dma_start3A_33 = tpu.memref_slice %arg5[%add3A, %dma_start3A_31, %dma_start3A_32] : memref<32x3x16xf32, #tpu.memory_space<hbm>> -> memref<1x3x16xf32, #tpu.memory_space<hbm>>
      %dma_start3A_34 = tpu.memref_squeeze %dma_start3A_33 : memref<1x3x16xf32, #tpu.memory_space<hbm>> -> memref<3x16xf32, #tpu.memory_space<hbm>>
      tpu.enqueue_dma source(%arg6 : memref<3x16xf32, #tpu.memory_space<vmem>>) target(%dma_start3A_34 : memref<3x16xf32, #tpu.memory_space<hbm>>) target_semaphore(%run_scoped3A : memref<!tpu.dma_semaphore, #tpu.memory_space<semaphore_mem>>)
      %dma_wait3A = arith.constant 0 : i32
      %dma_wait3A_35 = arith.constant 0 : i32
      %dma_wait3A_36 = tpu.memref_slice %arg5[%add3A, %dma_wait3A, %dma_wait3A_35] : memref<32x3x16xf32, #tpu.memory_space<hbm>> -> memref<1x3x16xf32, #tpu.memory_space<hbm>>
      %dma_wait3A_37 = tpu.memref_squeeze %dma_wait3A_36 : memref<1x3x16xf32, #tpu.memory_space<hbm>> -> memref<3x16xf32, #tpu.memory_space<hbm>>
      %dma_wait3A_38 = arith.constant 0 : i32
      %dma_wait3A_39 = arith.constant 0 : i32
      %dma_wait3A_40 = tpu.memref_slice %arg5[%add3A, %dma_wait3A_38, %dma_wait3A_39] : memref<32x3x16xf32, #tpu.memory_space<hbm>> -> memref<1x3x16xf32, #tpu.memory_space<hbm>>
      %dma_wait3A_41 = tpu.memref_squeeze %dma_wait3A_40 : memref<1x3x16xf32, #tpu.memory_space<hbm>> -> memref<3x16xf32, #tpu.memory_space<hbm>>
      tpu.wait_dma2 semaphore(%run_scoped3A : memref<!tpu.dma_semaphore, #tpu.memory_space<semaphore_mem>>) src(%arg6 : memref<3x16xf32, #tpu.memory_space<vmem>>) dst(%dma_wait3A_41 : memref<3x16xf32, #tpu.memory_space<hbm>>)
      tpu.yield
    }) : () -> ()
    return
  }
}

module attributes {stable_mosaic.version = 14 : i64} {
  func.func @_tc_body(%arg0: i32, %arg1: memref<2200x512xf32, #tpu.memory_space<vmem>>, %arg2: memref<2200x512xf32, #tpu.memory_space<vmem>>, %arg3: memref<2200x512xi32, #tpu.memory_space<vmem>>, %arg4: memref<1x3xf32, #tpu.memory_space<smem>>, %arg5: memref<3xf32, #tpu.memory_space<smem>>) attributes {dimension_semantics = [#tpu.dimension_semantics<arbitrary>], iteration_bounds = array<i64: 28>, scalar_prefetch = 0 : i64, scratch_operands = 1 : i64, tpu.core_type = #tpu.core_type<tc>, window_params = [{transform_indices = @transform_0, window_bounds = array<i64: 2200, 512>}, {transform_indices = @transform_1, window_bounds = array<i64: 2200, 512>}, {transform_indices = @transform_2, window_bounds = array<i64: 2200, 512>}, {transform_indices = @transform_3, window_bounds = array<i64: 1, 3>}]} {
    %get3A = arith.constant 0 : index
    %get3A_0 = arith.constant 0 : index
    %get3A_1 = vector.load %arg1[%get3A, %get3A_0] : memref<2200x512xf32, #tpu.memory_space<vmem>>, vector<2200x512xf32>
    %get3A_2 = arith.constant 0 : index
    %get3A_3 = arith.constant 0 : index
    %get3A_4 = vector.load %arg2[%get3A_2, %get3A_3] : memref<2200x512xf32, #tpu.memory_space<vmem>>, vector<2200x512xf32>
    %sub3A = arith.subf %get3A_1, %get3A_4 : vector<2200x512xf32>
    %mul3A = arith.mulf %sub3A, %sub3A : vector<2200x512xf32>
    %get3A_5 = arith.constant 0 : index
    %get3A_6 = arith.constant 0 : index
    %get3A_7 = vector.load %arg3[%get3A_5, %get3A_6] : memref<2200x512xi32, #tpu.memory_space<vmem>>, vector<2200x512xi32>
    %convert_element_type3A = arith.sitofp %get3A_7 : vector<2200x512xi32> to vector<2200x512xf32>
    %eq3A = arith.constant 0 : i32
    %eq3A_8 = arith.cmpi eq, %arg0, %eq3A : i32
    %convert_element_type3A_9 = arith.extui %eq3A_8 : i1 to i32
    %cond3A = arith.constant 0 : i32
    %cond3A_10 = arith.cmpi ne, %convert_element_type3A_9, %cond3A : i32
    scf.if %cond3A_10 {
      %swap3A_44 = arith.constant 0.000000e+00 : f32
      %swap3A_45 = arith.constant 0 : index
      %swap3A_46 = memref.load %arg5[%swap3A_45] : memref<3xf32, #tpu.memory_space<smem>>
      memref.store %swap3A_44, %arg5[%swap3A_45] : memref<3xf32, #tpu.memory_space<smem>>
      %swap3A_47 = arith.constant 0.000000e+00 : f32
      %swap3A_48 = arith.constant 1 : index
      %swap3A_49 = memref.load %arg5[%swap3A_48] : memref<3xf32, #tpu.memory_space<smem>>
      memref.store %swap3A_47, %arg5[%swap3A_48] : memref<3xf32, #tpu.memory_space<smem>>
      %swap3A_50 = arith.constant 0.000000e+00 : f32
      %swap3A_51 = arith.constant 2 : index
      %swap3A_52 = memref.load %arg5[%swap3A_51] : memref<3xf32, #tpu.memory_space<smem>>
      memref.store %swap3A_50, %arg5[%swap3A_51] : memref<3xf32, #tpu.memory_space<smem>>
    } else {
    }
    %get3A_11 = arith.constant 0 : index
    %get3A_12 = memref.load %arg5[%get3A_11] : memref<3xf32, #tpu.memory_space<smem>>
    %mul3A_13 = arith.mulf %mul3A, %convert_element_type3A : vector<2200x512xf32>
    %reduce_sum3A = vector.shape_cast %mul3A_13 : vector<2200x512xf32> to vector<1x2200x512xf32>
    %reduce_sum3A_14 = arith.constant dense<0.000000e+00> : vector<1xf32>
    %reduce_sum3A_15 = vector.multi_reduction <add>, %reduce_sum3A, %reduce_sum3A_14 [1, 2] : vector<1x2200x512xf32> to vector<1xf32>
    %reduce_sum3A_16 = vector.shape_cast %reduce_sum3A_15 : vector<1xf32> to vector<1x1x1xf32>
    %reduce_sum3A_17 = vector.extract %reduce_sum3A_16[0, 0, 0] : f32 from vector<1x1x1xf32>
    %add3A = arith.addf %get3A_12, %reduce_sum3A_17 : f32
    %swap3A = arith.constant 0 : index
    %swap3A_18 = memref.load %arg5[%swap3A] : memref<3xf32, #tpu.memory_space<smem>>
    memref.store %add3A, %arg5[%swap3A] : memref<3xf32, #tpu.memory_space<smem>>
    %get3A_19 = arith.constant 1 : index
    %get3A_20 = memref.load %arg5[%get3A_19] : memref<3xf32, #tpu.memory_space<smem>>
    %reduce_sum3A_21 = vector.shape_cast %mul3A : vector<2200x512xf32> to vector<1x2200x512xf32>
    %reduce_sum3A_22 = arith.constant dense<0.000000e+00> : vector<1xf32>
    %reduce_sum3A_23 = vector.multi_reduction <add>, %reduce_sum3A_21, %reduce_sum3A_22 [1, 2] : vector<1x2200x512xf32> to vector<1xf32>
    %reduce_sum3A_24 = vector.shape_cast %reduce_sum3A_23 : vector<1xf32> to vector<1x1x1xf32>
    %reduce_sum3A_25 = vector.extract %reduce_sum3A_24[0, 0, 0] : f32 from vector<1x1x1xf32>
    %add3A_26 = arith.addf %get3A_20, %reduce_sum3A_25 : f32
    %swap3A_27 = arith.constant 1 : index
    %swap3A_28 = memref.load %arg5[%swap3A_27] : memref<3xf32, #tpu.memory_space<smem>>
    memref.store %add3A_26, %arg5[%swap3A_27] : memref<3xf32, #tpu.memory_space<smem>>
    %get3A_29 = arith.constant 2 : index
    %get3A_30 = memref.load %arg5[%get3A_29] : memref<3xf32, #tpu.memory_space<smem>>
    %reduce_sum3A_31 = vector.shape_cast %convert_element_type3A : vector<2200x512xf32> to vector<1x2200x512xf32>
    %reduce_sum3A_32 = arith.constant dense<0.000000e+00> : vector<1xf32>
    %reduce_sum3A_33 = vector.multi_reduction <add>, %reduce_sum3A_31, %reduce_sum3A_32 [1, 2] : vector<1x2200x512xf32> to vector<1xf32>
    %reduce_sum3A_34 = vector.shape_cast %reduce_sum3A_33 : vector<1xf32> to vector<1x1x1xf32>
    %reduce_sum3A_35 = vector.extract %reduce_sum3A_34[0, 0, 0] : f32 from vector<1x1x1xf32>
    %add3A_36 = arith.addf %get3A_30, %reduce_sum3A_35 : f32
    %swap3A_37 = arith.constant 2 : index
    %swap3A_38 = memref.load %arg5[%swap3A_37] : memref<3xf32, #tpu.memory_space<smem>>
    memref.store %add3A_36, %arg5[%swap3A_37] : memref<3xf32, #tpu.memory_space<smem>>
    %eq3A_39 = arith.constant 27 : i32
    %eq3A_40 = arith.cmpi eq, %arg0, %eq3A_39 : i32
    %convert_element_type3A_41 = arith.extui %eq3A_40 : i1 to i32
    %cond3A_42 = arith.constant 0 : i32
    %cond3A_43 = arith.cmpi ne, %convert_element_type3A_41, %cond3A_42 : i32
    scf.if %cond3A_43 {
      %get3A_44 = arith.constant 0 : index
      %get3A_45 = memref.load %arg5[%get3A_44] : memref<3xf32, #tpu.memory_space<smem>>
      %swap3A_46 = arith.constant 0 : index
      %swap3A_47 = arith.constant 0 : index
      %swap3A_48 = memref.load %arg4[%swap3A_46, %swap3A_47] : memref<1x3xf32, #tpu.memory_space<smem>>
      memref.store %get3A_45, %arg4[%swap3A_46, %swap3A_47] : memref<1x3xf32, #tpu.memory_space<smem>>
      %get3A_49 = arith.constant 1 : index
      %get3A_50 = memref.load %arg5[%get3A_49] : memref<3xf32, #tpu.memory_space<smem>>
      %swap3A_51 = arith.constant 0 : index
      %swap3A_52 = arith.constant 1 : index
      %swap3A_53 = memref.load %arg4[%swap3A_51, %swap3A_52] : memref<1x3xf32, #tpu.memory_space<smem>>
      memref.store %get3A_50, %arg4[%swap3A_51, %swap3A_52] : memref<1x3xf32, #tpu.memory_space<smem>>
      %get3A_54 = arith.constant 2 : index
      %get3A_55 = memref.load %arg5[%get3A_54] : memref<3xf32, #tpu.memory_space<smem>>
      %swap3A_56 = arith.constant 0 : index
      %swap3A_57 = arith.constant 2 : index
      %swap3A_58 = memref.load %arg4[%swap3A_56, %swap3A_57] : memref<1x3xf32, #tpu.memory_space<smem>>
      memref.store %get3A_55, %arg4[%swap3A_56, %swap3A_57] : memref<1x3xf32, #tpu.memory_space<smem>>
    } else {
    }
    return
  }
  func.func @transform_0(%arg0: i32) -> (i32, i32) {
    %c0_i32 = arith.constant 0 : i32
    %c0_i32_0 = arith.constant 0 : i32
    return %arg0, %c0_i32 : i32, i32
  }
  func.func @transform_1(%arg0: i32) -> (i32, i32) {
    %c0_i32 = arith.constant 0 : i32
    %c0_i32_0 = arith.constant 0 : i32
    return %arg0, %c0_i32 : i32, i32
  }
  func.func @transform_2(%arg0: i32) -> (i32, i32) {
    %c0_i32 = arith.constant 0 : i32
    %c0_i32_0 = arith.constant 0 : i32
    return %arg0, %c0_i32 : i32, i32
  }
  func.func @transform_3(%arg0: i32) -> (i32, i32) {
    %c0_i32 = arith.constant 0 : i32
    %c0_i32_0 = arith.constant 0 : i32
    %c0_i32_1 = arith.constant 0 : i32
    return %c0_i32, %c0_i32_0 : i32, i32
  }
}

</mosaic_0001>

<sc_bundles>
// kernel: kernel.4.cloned.1.call-start
scs
__scs_entry_jumppad:
0x0: {  	(pc) =	sbr.rel $0x88, $3  }
0x1: {  	(tag) =	ssettag $0x0;
	lr =	simm.s32 $0x1  }
0x2: {  	[smem:$0x3F9E] =	sst lr;
	_ =	strace $0xD0000000  }
0x3: {  	_ = 	snop  }
0x4: {  	_ = 	snop  }
0x5: {  	_ = 	snop  }
0x6: {  	_ = 	snop  }
0x7: {  	_ = 	snop  }
__scs_overlays_trampoline_lowered:
0x8: {  	[smem:$0x3FAD] =	sst s0  }
0x9: {  	[smem:$0x3FAE] =	sst s1  }
0xa: {  	[smem:$0x3FAF] =	sst s2  }
0xb: {  	[smem:$0x3FB0] =	sst s3  }
0xc: {  	[smem:$0x3FB1] =	sst s4  }
0xd: {  	[smem:$0x3FB2] =	sst s5  }
0xe: {  	[smem:$0x3FB3] =	sst s6  }
0xf: {  	[smem:$0x3FB4] =	sst s7  }
0x10: {  	[smem:$0x3FB5] =	sst s8  }
0x11: {  	[smem:$0x3FB6] =	sst s9;
	s0 =	simm.s32 @!p0 $0x0  }
0x12: {  	s1 =	sld [smem:$0x3F9C];
	s0 =	simm.s32 @p0 $0x1  }
0x13: {  	[smem:$0x3FB7] =	sst s0;
	s0 =	simm.s32 @!p1 $0x0  }
0x14: {  	s2 =	sld [smem:$0x3F9B];
	s0 =	simm.s32 @p1 $0x1  }
0x15: {  	[smem:$0x3FB8] =	sst s0;
	s0 =	simm.s32 @!p2 $0x0  }
0x16: {  	s3 =	sld [smem:$0x3FDB];
	s0 =	simm.s32 @p2 $0x1  }
0x17: {  	s4 =	simm.s32 $0x1BF5;
	[smem:$0x3FBA] =	sst s0  }
0x18: {  	s0 =	sld [smem:$0x3F9D];
	_ =	swait.ge [sflag:s4], $0x0  }
0x19: {  	s7 =	sld [smem:$0x3F9E]  }
0x1a: {  	s8 =	sadd.s32 $0xFFFFE003, lr  }
0x1b: {  	s9 =	sadd.s32 $0xFFFFFEF7, lr;
	s5 =	simm.s32 $0xFFFFFFFF;
	p2 =	slt.u32 s8, $0xFFFFF086  }
0x1c: {  	p1 =	slt.u32 s9, $0xF7A;
	s5 =	simm.s32 @!p2 $0x0  }
0x1d: {  	s5 =	simm.s32 @p1 $0x1;
	p0 =	seq.s32 s7, s2  }
0x1e: {  	s7 =	smul.u32 @!p0 $0xF7A, s2;
	p2 =	seq.s32 @!p0 s5, $0x0  }
0x1f: {  	s9 =	smul.u32 $0xF7A, s1;
	s8 =	simm.s32 @!p0 $0x1BF5;
	p2 =	por !p2, p0  }
0x20: {  	[sflag:s8] =	ssyncset.s32 @!p0 $0xFFFFF086;
	s6 =	sadd.s32 @!p0 s3, s7;
	s7 =	simm.s32 @!p0 $0x108  }
0x21: {  	s3 =	sadd.s32 s3, s9;
	s6 =	sadd.s32 @!p0 $0x88, s6;
	s7 =	simm.s32 @p2 $0x1082  }
0x22: {  	[simem:s7], [sflag:s8] =	dma.local @!p0 [hbm:s6], $0xF7A  }
0x23: {  	s9 =	sor.u32 $0xD0000000, s2;
	s6 =	simm.s32 $0x108;
	_ =	swait.ge @!p0 [sflag:s8], $0x0  }
0x24: {  	s3 =	sadd.s32 $0x88, s3;
	s6 =	simm.s32 @!p1 $0x1082;
	[sflag:s4] =	ssyncset.s32 $0xFFFFF086  }
0x25: {  	[simem:s6], [sflag:s4] =	dma.local [hbm:s3], $0xF7A  }
0x26: {  	[smem:$0x3F9E] =	sst s1;
	(tag) =	ssettag s2;
	_ =	strace s9  }
0x27: {  	s1 =	sld [smem:$0x3FAE]  }
0x28: {  	s2 =	sld [smem:$0x3FAF]  }
0x29: {  	s4 =	sld [smem:$0x3FB1]  }
0x2a: {  	p0 =	seq.s32 s5, $0x0;
	s5 =	sld [smem:$0x3FB2]  }
0x2b: {  	s6 =	sld [smem:$0x3FB3]  }
0x2c: {  	s7 =	sld [smem:$0x3FB4]  }
0x2d: {  	s3 =	simm.s32 $0x108;
	s8 =	sld [smem:$0x3FB5]  }
0x2e: {  	s3 =	simm.s32 @!p0 $0x1082;
	s9 =	sld [smem:$0x3FB6]  }
0x2f: {  	lr =	sadd.s32 s0, s3;
	s0 =	sld [smem:$0x3FAD]  }
0x30: {  	s3 =	sld [smem:$0x3FB0]  }
0x31: {  	[smem:$0x3FB9] =	sst s10  }
0x32: {  	s10 =	sld [smem:$0x3FB7];
	_ =	sdelay $0x3  }
0x33: {  	p0 =	seq.s32 s10, $0x1;
	s10 =	sld [smem:$0x3FB9];
	_ =	sdelay $0x3  }
0x34: {  	[smem:$0x3FB9] =	sst s10  }
0x35: {  	s10 =	sld [smem:$0x3FB8];
	_ =	sdelay $0x3  }
0x36: {  	p1 =	seq.s32 s10, $0x1;
	s10 =	sld [smem:$0x3FB9];
	_ =	sdelay $0x3  }
0x37: {  	[smem:$0x3FB9] =	sst s10  }
0x38: {  	s10 =	sld [smem:$0x3FBA]  }
0x39: {  	_ = 	snop;
	(pc) =	sbr.ind lr, $3  }
0x3a: {  	_ = 	snop  }
0x3b: {  	_ = 	snop  }
0x3c: {  	p2 =	seq.s32 s10, $0x1;
	s10 =	sld [smem:$0x3FB9]  }
0x3d: {  	_ =	shalt  }
0x3e: {  	_ =	shalt  }
0x3f: {  	_ =	shalt  }
0x40: {  	_ =	shalt  }
0x41: {  	_ =	shalt  }
0x42: {  	_ =	shalt  }
0x43: {  	_ =	shalt  }
0x44: {  	_ =	shalt  }
0x45: {  	_ =	shalt  }
0x46: {  	_ =	shalt  }
0x47: {  	_ =	shalt  }
0x48: {  	_ =	shalt  }
0x49: {  	_ =	shalt  }
0x4a: {  	_ =	shalt  }
0x4b: {  	_ =	shalt  }
0x4c: {  	_ =	shalt  }
0x4d: {  	_ =	shalt  }
0x4e: {  	_ =	shalt  }
0x4f: {  	_ =	shalt  }
0x50: {  	_ =	shalt  }
0x51: {  	_ =	shalt  }
0x52: {  	_ =	shalt  }
0x53: {  	_ =	shalt  }
0x54: {  	_ =	shalt  }
0x55: {  	_ =	shalt  }
0x56: {  	_ =	shalt  }
0x57: {  	_ =	shalt  }
0x58: {  	_ =	shalt  }
0x59: {  	_ =	shalt  }
0x5a: {  	_ =	shalt  }
0x5b: {  	_ =	shalt  }
0x5c: {  	_ =	shalt  }
0x5d: {  	_ =	shalt  }
0x5e: {  	_ =	shalt  }
0x5f: {  	_ =	shalt  }
0x60: {  	_ =	shalt  }
0x61: {  	_ =	shalt  }
0x62: {  	_ =	shalt  }
0x63: {  	_ =	shalt  }
0x64: {  	_ =	shalt  }
0x65: {  	_ =	shalt  }
0x66: {  	_ =	shalt  }
0x67: {  	_ =	shalt  }
0x68: {  	_ =	shalt  }
0x69: {  	_ =	shalt  }
0x6a: {  	_ =	shalt  }
0x6b: {  	_ =	shalt  }
0x6c: {  	_ =	shalt  }
0x6d: {  	_ =	shalt  }
0x6e: {  	_ =	shalt  }
0x6f: {  	_ =	shalt  }
0x70: {  	_ =	shalt  }
0x71: {  	_ =	shalt  }
0x72: {  	_ =	shalt  }
0x73: {  	_ =	shalt  }
0x74: {  	_ =	shalt  }
0x75: {  	_ =	shalt  }
0x76: {  	_ =	shalt  }
0x77: {  	_ =	shalt  }
0x78: {  	_ =	shalt  }
0x79: {  	_ =	shalt  }
0x7a: {  	_ =	shalt  }
0x7b: {  	_ =	shalt  }
0x7c: {  	_ =	shalt  }
0x7d: {  	_ =	shalt  }
0x7e: {  	_ =	shalt  }
0x7f: {  	_ =	shalt  }
0x80: {  	_ =	shalt  }
0x81: {  	_ =	shalt  }
0x82: {  	_ =	shalt  }
0x83: {  	_ =	shalt  }
0x84: {  	_ =	shalt  }
0x85: {  	_ =	shalt  }
0x86: {  	_ =	shalt  }
0x87: {  	_ =	shalt  }
.Lfunc_end0:
.L_simem_size_0:
called_computation_lowered:
.L_overlay_start_0:
0x88: {  	s2 =	sld [smem:$0x3FD9]  }
0x89: {  	s3 =	sld [smem:$0x3FFE];
	_ =	sdelay $0x1  }
0x8a: {  	s1 =	srdreg.scid  }
0x8b: {  	s0 =	sand.u32 $0x1, s1  }
0x8c: {  	s17 =	sshll.u32 s0, $0xA;
	s2 =	sadd.s32 s3, s2  }
0x8d: {  	s2 =	sadd.s32 s2, s17  }
0x8e: {  	[smem:$0x3FC5] =	sst s2  }
0x8f: {  	_ = 	snop  }
0x90: {  	s2 =	sld [smem:$0x3FC9]  }
0x91: {  	s18 =	sld [smem:$0x3FC8]  }
0x92: {  	s4 =	sld [smem:$0x3FC7];
	(tm) =	ssettm $0x1  }
0x93: {  	s5 =	sld [smem:$0x3FFB];
	_ =	sdelay $0x3  }
0x94: {  	_ =	strace s5  }
0x95: {  	s5 =	sld [smem:$0x3FFC];
	_ =	sdelay $0x3  }
0x96: {  	_ =	strace s5  }
0x97: {  	s5 =	sld [smem:$0x3FFD];
	_ =	sdelay $0x3  }
0x98: {  	_ =	strace s5  }
0x99: {  	_ =	strace $0x8FFFFFFF  }
0x9a: {  	s19 =	sld [smem:$0x3FDB];
	_ =	sdelay $0x1  }
0x9b: {  	s6 =	simm.s32 $_scs_section_size  }
0x9c: {  	s7 =	simm.s32 $_size__tile_overlayer_lowered;
	s8 =	simm.s32 $_tile_overlayer_lowered  }
0x9d: {  	s22 =	simm.s32 $0x1BFF;
	s21 =	sshll.u32 s8, $0x1;
	s5 =	sadd.s32 s6, s19  }
0x9e: {  	s9 =	simm.s32 $0x0;
	s20 =	sshll.u32 s7, $0x1;
	s7 =	sadd.s32 s21, s5  }
0x9f: {  	[timem:s9], [sflag:s22] =	dma.local [hbm:s7], s20  }
0xa0: {  	_ =	swait.ge [sflag:s22], s20  }
0xa1: {  	s6 =	ssub.s32 $0x0, s20;
	[sflag:s22] =	ssyncset.done $0x0  }
0xa2: {  	[sflag:s22] =	ssyncadd.s32 s6;
	_ =	sdelay $0x1  }
0xa3: {  	s23 =	simm.s32 $0x1B8B  }
0xa4: {  	_ =	swait.ge [sflag:s23], $0x1  }
0xa5: {  	[sflag:s23] =	ssyncset.done $0x0  }
0xa6: {  	s25 =	simm.s32 $0x1B8E;
	s24 =	sld [smem:$0x3FFE];
	[sflag:s23] =	ssyncadd.s32 $0xFFFFFFFF  }
0xa7: {  	s26 =	simm.s32 $execute0_lowered;
	[smem:$0x3FD2] =	sst s25  }
0xa8: {  	s7 =	sshll.u32 s26, $0x1;
	_ =	strace $0x80000046;
	[dreg:$0x1] =	wrdreg $0xFFFFFFFF  }
0xa9: {  	s28 =	simm.s32 $_size_execute0_lowered;
	s5 =	sadd.s32 s5, s7;
	[dreg:$0x0] =	wrdreg $0x0  }
0xaa: {  	s7 =	sshll.u32 s28, $0x1;
	[dreg:$0x2] =	wrdreg s5  }
0xab: {  	[dreg:$0x3] =	wrdreg s7  }
0xac: {  	[dreg:$0x4] =	wrdreg $0xC0  }
0xad: {  	_ =	task [dreg:s9], $0x5FFFF  }
0xae: {  	[dreg:$0x1] =	wrdreg $0xFFFFFFFF  }
0xaf: {  	[dreg:$0x0] =	wrdreg $0x60  }
0xb0: {  	[dreg:$0x2] =	wrdreg s2  }
0xb1: {  	[dreg:$0x3] =	wrdreg s18  }
0xb2: {  	[dreg:$0x4] =	wrdreg s4  }
0xb3: {  	[dreg:$0x5] =	wrdreg s24  }
0xb4: {  	[dreg:$0x6] =	wrdreg $0x9  }
0xb5: {  	_ =	task.clear_ibuf [dreg:s9], $0x7FFFF;
	_ =	strace $0x90000046  }
0xb6: {  	s29 =	simm.s32 $0x9;
	_ =	strace $0x80000050  }
0xb7: {  	_ =	swait.ge [sflag:s29], $0x1  }
0xb8: {  	[sflag:s29] =	ssyncadd.s32 $0xFFFFFFFF  }
0xb9: {  	_ =	strace $0x90000050  }
0xba: {  	_ =	sfence  }
0xbb: {  	s30 =	sld [smem:$0x0];
	_ =	sdelay $0x2  }
0xbc: {  	s31 =	sshll.u32 s1, $0xD;
	s1 =	sshrl.u32 s1, $0x2  }
0xbd: {  	s3 =	sand.u32 $0x4000, s31;
	s1 =	sadd.s32 s1, s30  }
0xbe: {  	s0 =	sor.u32 s3, s0;
	s1 =	sshll.u32 s1, $0x11  }
0xbf: {  	s0 =	sor.u32 s1, s0  }
0xc0: {  	s0 =	sadd.s32 $0x8F2B, s0  }
0xc1: {  	[sflag:s0] =	ssyncadd.remote.s32 $0x1  }
0xc2: {  	_ =	sfence.sel $0xFFFF  }
0xc3: {  	[dreg:$0x0] =	wrdreg $0xFFFFFFFF;
	(pc) =	sbr.abs _section_cstart, $3  }
0xc4: {  	[dreg:$0x1] =	wrdreg $0xFFFFFFFF  }
0xc5: {  	_ =	task.clear_ibuf [dreg:s9], $0x2FFFF;
	_ =	strace $0x9FFFFFFF  }
0xc6: {  	(tm) =	ssettm $0x7FFFFFFF  }
0xc7: {  	_ =	shalt  }
tec
execute0_lowered:
.L_overlay_start_1:
0x0: {  	(tag) =	ssettag $0x1  }
0x1: {  	s1 =	srdreg.scid  }
0x2: {  	s0 =	rddreg [dreg:$0x0];
	s1 =	sand.u32 $0x1, s1  }
0x3: {  	s2 =	rddreg [dreg:$0x1];
	s5 =	stileid.u32;
	s3 =	sshll.u32 s1, $0x4  }
0x4: {  	s4 =	rddreg [dreg:$0x2];
	s3 =	sor.u32 s5, s3  }
0x5: {  	s10 =	rddreg [dreg:$0x3];
	s6 =	smul.u32 $0x96000, s3  }
0x6: {  	s15 =	simm.s32 $0x1;
	s16 =	simm.s32 $0x0;
	s1 =	ssub.s32 $0x2, s1  }
0x7: {  	s5 =	simm.s32 $0x0;
	s7 =	sshrl.u32 s1, $0x1;
	s6 =	sshrl.u32 s6, $0x3  }
0x8: {  	[smem:$0x7FF] =	sst s5;
	s1 =	ssub.s32 s1, s7;
	s8 =	sadd.s32 $0x3C2800, s6  }
0x9: {  	s9 =	smul.u32 $0x4B, s3;
	s3 =	sshll.u32 s3, $0x6;
	s6 =	sadd.s32 s0, s8  }
0xa: {  	_ =	strace $0x80000047;
	s30 =	sadd.s32 s2, s8;
	[dreg:$0x5] =	wrdreg s6  }
0xb: {  	s10 =	sadd.s32 s10, s3;
	s31 =	sadd.s32 s4, s8;
	[dreg:$0x6] =	wrdreg s30  }
0xc: {  	s11 =	smax.u32 s1, $0x1;
	s9 =	sadd.s32 $0xF0A, s9;
	[dreg:$0x7] =	wrdreg s31  }
.LBB2_1:
0xd: {  	v0 =	vimm.f32 $0.0e+00  }
0xe: {  	[tilespmem:$0x0] =	vst v0  }
0xf: {  	[tilespmem:$0x80] =	vst v0  }
0x10: {  	s3 =	simm.s32 $0x200;
	[tilespmem:$0x100] =	vst v0  }
0x11: {  	s29 =	simm.s32 $0x4200;
	s31 =	simm.s32 $0x8200;
	_ =	strace $0x80000048  }
0x12: {  	s25 =	simm.s32 $0x0;
	s17 =	simm.s32 $0x0;
	s1 =	rddreg [dreg:$0x5]  }
0x13: {  	[tilespmem:s3], [sflag:$0x1] =	stream.linear.gather [hbm4b:s1+s5], $0x2000, $0x200038;
	[tilespmem:$0xC200] =	vst v63  }
0x14: {  	s18 =	simm.s32 $0x1;
	s19 =	simm.s32 $0x0;
	s28 =	rddreg [dreg:$0x6]  }
0x15: {  	[tilespmem:s29], [sflag:$0x3] =	stream.linear.gather [hbm4b:s28+s5], $0x2000, $0x200038;
	[tilespmem:$0xC200] =	vst v63  }
0x16: {  	s20 =	simm.s32 $0x1;
	s21 =	simm.s32 $0x0;
	s30 =	rddreg [dreg:$0x7]  }
0x17: {  	[tilespmem:s31], [sflag:$0x5] =	stream.linear.gather [hbm4b:s30+s5], $0x2000, $0x200038;
	[tilespmem:$0xC200] =	vst v63  }
0x18: {  	s22 =	simm.s32 $0x1;
	s23 =	simm.s32 $0x0;
	_ =	strace $0x90000048  }
.LBB2_2:
0x19: {  	s24 =	sadd.s32 $0x1, s25  }
0x1a: {  	p0 =	seq.s32 s24, $0x4B  }
0x1b: {  	s24 =	simm.s32 @p0 $0x0;
	p0 =	seq.s32 s23, $0x4A  }
0x1c: {  	p2 =	seq.s32 @!p0 s25, s24  }
0x1d: {  	p1 =	por p2, p0  }
0x1e: {  	s1 =	sadd.s32 @!p1 s24, s9  }
0x1f: {  	s3 =	sand.u32 @!p1 $0x1, s22;
	_ =	strace @!p1 $0x80000049;
	s1 =	sshll.u32 @!p1 s1, $0xA  }
0x20: {  	s26 =	simm.s32 @!p1 $0x0;
	s12 =	sshll.u32 @!p1 s3, $0xD;
	s1 =	sand.u32 @!p1 $0x1FFFFC00, s1  }
0x21: {  	s3 =	sadd.s32 @!p1 $0x1, s3;
	s12 =	sor.u32 @!p1 $0x200, s12;
	s13 =	sadd.s32 @!p1 s0, s1  }
0x22: {  	[tilespmem:s12], [sflag:s3] =	stream.linear.gather @!p1 [hbm4b:s13+s26], $0x2000, $0x200038;
	[tilespmem:$0xC200] =	vst v63  }
0x23: {  	s3 =	sand.u32 @!p1 $0x1, s20  }
0x24: {  	s13 =	sadd.s32 @!p1 s2, s1;
	_ =	strace @!p1 $0x90000049;
	s12 =	sshll.u32 @!p1 s3, $0xD  }
0x25: {  	s3 =	sadd.s32 @!p1 $0x3, s3;
	_ =	strace @!p1 $0x8000004A;
	s12 =	sor.u32 @!p1 $0x4200, s12  }
0x26: {  	[tilespmem:s12], [sflag:s3] =	stream.linear.gather @!p1 [hbm4b:s13+s26], $0x2000, $0x200038;
	[tilespmem:$0xC200] =	vst v63  }
0x27: {  	s3 =	sand.u32 @!p1 $0x1, s18  }
0x28: {  	s1 =	sadd.s32 @!p1 s4, s1;
	_ =	strace @!p1 $0x9000004A;
	s12 =	sshll.u32 @!p1 s3, $0xD  }
0x29: {  	s3 =	sadd.s32 @!p1 $0x5, s3;
	_ =	strace @!p1 $0x8000004B;
	s12 =	sor.u32 @!p1 $0x8200, s12  }
0x2a: {  	[tilespmem:s12], [sflag:s3] =	stream.linear.gather @!p1 [hbm4b:s1+s26], $0x2000, $0x200038;
	[tilespmem:$0xC200] =	vst v63  }
0x2b: {  	s12 =	sand.u32 $0x1, s21;
	_ =	strace @!p1 $0x9000004B  }
0x2c: {  	s1 =	sadd.s32 $0x1, s12;
	_ =	strace $0x8000004C  }
0x2d: {  	_ =	swait.ge [sflag:s1], $0x2000  }
0x2e: {  	[sflag:s1] =	ssyncset.done $0x0  }
0x2f: {  	[sflag:s1] =	ssyncadd.s32 $0xFFFFE000  }
0x30: {  	s13 =	sand.u32 $0x1, s19;
	_ =	strace $0x9000004C  }
0x31: {  	s1 =	sadd.s32 $0x3, s13;
	_ =	strace $0x8000004D  }
0x32: {  	_ =	swait.ge [sflag:s1], $0x2000  }
0x33: {  	s14 =	sand.u32 $0x1, s17;
	s31 =	sshll.u32 s21, $0xD;
	[sflag:s1] =	ssyncset.done $0x0  }
0x34: {  	s6 =	sshll.u32 s19, $0xD;
	s26 =	sshll.u32 s17, $0xD;
	[sflag:s1] =	ssyncadd.s32 $0xFFFFE000  }
0x35: {  	s3 =	sand.u32 $0x2000, s26;
	s12 =	sand.u32 $0x2000, s31;
	_ =	strace $0x9000004D  }
0x36: {  	s3 =	sor.u32 $0x8200, s3;
	s1 =	sadd.s32 $0x5, s14;
	_ =	strace $0x8000004E  }
0x37: {  	s12 =	sor.u32 $0x200, s12;
	v3 =	vmov s3;
	s13 =	sand.u32 $0x2000, s6;
	_ =	swait.ge [sflag:s1], $0x2000  }
0x38: {  	v2 =	vmov s12;
	s7 =	sor.u32 $0x4200, s13;
	[sflag:s1] =	ssyncset.done $0x0  }
0x39: {  	s26 =	simm.s32 $0x0;
	v1 =	vmov s7;
	[sflag:s1] =	ssyncadd.s32 $0xFFFFE000  }
0x3a: {  	s8 =	sand.u32 $0x1000, s26;
	s12 =	sand.u32 $0x380, s26;
	_ =	strace $0x9000004E  }
0x3b: {  	s31 =	sor.u32 s12, s8;
	_ =	strace $0x8000004F  }
0x3c: {  	v4 =	vld.idx.msk [tilespmem:v3+s31+$0x0 ss:$0x1], $0xffff  }
0x3d: {  	v6 =	vld.idx.msk [tilespmem:v2+s31+$0x0 ss:$0x1], $0xffff  }
0x3e: {  	s1 =	sor.u32 $0xC60, s31;
	v7 =	vld.idx.msk [tilespmem:v1+s31+$0x0 ss:$0x1], $0xffff  }
0x3f: {  	s3 =	sor.u32 $0xC70, s31;
	v5 =	vld.idx.msk [tilespmem:v3+s1+$0x0 ss:$0x1], $0xffff  }
0x40: {  	s13 =	sor.u32 $0xC40, s31;
	v10 =	vld.idx.msk [tilespmem:v3+s3+$0x0 ss:$0x1], $0xffff  }
0x41: {  	s14 =	sor.u32 $0xC50, s31;
	v9 =	vld.idx.msk [tilespmem:v3+s13+$0x0 ss:$0x1], $0xffff  }
0x42: {  	v11 =	vld.idx.msk [tilespmem:v3+s14+$0x0 ss:$0x1], $0xffff  }
0x43: {  	v13 =	vld.idx.msk [tilespmem:v2+s1+$0x0 ss:$0x1], $0xffff  }
0x44: {  	v28 =	vld.idx.msk [tilespmem:v1+s1+$0x0 ss:$0x1], $0xffff  }
0x45: {  	v29 =	vld.idx.msk [tilespmem:v2+s3+$0x0 ss:$0x1], $0xffff  }
0x46: {  	s6 =	sor.u32 $0xC20, s31;
	v0 =	vld.idx.msk [tilespmem:v1+s3+$0x0 ss:$0x1], $0xffff  }
0x47: {  	s7 =	sor.u32 $0xC30, s31;
	v17 =	vld.idx.msk [tilespmem:v3+s6+$0x0 ss:$0x1], $0xffff  }
0x48: {  	v18 =	vld.idx.msk [tilespmem:v3+s7+$0x0 ss:$0x1], $0xffff  }
0x49: {  	v19 =	vld.idx.msk [tilespmem:v2+s13+$0x0 ss:$0x1], $0xffff  }
0x4a: {  	v20 =	vld.idx.msk [tilespmem:v1+s13+$0x0 ss:$0x1], $0xffff  }
0x4b: {  	v21 =	vld.idx.msk [tilespmem:v2+s14+$0x0 ss:$0x1], $0xffff  }
0x4c: {  	s8 =	sor.u32 $0xC00, s31;
	v22 =	vld.idx.msk [tilespmem:v1+s14+$0x0 ss:$0x1], $0xffff  }
0x4d: {  	v41 =	vld.idx.msk [tilespmem:v3+s8+$0x0 ss:$0x1], $0xffff  }
0x4e: {  	v8 =	vld.idx.msk [tilespmem:v2+s6+$0x0 ss:$0x1], $0xffff  }
0x4f: {  	v15 =	vld.idx.msk [tilespmem:v1+s6+$0x0 ss:$0x1], $0xffff  }
0x50: {  	v46 =	vld.idx.msk [tilespmem:v2+s7+$0x0 ss:$0x1], $0xffff  }
0x51: {  	v16 =	vld.idx.msk [tilespmem:v1+s7+$0x0 ss:$0x1], $0xffff  }
0x52: {  	v35 =	vld.idx.msk [tilespmem:v2+s8+$0x0 ss:$0x1], $0xffff  }
0x53: {  	s28 =	sor.u32 $0x800, s31;
	v36 =	vld.idx.msk [tilespmem:v1+s8+$0x0 ss:$0x1], $0xffff  }
0x54: {  	s12 =	sor.u32 $0x460, s31;
	v54 =	vld.idx.msk [tilespmem:v3+s28+$0x0 ss:$0x1], $0xffff  }
0x55: {  	v59 =	vld.idx.msk [tilespmem:v3+s12+$0x0 ss:$0x1], $0xffff  }
0x56: {  	s6 =	sor.u32 $0x860, s31;
	v58 =	vld.idx.msk [tilespmem:v2+s28+$0x0 ss:$0x1], $0xffff  }
0x57: {  	v14 =	vld.idx.msk [tilespmem:v3+s6+$0x0 ss:$0x1], $0xffff  }
0x58: {  	v43 =	vld.idx.msk [tilespmem:v2+s6+$0x0 ss:$0x1], $0xffff  }
0x59: {  	v44 =	vld.idx.msk [tilespmem:v1+s6+$0x0 ss:$0x1], $0xffff;
	s6 =	sor.u32 $0x820, s31  }
0x5a: {  	v12 =	vld.idx.msk [tilespmem:v2+s6+$0x0 ss:$0x1], $0xffff  }
0x5b: {  	s14 =	sor.u32 $0xC10, s31;
	v61 =	vld.idx.msk [tilespmem:v1+s28+$0x0 ss:$0x1], $0xffff  }
0x5c: {  	s7 =	sor.u32 $0x870, s31;
	v25 =	vld.idx.msk [tilespmem:v3+s14+$0x0 ss:$0x1], $0xffff  }
0x5d: {  	v34 =	vld.idx.msk [tilespmem:v3+s7+$0x0 ss:$0x1], $0xffff  }
0x5e: {  	v37 =	vld.idx.msk [tilespmem:v2+s14+$0x0 ss:$0x1], $0xffff  }
0x5f: {  	[tilespmem:$0x1FFA0] =	vst v12;
	v12 =	vld.idx.msk [tilespmem:v1+s6+$0x0 ss:$0x1], $0xffff  }
0x60: {  	s8 =	sor.u32 $0x840, s31;
	v38 =	vld.idx.msk [tilespmem:v1+s14+$0x0 ss:$0x1], $0xffff  }
0x61: {  	v39 =	vld.idx.msk [tilespmem:v3+s8+$0x0 ss:$0x1], $0xffff  }
0x62: {  	v45 =	vld.idx.msk [tilespmem:v2+s7+$0x0 ss:$0x1], $0xffff  }
0x63: {  	v47 =	vld.idx.msk [tilespmem:v1+s7+$0x0 ss:$0x1], $0xffff;
	s7 =	sor.u32 $0x830, s31  }
0x64: {  	[tilespmem:$0x1FFB0] =	vst v12;
	v12 =	vld.idx.msk [tilespmem:v2+s7+$0x0 ss:$0x1], $0xffff  }
0x65: {  	v50 =	vld.idx.msk [tilespmem:v2+s8+$0x0 ss:$0x1], $0xffff  }
0x66: {  	s13 =	sor.u32 $0x440, s31;
	v51 =	vld.idx.msk [tilespmem:v1+s8+$0x0 ss:$0x1], $0xffff  }
0x67: {  	s1 =	sor.u32 $0x450, s31;
	v62 =	vld.idx.msk [tilespmem:v3+s13+$0x0 ss:$0x1], $0xffff  }
0x68: {  	v63 =	vld.idx.msk [tilespmem:v3+s1+$0x0 ss:$0x1], $0xffff  }
0x69: {  	s28 =	sor.u32 $0x400, s31;
	[tilespmem:$0x1FFC0] =	vst v12;
	v12 =	vld.idx.msk [tilespmem:v1+s7+$0x0 ss:$0x1], $0xffff  }
0x6a: {  	s14 =	sor.u32 $0x850, s31;
	v32 =	vld.idx.msk [tilespmem:v3+s28+$0x0 ss:$0x1], $0xffff  }
0x6b: {  	v42 =	vld.idx.msk [tilespmem:v3+s14+$0x0 ss:$0x1], $0xffff;
	v27 =	vcvt.s32.f32 v4;
	v4 =	vcvt.s32.f32 v5  }
0x6c: {  	v48 =	vld.idx.msk [tilespmem:v3+s6+$0x0 ss:$0x1], $0xffff  }
0x6d: {  	s3 =	sor.u32 $0x470, s31;
	v49 =	vld.idx.msk [tilespmem:v3+s7+$0x0 ss:$0x1], $0xffff;
	[tilespmem:$0x1FEA0] =	vst v4  }
0x6e: {  	v4 =	vcvt.s32.f32 v10;
	[tilespmem:$0x1FFD0] =	vst v12;
	v12 =	vld.idx.msk [tilespmem:v3+s3+$0x0 ss:$0x1], $0xffff  }
0x6f: {  	v52 =	vld.idx.msk [tilespmem:v2+s14+$0x0 ss:$0x1], $0xffff;
	v0 =	vsub.f32 v29, v0  }
0x70: {  	v53 =	vld.idx.msk [tilespmem:v1+s14+$0x0 ss:$0x1], $0xffff;
	s14 =	sor.u32 $0x810, s31;
	[tilespmem:$0x1FEB0] =	vst v4;
	v4 =	vcvt.s32.f32 v9  }
0x71: {  	s8 =	sor.u32 $0x40, s31;
	v55 =	vld.idx.msk [tilespmem:v3+s14+$0x0 ss:$0x1], $0xffff;
	[tilespmem:$0x1FF00] =	vst v0  }
0x72: {  	v29 =	vld.idx.msk [tilespmem:v3+s8+$0x0 ss:$0x1], $0xffff;
	v5 =	vcvt.s32.f32 v34;
	[tilespmem:$0x1FEC0] =	vst v4  }
0x73: {  	v4 =	vcvt.s32.f32 v11;
	[tilespmem:$0x1FF90] =	vst v12;
	v12 =	vld.idx.msk [tilespmem:v2+s14+$0x0 ss:$0x1], $0xffff  }
0x74: {  	v60 =	vsub.f32 v43, v44;
	v44 =	vld.idx.msk [tilespmem:v2+s13+$0x0 ss:$0x1], $0xffff;
	s6 =	sor.u32 $0x20, s31;
	v0 =	vcvt.s32.f32 v18;
	[tilespmem:$0x1FF40] =	vst v5  }
0x75: {  	v30 =	vld.idx.msk [tilespmem:v3+s6+$0x0 ss:$0x1], $0xffff;
	[tilespmem:$0x1FED0] =	vst v4;
	v4 =	vcvt.s32.f32 v17  }
0x76: {  	v24 =	vld.idx.msk [tilespmem:v2+s6+$0x0 ss:$0x1], $0xffff;
	[tilespmem:$0x1FF10] =	vst v0  }
0x77: {  	v10 =	vld.idx.msk [tilespmem:v1+s6+$0x0 ss:$0x1], $0xffff;
	v5 =	vsub.f32 v46, v16;
	[tilespmem:$0x1FEE0] =	vst v4  }
0x78: {  	v4 =	vsub.f32 v13, v28;
	[tilespmem:$0x1FFE0] =	vst v12;
	v12 =	vld.idx.msk [tilespmem:v1+s14+$0x0 ss:$0x1], $0xffff  }
0x79: {  	v0 =	vsub.f32 v21, v22;
	[tilespmem:$0x1FF50] =	vst v5;
	v5 =	vsub.f32 v37, v38;
	v37 =	vld.idx.msk [tilespmem:v2+s28+$0x0 ss:$0x1], $0xffff  }
0x7a: {  	v38 =	vld.idx.msk [tilespmem:v1+s28+$0x0 ss:$0x1], $0xffff;
	[tilespmem:$0x1FEF0] =	vst v4;
	v4 =	vcvt.s32.f32 v25  }
0x7b: {  	[tilespmem:$0x1FF20] =	vst v0;
	v0 =	vld.idx.msk [tilespmem:v2+s8+$0x0 ss:$0x1], $0xffff  }
0x7c: {  	v23 =	vimm.f32 $0.0e+00;
	v32 =	vcvt.s32.f32 v32;
	v18 =	vcvt.s32.f32 v49;
	s7 =	sor.u32 $0x60, s31;
	[tilespmem:$0x1FF30] =	vst v4;
	v4 =	vld.idx.msk [tilespmem:v1+s8+$0x0 ss:$0x1], $0xffff  }
0x7d: {  	v46 =	vsub.f32 v35, v36;
	v22 =	vcvt.s32.f32 v39;
	v34 =	vld.idx.msk [tilespmem:v2+s7+$0x0 ss:$0x1], $0xffff;
	[tilespmem:$0x1FFF0] =	vst v12;
	v12 =	vsub.f32 v6, v7  }
0x7e: {  	v29 =	vcvt.s32.f32 v29;
	[tilespmem:$0x1FF60] =	vst v5;
	v5 =	vcvt.s32.f32 v42;
	v10 =	vsub.f32 v24, v10;
	v35 =	vld.idx.msk [tilespmem:v1+s7+$0x0 ss:$0x1], $0xffff  }
0x7f: {  	v40 =	vsub.f32 v45, v47;
	v17 =	vcvt.s32.f32 v48;
	v31 =	vld.idx.msk [tilespmem:v3+s7+$0x0 ss:$0x1], $0xffff;
	v12 =	vmul.f32 v12, v12  }
0x80: {  	v57 =	vsub.f32 v50, v51;
	v47 =	vld.idx.msk [tilespmem:v2+s12+$0x0 ss:$0x1], $0xffff;
	v30 =	vcvt.s32.f32 v30;
	v10 =	vmul.f32 v10, v10  }
0x81: {  	v45 =	vld.idx.msk [tilespmem:v2+s1+$0x0 ss:$0x1], $0xffff;
	v25 =	vcvt.s32.f32 v54;
	v0 =	vsub.f32 v0, v4;
	s14 =	sor.u32 $0x420, s31;
	v54 =	vmul.f32 v27, v12  }
0x82: {  	v24 =	vcvt.s32.f32 v55;
	v55 =	vmul.f32 v30, v10;
	v39 =	vld.idx.msk [tilespmem:v2+s14+$0x0 ss:$0x1], $0xffff;
	v12 =	vadd.f32 v12, v23  }
0x83: {  	v34 =	vsub.f32 v34, v35;
	v0 =	vmul.f32 v0, v0;
	v42 =	vld.idx.msk [tilespmem:v1+s14+$0x0 ss:$0x1], $0xffff;
	v43 =	vadd.f32 v54, v23  }
0x84: {  	v49 =	vld.idx.msk [tilespmem:v1+s1+$0x0 ss:$0x1], $0xffff;
	v50 =	vsub.f32 v37, v38;
	v31 =	vcvt.s32.f32 v31;
	v10 =	vadd.f32 v10, v12  }
0x85: {  	v48 =	vmul.f32 v34, v34;
	v56 =	vld.idx.msk [tilespmem:v3+s14+$0x0 ss:$0x1], $0xffff;
	v12 =	vmul.f32 v29, v0;
	v51 =	vadd.f32 v55, v43  }
0x86: {  	v36 =	vld.idx.msk [tilespmem:v1+s3+$0x0 ss:$0x1], $0xffff;
	v4 =	vimm.f32 $0.0e+00;
	v6 =	vsub.f32 v52, v53;
	v0 =	vadd.f32 v0, v10  }
0x87: {  	[tilespmem:$0x1FF80] =	vst v4;
	v4 =	vld [tilespmem:$0x1FF90];
	v52 =	vmul.f32 v50, v50;
	v10 =	vmul.f32 v31, v48;
	v12 =	vadd.f32 v12, v51  }
0x88: {  	v38 =	vld.idx.msk [tilespmem:v1+s12+$0x0 ss:$0x1], $0xffff;
	v39 =	vsub.f32 v39, v42;
	v0 =	vadd.f32 v48, v0  }
0x89: {  	[tilespmem:$0x1FF70] =	vst v5;
	v5 =	vld [tilespmem:$0x1FFB0];
	s12 =	sor.u32 $0x430, s31;
	v10 =	vadd.f32 v10, v12;
	v12 =	vmul.f32 v32, v52  }
0x8a: {  	v33 =	vld.idx.msk [tilespmem:v3+s12+$0x0 ss:$0x1], $0xffff;
	v34 =	vcvt.s32.f32 v56;
	v39 =	vmul.f32 v39, v39;
	v0 =	vadd.f32 v52, v0  }
0x8b: {  	v35 =	vld.idx.msk [tilespmem:v1+s13+$0x0 ss:$0x1], $0xffff;
	v10 =	vadd.f32 v12, v10  }
0x8c: {  	v12 =	vmul.f32 v34, v39;
	v0 =	vadd.f32 v39, v0;
	v39 =	vcvt.s32.f32 v4;
	v4 =	vld [tilespmem:$0x1FFA0]  }
0x8d: {  	s13 =	sor.u32 $0x410, s31;
	v53 =	vsub.f32 v47, v38;
	v50 =	vld.idx.msk [tilespmem:v2+s12+$0x0 ss:$0x1], $0xffff  }
0x8e: {  	v56 =	vld.idx.msk [tilespmem:v3+s13+$0x0 ss:$0x1], $0xffff  }
0x8f: {  	s1 =	sor.u32 $0x30, s31;
	v47 =	vmul.f32 v53, v53;
	v53 =	vld.idx.msk [tilespmem:v1+s13+$0x0 ss:$0x1], $0xffff  }
0x90: {  	v35 =	vsub.f32 v44, v35;
	v54 =	vld.idx.msk [tilespmem:v3+s1+$0x0 ss:$0x1], $0xffff  }
0x91: {  	v38 =	vcvt.s32.f32 v59;
	v59 =	vsub.f32 v4, v5;
	v4 =	vld [tilespmem:$0x1FFC0]  }
0x92: {  	v58 =	vsub.f32 v58, v61;
	v35 =	vmul.f32 v35, v35;
	v5 =	vld [tilespmem:$0x1FFD0]  }
0x93: {  	v19 =	vsub.f32 v19, v20;
	v37 =	vcvt.s32.f32 v62;
	v55 =	vld.idx.msk [tilespmem:v2+s3+$0x0 ss:$0x1], $0xffff;
	s3 =	sor.u32 $0x70, s31  }
0x94: {  	v26 =	vcvt.s32.f32 v41;
	v61 =	vmul.f32 v58, v58;
	v44 =	vld.idx.msk [tilespmem:v3+s3+$0x0 ss:$0x1], $0xffff;
	v0 =	vadd.f32 v35, v0  }
0x95: {  	v60 =	vmul.f32 v60, v60;
	v51 =	vld.idx.msk [tilespmem:v2+s13+$0x0 ss:$0x1], $0xffff;
	v10 =	vadd.f32 v12, v10;
	v12 =	vmul.f32 v37, v35  }
0x96: {  	v11 =	vcvt.s32.f32 v14;
	v62 =	vmul.f32 v38, v47;
	v35 =	vadd.f32 v47, v0;
	v0 =	vld [tilespmem:$0x1FFE0]  }
0x97: {  	v56 =	vcvt.s32.f32 v56;
	v10 =	vadd.f32 v12, v10;
	v42 =	vsub.f32 v4, v5;
	v4 =	vld [tilespmem:$0x1FFF0]  }
0x98: {  	p2 =	por !p2, p0;
	v41 =	vsub.f32 v8, v15;
	s28 =	simm.s32 $0x0;
	s14 =	sor.u32 $0x50, s31;
	v43 =	vcvt.s32.f32 v63;
	v48 =	vcvt.s32.f32 v33;
	v52 =	vld.idx.msk [tilespmem:v1+s12+$0x0 ss:$0x1], $0xffff  }
0x99: {  	s29 =	smov.u32 s22;
	s28 =	simm.s32 @p2 $0x1;
	v33 =	vimm.f32 $0.0e+00;
	s12 =	sadd.s32 @!p1 $0x1, s22;
	v12 =	vld.idx.msk [tilespmem:v3+s14+$0x0 ss:$0x1], $0xffff;
	v10 =	vadd.f32 v62, v10;
	v62 =	vmul.f32 v25, v61  }
0x9a: {  	s7 =	sadd.s32 @!p1 $0x1, s20;
	s22 =	smov.u32 @p2 s12;
	s12 =	sor.u32 $0x10, s31;
	v55 =	vsub.f32 v55, v36;
	v58 =	vmul.f32 v59, v59;
	v59 =	vmul.f32 v57, v57;
	v57 =	vld.idx.msk [tilespmem:v1+s14+$0x0 ss:$0x1], $0xffff  }
0x9b: {  	s30 =	smov.u32 s20;
	s28 =	simm.s32 @p0 $0x0;
	s20 =	smov.u32 @p2 s7;
	v36 =	vimm.f32 $0.0e+00;
	v61 =	vadd.f32 v61, v35;
	v62 =	vadd.f32 v62, v10;
	v10 =	vld.idx.msk [tilespmem:v3+s12+$0x0 ss:$0x1], $0xffff  }
0x9c: {  	v20 =	vmovc v27;
	s20 =	smov.u32 @p0 s30;
	s22 =	smov.u32 @p0 s29;
	s29 =	simm.s32 $0x200;
	v35 =	vimm.f32 $0.0e+00;
	v63 =	vmul.f32 v17, v58;
	v47 =	vsub.f32 v0, v4;
	v0 =	vld.idx.msk [tilespmem:v2+s14+$0x0 ss:$0x1], $0xffff  }
.LBB2_3:
0x9d: {  	v16 =	vld.idx.msk [tilespmem:v2+s12+$0x0 ss:$0x1], $0xffff;
	s26 =	sadd.s32 $0x80, s26  }
0x9e: {  	v62 =	vadd.f32 v63, v62;
	v63 =	vld.idx.msk [tilespmem:v1+s12+$0x0 ss:$0x1], $0xffff;
	s12 =	sand.u32 $0x1000, s29;
	s6 =	sand.u32 $0x380, s26  }
0x9f: {  	s30 =	sor.u32 s6, s12  }
0xa0: {  	v7 =	vld.idx.msk [tilespmem:v3+s30+$0x0 ss:$0x1], $0xffff;
	_ =	sdelay $0x4  }
0xa1: {  	[tilespmem:$0x1FE30] =	vst v7;
	v7 =	vld.idx.msk [tilespmem:v2+s30+$0x0 ss:$0x1], $0xffff;
	_ =	sdelay $0x4  }
0xa2: {  	[tilespmem:$0x1FE50] =	vst v7;
	v7 =	vld [tilespmem:$0x1FEF0];
	_ =	sdelay $0x4  }
0xa3: {  	v0 =	vsub.f32 v0, v57;
	v57 =	vmul.f32 v7, v7;
	v7 =	vld.idx.msk [tilespmem:v1+s30+$0x0 ss:$0x1], $0xffff;
	_ =	sdelay $0x1  }
0xa4: {  	v8 =	vld [tilespmem:$0x1FEE0];
	v58 =	vadd.f32 v58, v61;
	v61 =	vmul.f32 v22, v59  }
0xa5: {  	v4 =	vsub.f32 v45, v49;
	v49 =	vld.idx.msk [tilespmem:v2+s1+$0x0 ss:$0x1], $0xffff  }
0xa6: {  	v45 =	vmul.f32 v46, v46;
	v46 =	vadd.f32 v61, v62;
	v61 =	vld.idx.msk [tilespmem:v1+s1+$0x0 ss:$0x1], $0xffff;
	s1 =	sor.u32 $0xC60, s30  }
0xa7: {  	v58 =	vadd.f32 v59, v58;
	v59 =	vmul.f32 v11, v60;
	[tilespmem:$0x1FE60] =	vst v7;
	v7 =	vld.idx.msk [tilespmem:v3+s1+$0x0 ss:$0x1], $0xffff  }
0xa8: {  	v28 =	vld [tilespmem:$0x1FEC0];
	v62 =	vsub.f32 v50, v52;
	v50 =	vmul.f32 v41, v41;
	v5 =	vsub.f32 v51, v53  }
0xa9: {  	v52 =	vld.idx.msk [tilespmem:v2+s3+$0x0 ss:$0x1], $0xffff;
	v46 =	vadd.f32 v59, v46;
	v58 =	vadd.f32 v60, v58;
	v41 =	vmul.f32 v26, v45  }
0xaa: {  	v9 =	vmovc v26;
	v51 =	vmul.f32 v19, v19;
	v60 =	vcvt.s32.f32 v54;
	v26 =	vld [tilespmem:$0x1FEA0];
	v16 =	vsub.f32 v16, v63  }
0xab: {  	s6 =	sor.u32 $0xC40, s30;
	v54 =	vld.idx.msk [tilespmem:v1+s3+$0x0 ss:$0x1], $0xffff;
	v46 =	vadd.f32 v41, v46;
	v45 =	vadd.f32 v45, v58;
	v41 =	vmul.f32 v8, v50  }
0xac: {  	v58 =	vmul.f32 v16, v16;
	v16 =	vsub.f32 v49, v61;
	[tilespmem:$0x1FE40] =	vst v7;
	v7 =	vld.idx.msk [tilespmem:v3+s6+$0x0 ss:$0x1], $0xffff  }
0xad: {  	v12 =	vcvt.s32.f32 v12;
	v63 =	vmul.f32 v28, v51;
	v53 =	vadd.f32 v41, v46  }
0xae: {  	v10 =	vcvt.s32.f32 v10;
	v45 =	vadd.f32 v50, v45;
	v46 =	vmul.f32 v16, v16  }
0xaf: {  	v35 =	vadd.f32 v58, v35;
	v53 =	vadd.f32 v63, v53;
	v59 =	vmul.f32 v26, v57  }
0xb0: {  	v41 =	vmul.f32 v10, v58;
	v54 =	vsub.f32 v52, v54;
	v45 =	vadd.f32 v51, v45  }
0xb1: {  	v0 =	vmul.f32 v0, v0;
	v35 =	vadd.f32 v46, v35;
	[tilespmem:$0x1FE70] =	vst v7;
	v7 =	vadd.f32 v59, v53  }
0xb2: {  	v21 =	vld.idx.msk [tilespmem:v1+s1+$0x0 ss:$0x1], $0xffff;
	v10 =	vadd.f32 v10, v33;
	v27 =	vadd.f32 v41, v36;
	v41 =	vmul.f32 v54, v54  }
0xb3: {  	s12 =	sor.u32 $0xC10, s30;
	v54 =	vmul.f32 v12, v0;
	v0 =	vadd.f32 v0, v35;
	[tilespmem:$0x1FE80] =	vst v7;
	v7 =	vadd.f32 v57, v45  }
0xb4: {  	v19 =	vld.idx.msk [tilespmem:v2+s12+$0x0 ss:$0x1], $0xffff  }
0xb5: {  	s13 =	sor.u32 $0xC70, s30;
	v5 =	vmul.f32 v5, v5;
	v10 =	vadd.f32 v60, v10;
	v0 =	vadd.f32 v41, v0;
	[tilespmem:$0x1FE90] =	vst v7;
	v7 =	vld [tilespmem:$0x1FF80]  }
0xb6: {  	s7 =	sor.u32 $0xC50, s30;
	v44 =	vcvt.s32.f32 v44;
	v49 =	vld.idx.msk [tilespmem:v3+s13+$0x0 ss:$0x1], $0xffff;
	v61 =	vmul.f32 v60, v46  }
0xb7: {  	v50 =	vld.idx.msk [tilespmem:v3+s7+$0x0 ss:$0x1], $0xffff;
	v10 =	vadd.f32 v12, v10;
	v12 =	vmul.f32 v62, v62;
	v0 =	vadd.f32 v5, v0  }
0xb8: {  	v4 =	vmul.f32 v4, v4;
	v52 =	vld.idx.msk [tilespmem:v2+s1+$0x0 ss:$0x1], $0xffff;
	v27 =	vadd.f32 v61, v27  }
0xb9: {  	v58 =	vld.idx.msk [tilespmem:v2+s6+$0x0 ss:$0x1], $0xffff;
	v61 =	vmul.f32 v44, v41;
	v10 =	vadd.f32 v44, v10;
	v0 =	vadd.f32 v12, v0  }
0xba: {  	s31 =	sor.u32 $0xC30, s30;
	v51 =	vld.idx.msk [tilespmem:v2+s13+$0x0 ss:$0x1], $0xffff;
	v62 =	vmul.f32 v56, v5;
	v27 =	vadd.f32 v54, v27;
	v23 =	vadd.f32 v20, v7  }
0xbb: {  	s14 =	sor.u32 $0xC20, s30;
	v46 =	vld.idx.msk [tilespmem:v3+s31+$0x0 ss:$0x1], $0xffff;
	v5 =	vadd.f32 v56, v10;
	v10 =	vmul.f32 v55, v55;
	v0 =	vadd.f32 v4, v0  }
0xbc: {  	s8 =	sor.u32 $0xC00, s30;
	v63 =	vmul.f32 v48, v12;
	v41 =	vld.idx.msk [tilespmem:v1+s14+$0x0 ss:$0x1], $0xffff;
	v27 =	vadd.f32 v61, v27;
	v23 =	vadd.f32 v30, v23  }
0xbd: {  	v55 =	vld.idx.msk [tilespmem:v3+s8+$0x0 ss:$0x1], $0xffff;
	v5 =	vadd.f32 v48, v5;
	v12 =	vmul.f32 v47, v47;
	v0 =	vadd.f32 v10, v0  }
0xbe: {  	v36 =	vmul.f32 v43, v4;
	v27 =	vadd.f32 v62, v27;
	v47 =	vld.idx.msk [tilespmem:v2+s14+$0x0 ss:$0x1], $0xffff;
	v23 =	vadd.f32 v29, v23  }
0xbf: {  	s3 =	sor.u32 $0x450, s30;
	v4 =	vadd.f32 v43, v5;
	v5 =	vmul.f32 v42, v42;
	v43 =	vld.idx.msk [tilespmem:v2+s31+$0x0 ss:$0x1], $0xffff;
	v0 =	vadd.f32 v12, v0  }
0xc0: {  	v27 =	vadd.f32 v63, v27;
	v63 =	vld.idx.msk [tilespmem:v3+s3+$0x0 ss:$0x1], $0xffff;
	v23 =	vadd.f32 v31, v23  }
0xc1: {  	v48 =	vmul.f32 v18, v5;
	v0 =	vadd.f32 v5, v0;
	v5 =	vld [tilespmem:$0x1FF60]  }
0xc2: {  	v59 =	vld.idx.msk [tilespmem:v2+s7+$0x0 ss:$0x1], $0xffff;
	v23 =	vadd.f32 v32, v23  }
0xc3: {  	v57 =	vld.idx.msk [tilespmem:v3+s14+$0x0 ss:$0x1], $0xffff  }
0xc4: {  	v45 =	vld.idx.msk [tilespmem:v1+s6+$0x0 ss:$0x1], $0xffff;
	s14 =	sor.u32 $0x870, s30;
	v23 =	vadd.f32 v34, v23  }
0xc5: {  	v27 =	vadd.f32 v36, v27;
	v16 =	vld.idx.msk [tilespmem:v3+s14+$0x0 ss:$0x1], $0xffff  }
0xc6: {  	v4 =	vadd.f32 v39, v4;
	v7 =	vld [tilespmem:$0x1FF70];
	v23 =	vadd.f32 v37, v23;
	v37 =	vmul.f32 v39, v10  }
0xc7: {  	v20 =	vld.idx.msk [tilespmem:v1+s12+$0x0 ss:$0x1], $0xffff  }
0xc8: {  	v44 =	vmul.f32 v24, v12;
	v4 =	vadd.f32 v24, v4;
	v30 =	vld.idx.msk [tilespmem:v1+s13+$0x0 ss:$0x1], $0xffff;
	v27 =	vadd.f32 v37, v27  }
0xc9: {  	v29 =	vld.idx.msk [tilespmem:v1+s7+$0x0 ss:$0x1], $0xffff;
	s7 =	sor.u32 $0x60, s30  }
0xca: {  	v4 =	vadd.f32 v18, v4;
	v35 =	vld.idx.msk [tilespmem:v3+s7+$0x0 ss:$0x1], $0xffff;
	v10 =	vmul.f32 v6, v6;
	v27 =	vadd.f32 v44, v27  }
0xcb: {  	v31 =	vld.idx.msk [tilespmem:v3+s12+$0x0 ss:$0x1], $0xffff  }
0xcc: {  	v4 =	vadd.f32 v7, v4;
	s12 =	sor.u32 $0x820, s30;
	v24 =	vadd.f32 v48, v27;
	v27 =	vmul.f32 v7, v10;
	v7 =	vld [tilespmem:$0x1FF50]  }
0xcd: {  	v61 =	vld.idx.msk [tilespmem:v2+s12+$0x0 ss:$0x1], $0xffff  }
0xce: {  	v6 =	vld [tilespmem:$0x1FF40];
	v23 =	vadd.f32 v38, v23  }
0xcf: {  	v62 =	vld.idx.msk [tilespmem:v1+s12+$0x0 ss:$0x1], $0xffff  }
0xd0: {  	v32 =	vld.idx.msk [tilespmem:v2+s8+$0x0 ss:$0x1], $0xffff;
	v23 =	vadd.f32 v25, v23  }
0xd1: {  	s1 =	sor.u32 $0x460, s30;
	v12 =	vmul.f32 v40, v40;
	v0 =	vadd.f32 v10, v0;
	v10 =	vmul.f32 v7, v7;
	v7 =	vld [tilespmem:$0x1FF30]  }
0xd2: {  	v29 =	vsub.f32 v59, v29;
	v59 =	vld.idx.msk [tilespmem:v1+s1+$0x0 ss:$0x1], $0xffff;
	v23 =	vadd.f32 v17, v23  }
0xd3: {  	v5 =	vmul.f32 v5, v5;
	v37 =	vld.idx.msk [tilespmem:v1+s31+$0x0 ss:$0x1], $0xffff;
	v0 =	vadd.f32 v12, v0;
	v4 =	vadd.f32 v6, v4  }
0xd4: {  	s13 =	sor.u32 $0x860, s30;
	v18 =	vadd.f32 v22, v23;
	v23 =	vadd.f32 v27, v24;
	v24 =	vmul.f32 v6, v12;
	v6 =	vld [tilespmem:$0x1FF20]  }
0xd5: {  	v16 =	vcvt.s32.f32 v16;
	v34 =	vld.idx.msk [tilespmem:v3+s13+$0x0 ss:$0x1], $0xffff;
	v0 =	vadd.f32 v5, v0  }
0xd6: {  	v15 =	vadd.f32 v11, v18;
	v18 =	vadd.f32 v24, v23;
	v23 =	vmul.f32 v7, v5;
	v5 =	vld [tilespmem:$0x1FF00]  }
0xd7: {  	v25 =	vld.idx.msk [tilespmem:v1+s8+$0x0 ss:$0x1], $0xffff  }
0xd8: {  	[tilespmem:$0x1FF40] =	vst v16;
	s31 =	sor.u32 $0x840, s30;
	v44 =	vld.idx.msk [tilespmem:v2+s13+$0x0 ss:$0x1], $0xffff  }
0xd9: {  	v17 =	vld.idx.msk [tilespmem:v3+s31+$0x0 ss:$0x1], $0xffff;
	v16 =	vsub.f32 v43, v37;
	v12 =	vmul.f32 v6, v6;
	v0 =	vadd.f32 v10, v0  }
0xda: {  	v22 =	vld.idx.msk [tilespmem:v3+s1+$0x0 ss:$0x1], $0xffff  }
0xdb: {  	s8 =	sor.u32 $0x850, s30;
	[tilespmem:$0x1FF50] =	vst v16;
	v16 =	vld.idx.msk [tilespmem:v1+s7+$0x0 ss:$0x1], $0xffff;
	v0 =	vadd.f32 v12, v0;
	v5 =	vmul.f32 v5, v5  }
0xdc: {  	v31 =	vcvt.s32.f32 v31;
	v24 =	vld.idx.msk [tilespmem:v3+s8+$0x0 ss:$0x1], $0xffff  }
0xdd: {  	v38 =	vadd.f32 v5, v0;
	v0 =	vld [tilespmem:$0x1FE30]  }
0xde: {  	[tilespmem:$0x1FF30] =	vst v31;
	v31 =	vld.idx.msk [tilespmem:v2+s7+$0x0 ss:$0x1], $0xffff  }
0xdf: {  	v13 =	vadd.f32 v9, v15;
	v9 =	vld.idx.msk [tilespmem:v1+s14+$0x0 ss:$0x1], $0xffff  }
0xe0: {  	v6 =	vld.idx.msk [tilespmem:v1+s13+$0x0 ss:$0x1], $0xffff  }
0xe1: {  	v14 =	vadd.f32 v23, v18;
	v18 =	vld [tilespmem:$0x1FF10]  }
0xe2: {  	s13 =	sor.u32 $0x830, s30;
	v40 =	vcvt.s32.f32 v0;
	v0 =	vld [tilespmem:$0x1FE40]  }
0xe3: {  	v8 =	vadd.f32 v8, v13;
	v54 =	vld.idx.msk [tilespmem:v2+s13+$0x0 ss:$0x1], $0xffff  }
0xe4: {  	v48 =	vld.idx.msk [tilespmem:v1+s13+$0x0 ss:$0x1], $0xffff  }
0xe5: {  	s6 =	sor.u32 $0x400, s30;
	v4 =	vadd.f32 v7, v4;
	v7 =	vld.idx.msk [tilespmem:v2+s14+$0x0 ss:$0x1], $0xffff;
	v8 =	vadd.f32 v28, v8  }
0xe6: {  	s14 =	sor.u32 $0x800, s30;
	v28 =	vld.idx.msk [tilespmem:v3+s6+$0x0 ss:$0x1], $0xffff;
	v15 =	vmul.f32 v18, v10  }
0xe7: {  	v53 =	vld.idx.msk [tilespmem:v2+s14+$0x0 ss:$0x1], $0xffff;
	v8 =	vadd.f32 v26, v8;
	v26 =	vcvt.s32.f32 v0  }
0xe8: {  	v11 =	vadd.f32 v15, v14;
	v14 =	vld [tilespmem:$0x1FED0]  }
0xe9: {  	v15 =	vld [tilespmem:$0x1FEB0];
	[tilespmem:$0x1FEA0] =	vst v26;
	v26 =	vcvt.s32.f32 v49  }
0xea: {  	v0 =	vld [tilespmem:$0x1FE50]  }
0xeb: {  	[tilespmem:$0x1FEB0] =	vst v26;
	v26 =	vld [tilespmem:$0x1FE60]  }
0xec: {  	v23 =	vld.idx.msk [tilespmem:v3+s12+$0x0 ss:$0x1], $0xffff  }
0xed: {  	s12 =	sor.u32 $0x440, s30;
	[tilespmem:$0x1FF80] =	vst v8;
	v8 =	vld.idx.msk [tilespmem:v1+s31+$0x0 ss:$0x1], $0xffff;
	v4 =	vadd.f32 v18, v4  }
0xee: {  	v18 =	vld.idx.msk [tilespmem:v3+s12+$0x0 ss:$0x1], $0xffff  }
0xef: {  	v13 =	vmul.f32 v14, v12;
	v4 =	vadd.f32 v14, v4;
	v14 =	vld.idx.msk [tilespmem:v2+s31+$0x0 ss:$0x1], $0xffff  }
0xf0: {  	v49 =	vsub.f32 v0, v26;
	v26 =	vld [tilespmem:$0x1FE70]  }
0xf1: {  	s31 =	sor.u32 $0x470, s30;
	v12 =	vld.idx.msk [tilespmem:v1+s14+$0x0 ss:$0x1], $0xffff  }
0xf2: {  	v39 =	vld.idx.msk [tilespmem:v3+s31+$0x0 ss:$0x1], $0xffff  }
0xf3: {  	v10 =	vadd.f32 v13, v11;
	v13 =	vld.idx.msk [tilespmem:v3+s13+$0x0 ss:$0x1], $0xffff  }
0xf4: {  	v11 =	vmul.f32 v15, v5;
	v5 =	vld.idx.msk [tilespmem:v1+s8+$0x0 ss:$0x1], $0xffff;
	s13 =	sor.u32 $0x420, s30  }
0xf5: {  	v33 =	vld.idx.msk [tilespmem:v3+s13+$0x0 ss:$0x1], $0xffff;
	v26 =	vcvt.s32.f32 v26  }
0xf6: {  	v42 =	vadd.f32 v11, v10;
	v10 =	vadd.f32 v15, v4;
	v4 =	vld.idx.msk [tilespmem:v2+s8+$0x0 ss:$0x1], $0xffff  }
0xf7: {  	v11 =	vld.idx.msk [tilespmem:v3+s14+$0x0 ss:$0x1], $0xffff;
	s8 =	sor.u32 $0x810, s30;
	[tilespmem:$0x1FEC0] =	vst v26;
	v26 =	vcvt.s32.f32 v50  }
0xf8: {  	v15 =	vld.idx.msk [tilespmem:v3+s8+$0x0 ss:$0x1], $0xffff  }
0xf9: {  	s14 =	sor.u32 $0x40, s30;
	v56 =	vld.idx.msk [tilespmem:v2+s8+$0x0 ss:$0x1], $0xffff;
	[tilespmem:$0x1FED0] =	vst v26;
	v26 =	vcvt.s32.f32 v57  }
0xfa: {  	[tilespmem:$0x1FF20] =	vst v29;
	v29 =	vld.idx.msk [tilespmem:v1+s14+$0x0 ss:$0x1], $0xffff  }
0xfb: {  	v0 =	vld.idx.msk [tilespmem:v2+s14+$0x0 ss:$0x1], $0xffff;
	[tilespmem:$0x1FEE0] =	vst v26;
	v26 =	vsub.f32 v52, v21  }
0xfc: {  	v60 =	vld.idx.msk [tilespmem:v1+s8+$0x0 ss:$0x1], $0xffff  }
0xfd: {  	v36 =	vld.idx.msk [tilespmem:v3+s14+$0x0 ss:$0x1], $0xffff;
	[tilespmem:$0x1FEF0] =	vst v26;
	v26 =	vsub.f32 v51, v30  }
0xfe: {  	s8 =	sor.u32 $0x20, s30;
	v8 =	vsub.f32 v14, v8;
	v14 =	vld.idx.msk [tilespmem:v1+s13+$0x0 ss:$0x1], $0xffff  }
0xff: {  	v19 =	vsub.f32 v19, v20;
	v50 =	vld.idx.msk [tilespmem:v2+s8+$0x0 ss:$0x1], $0xffff;
	[tilespmem:$0x1FF00] =	vst v26;
	v26 =	vcvt.s32.f32 v46  }
0x100: {  	v46 =	vsub.f32 v32, v25;
	v25 =	vcvt.s32.f32 v11;
	v11 =	vsub.f32 v0, v29;
	v0 =	vld [tilespmem:$0x1FE80]  }
0x101: {  	v30 =	vld.idx.msk [tilespmem:v1+s8+$0x0 ss:$0x1], $0xffff;
	[tilespmem:$0x1FF10] =	vst v26;
	v26 =	vcvt.s32.f32 v55;
	v55 =	vsub.f32 v7, v9;
	v9 =	vmul.f32 v49, v49  }
0x102: {  	[tilespmem:$0x1FF60] =	vst v19;
	v19 =	vcvt.s32.f32 v24;
	v27 =	vld.idx.msk [tilespmem:v3+s8+$0x0 ss:$0x1], $0xffff;
	v24 =	vcvt.s32.f32 v15  }
0x103: {  	v57 =	vcvt.s32.f32 v13;
	v13 =	vld.idx.msk [tilespmem:v2+s13+$0x0 ss:$0x1], $0xffff;
	v15 =	vmul.f32 v40, v9  }
0x104: {  	v41 =	vsub.f32 v47, v41;
	v47 =	vcvt.s32.f32 v34;
	v43 =	vcvt.s32.f32 v17;
	v52 =	vld.idx.msk [tilespmem:v2+s6+$0x0 ss:$0x1], $0xffff  }
0x105: {  	[tilespmem:$0x1FF70] =	vst v19;
	v19 =	vsub.f32 v44, v6;
	v17 =	vcvt.s32.f32 v23;
	v15 =	vadd.f32 v15, v0;
	v0 =	vld [tilespmem:$0x1FE90]  }
0x106: {  	v37 =	vcvt.s32.f32 v18;
	v39 =	vcvt.s32.f32 v39;
	v7 =	vld.idx.msk [tilespmem:v1+s6+$0x0 ss:$0x1], $0xffff;
	v6 =	vsub.f32 v50, v30  }
0x107: {  	v34 =	vcvt.s32.f32 v33;
	v21 =	vsub.f32 v58, v45;
	v58 =	vld.idx.msk [tilespmem:v2+s1+$0x0 ss:$0x1], $0xffff;
	v29 =	vcvt.s32.f32 v36  }
0x108: {  	v45 =	vld.idx.msk [tilespmem:v2+s3+$0x0 ss:$0x1], $0xffff;
	v13 =	vsub.f32 v13, v14;
	v30 =	vcvt.s32.f32 v27;
	v23 =	vmul.f32 v6, v6  }
0x109: {  	v32 =	vcvt.s32.f32 v28;
	v27 =	vld.idx.msk [tilespmem:v2+s12+$0x0 ss:$0x1], $0xffff;
	v6 =	vsub.f32 v4, v5;
	v5 =	vsub.f32 v31, v16  }
0x10a: {  	s14 =	sor.u32 $0x410, s30;
	v4 =	vmul.f32 v11, v11;
	v11 =	vld.idx.msk [tilespmem:v1+s12+$0x0 ss:$0x1], $0xffff;
	v16 =	vmul.f32 v30, v23;
	v9 =	vadd.f32 v9, v0  }
0x10b: {  	v33 =	vmovc v10;
	v51 =	vld.idx.msk [tilespmem:v2+s14+$0x0 ss:$0x1], $0xffff;
	v31 =	vcvt.s32.f32 v35;
	v5 =	vmul.f32 v5, v5;
	v7 =	vsub.f32 v52, v7  }
0x10c: {  	v14 =	vld.idx.msk [tilespmem:v1+s31+$0x0 ss:$0x1], $0xffff;
	v15 =	vadd.f32 v16, v15;
	v16 =	vmul.f32 v29, v4;
	v9 =	vadd.f32 v23, v9  }
0x10d: {  	s1 =	sor.u32 $0x30, s30;
	v36 =	vmovc v42;
	v42 =	vsub.f32 v54, v48;
	v13 =	vmul.f32 v13, v13;
	v7 =	vmul.f32 v7, v7  }
0x10e: {  	v54 =	vld.idx.msk [tilespmem:v3+s1+$0x0 ss:$0x1], $0xffff;
	v15 =	vadd.f32 v16, v15;
	v4 =	vadd.f32 v4, v9;
	v9 =	vmul.f32 v31, v5  }
0x10f: {  	s13 =	sor.u32 $0x430, s30;
	v10 =	vsub.f32 v58, v59;
	v59 =	vmul.f32 v8, v8;
	v49 =	vld.idx.msk [tilespmem:v1+s3+$0x0 ss:$0x1], $0xffff;
	v11 =	vsub.f32 v27, v11  }
0x110: {  	s3 =	sor.u32 $0x70, s30;
	v50 =	vld.idx.msk [tilespmem:v2+s13+$0x0 ss:$0x1], $0xffff;
	v9 =	vadd.f32 v9, v15;
	v4 =	vadd.f32 v5, v4;
	v5 =	vmul.f32 v32, v7  }
0x111: {  	v20 =	vmovc v40;
	v44 =	vld.idx.msk [tilespmem:v3+s3+$0x0 ss:$0x1], $0xffff;
	v35 =	vmov v38;
	v38 =	vcvt.s32.f32 v22;
	v11 =	vmul.f32 v11, v11  }
0x112: {  	v23 =	vld.idx.msk [tilespmem:v2+s31+$0x0 ss:$0x1], $0xffff;
	v5 =	vadd.f32 v5, v9;
	v4 =	vadd.f32 v7, v4;
	v7 =	vmul.f32 v34, v13  }
0x113: {  	v52 =	vld.idx.msk [tilespmem:v1+s13+$0x0 ss:$0x1], $0xffff;
	v0 =	vmul.f32 v10, v10;
	v10 =	vsub.f32 v61, v62;
	v9 =	vsub.f32 v53, v12  }
0x114: {  	v16 =	vld.idx.msk [tilespmem:v3+s13+$0x0 ss:$0x1], $0xffff;
	v5 =	vadd.f32 v7, v5;
	v4 =	vadd.f32 v13, v4;
	v7 =	vmul.f32 v37, v11  }
0x115: {  	p1 =	sne.s32 s29, $0x1E00;
	v18 =	vmovc v57;
	v40 =	vmov v55;
	s12 =	sor.u32 $0x10, s30;
	v58 =	vmul.f32 v10, v10;
	v15 =	vld.idx.msk [tilespmem:v3+s14+$0x0 ss:$0x1], $0xffff;
	v9 =	vmul.f32 v9, v9  }
.Ltmp0:
0x116: {  	s31 =	sor.u32 $0x50, s30;
	v10 =	vld.idx.msk [tilespmem:v3+s12+$0x0 ss:$0x1], $0xffff;
	v5 =	vadd.f32 v7, v5;
	v4 =	vadd.f32 v11, v4;
	v7 =	vmul.f32 v38, v0;
	(pc) =	sbr.rel @p1 .LBB2_3-.Ltmp0, $4  }
0x117: {  	v22 =	vmovc v43;
	v43 =	vcvt.s32.f32 v63;
	v57 =	vld.idx.msk [tilespmem:v1+s31+$0x0 ss:$0x1], $0xffff;
	v63 =	vmul.f32 v17, v58;
	v55 =	vsub.f32 v23, v14  }
0x118: {  	v53 =	vld.idx.msk [tilespmem:v1+s14+$0x0 ss:$0x1], $0xffff;
	v5 =	vadd.f32 v7, v5;
	v4 =	vadd.f32 v0, v4;
	v7 =	vmul.f32 v25, v9  }
0x119: {  	v48 =	vcvt.s32.f32 v16;
	v12 =	vld.idx.msk [tilespmem:v3+s31+$0x0 ss:$0x1], $0xffff;
	v11 =	vmovc v47;
	v47 =	vsub.f32 v56, v60;
	v60 =	vmul.f32 v19, v19  }
0x11a: {  	s29 =	sadd.s32 $0x200, s29;
	v56 =	vcvt.s32.f32 v15;
	v19 =	vmovc v21;
	v0 =	vld.idx.msk [tilespmem:v2+s31+$0x0 ss:$0x1], $0xffff;
	v62 =	vadd.f32 v7, v5;
	v61 =	vadd.f32 v9, v4  }
0x11b: {  	_ =	sdelay $0x3  }
0x11c: {  	v8 =	vld.idx.msk [tilespmem:v2+s12+$0x0 ss:$0x1], $0xffff  }
0x11d: {  	v14 =	vld.idx.msk [tilespmem:v2+s1+$0x0 ss:$0x1], $0xffff  }
0x11e: {  	v4 =	vmul.f32 v22, v59;
	v27 =	vmul.f32 v11, v60;
	v21 =	vld.idx.msk [tilespmem:v1+s1+$0x0 ss:$0x1], $0xffff;
	v3 =	vadd.f32 v63, v62  }
0x11f: {  	v7 =	vsub.f32 v45, v49;
	v45 =	vld.idx.msk [tilespmem:v2+s3+$0x0 ss:$0x1], $0xffff;
	v5 =	vadd.f32 v58, v61  }
0x120: {  	v9 =	vmul.f32 v46, v46;
	v23 =	vld [tilespmem:$0x1FEC0];
	v3 =	vadd.f32 v4, v3  }
0x121: {  	v63 =	vld.idx.msk [tilespmem:v1+s12+$0x0 ss:$0x1], $0xffff;
	v5 =	vadd.f32 v59, v5  }
0x122: {  	v15 =	vmul.f32 v41, v41;
	v41 =	vmul.f32 v26, v9;
	v3 =	vadd.f32 v27, v3;
	v27 =	vmovc v26;
	v26 =	vld [tilespmem:$0x1FEE0]  }
0x123: {  	v13 =	vsub.f32 v50, v52;
	v50 =	vld [tilespmem:$0x1FEF0];
	v5 =	vadd.f32 v60, v5  }
0x124: {  	v19 =	vmul.f32 v19, v19;
	v49 =	vld.idx.msk [tilespmem:v1+s3+$0x0 ss:$0x1], $0xffff;
	v10 =	vcvt.s32.f32 v10  }
0x125: {  	v58 =	vcvt.s32.f32 v54;
	v16 =	vsub.f32 v51, v53;
	v60 =	vld [tilespmem:$0x1FF80];
	v5 =	vadd.f32 v9, v5  }
0x126: {  	v12 =	vcvt.s32.f32 v12;
	v0 =	vsub.f32 v0, v57;
	v51 =	vmul.f32 v23, v19  }
0x127: {  	v4 =	vsub.f32 v8, v63;
	v5 =	vadd.f32 v15, v5;
	v46 =	vmul.f32 v26, v15;
	v15 =	vld [tilespmem:$0x1FEA0]  }
0x128: {  	v53 =	vsub.f32 v14, v21;
	v8 =	vmul.f32 v50, v50;
	v3 =	vadd.f32 v41, v3  }
0x129: {  	v1 =	vsub.f32 v45, v49;
	v0 =	vmul.f32 v0, v0;
	v4 =	vmul.f32 v4, v4  }
0x12a: {  	v28 =	vmovc v11;
	v59 =	vmul.f32 v53, v53;
	v11 =	vadd.f32 v20, v60;
	v3 =	vadd.f32 v46, v3  }
0x12b: {  	v57 =	vmul.f32 v10, v4;
	v4 =	vadd.f32 v4, v35;
	v10 =	vadd.f32 v10, v33  }
0x12c: {  	v5 =	vadd.f32 v19, v5;
	v3 =	vadd.f32 v51, v3;
	v52 =	vmul.f32 v15, v8  }
0x12d: {  	v63 =	vcvt.s32.f32 v44;
	v11 =	vadd.f32 v30, v11;
	v4 =	vadd.f32 v59, v4  }
0x12e: {  	v61 =	vmul.f32 v58, v59;
	v2 =	vadd.f32 v52, v3;
	v3 =	vadd.f32 v57, v36  }
0x12f: {  	v1 =	vmul.f32 v1, v1;
	v5 =	vadd.f32 v8, v5;
	v8 =	vadd.f32 v58, v10  }
0x130: {  	v62 =	vmul.f32 v12, v0;
	v0 =	vadd.f32 v0, v4;
	v3 =	vadd.f32 v61, v3  }
0x131: {  	v20 =	vmul.f32 v63, v1;
	v11 =	vadd.f32 v29, v11;
	v8 =	vadd.f32 v12, v8  }
0x132: {  	v19 =	vmul.f32 v16, v16;
	v0 =	vadd.f32 v1, v0;
	v3 =	vadd.f32 v62, v3  }
0x133: {  	v21 =	vmul.f32 v13, v13;
	v11 =	vadd.f32 v31, v11;
	v30 =	vadd.f32 v63, v8  }
0x134: {  	v29 =	vmul.f32 v56, v19;
	v0 =	vadd.f32 v19, v0;
	v3 =	vadd.f32 v20, v3  }
0x135: {  	v7 =	vmul.f32 v7, v7;
	v31 =	vadd.f32 v32, v11;
	v1 =	vadd.f32 v56, v30  }
0x136: {  	v32 =	vmul.f32 v48, v21;
	v0 =	vadd.f32 v21, v0;
	v3 =	vadd.f32 v29, v3  }
0x137: {  	v33 =	vmul.f32 v55, v55;
	v8 =	vadd.f32 v34, v31;
	v1 =	vadd.f32 v48, v1  }
0x138: {  	v34 =	vmul.f32 v43, v7;
	v0 =	vadd.f32 v7, v0;
	v3 =	vadd.f32 v32, v3  }
0x139: {  	v35 =	vmul.f32 v47, v47;
	v8 =	vadd.f32 v37, v8;
	v1 =	vadd.f32 v43, v1  }
0x13a: {  	v36 =	vmul.f32 v39, v33;
	v0 =	vadd.f32 v33, v0;
	v3 =	vadd.f32 v34, v3  }
0x13b: {  	v44 =	vld [tilespmem:$0x1FF70];
	v41 =	vmul.f32 v42, v42;
	v37 =	vadd.f32 v38, v8;
	v1 =	vadd.f32 v39, v1  }
0x13c: {  	v47 =	vld [tilespmem:$0x1FF40];
	v38 =	vmul.f32 v24, v35;
	v0 =	vadd.f32 v35, v0;
	v3 =	vadd.f32 v36, v3  }
0x13d: {  	v6 =	vmul.f32 v6, v6;
	v49 =	vld [tilespmem:$0x1FF60];
	v7 =	vadd.f32 v25, v37;
	v1 =	vadd.f32 v24, v1  }
0x13e: {  	v50 =	vld [tilespmem:$0x1FF50];
	v42 =	vmul.f32 v18, v41;
	v0 =	vadd.f32 v41, v0;
	v3 =	vadd.f32 v38, v3  }
0x13f: {  	v51 =	vld [tilespmem:$0x1FF30];
	v43 =	vmul.f32 v40, v40;
	v7 =	vadd.f32 v17, v7;
	v1 =	vadd.f32 v18, v1  }
0x140: {  	v53 =	vld [tilespmem:$0x1FF20];
	v45 =	vmul.f32 v44, v6;
	v0 =	vadd.f32 v6, v0;
	v3 =	vadd.f32 v42, v3  }
0x141: {  	v54 =	vld [tilespmem:$0x1FF10];
	v48 =	vmul.f32 v47, v43;
	v46 =	vadd.f32 v22, v7;
	v1 =	vadd.f32 v44, v1  }
0x142: {  	v57 =	vld [tilespmem:$0x1FED0];
	v6 =	vmul.f32 v49, v49;
	v0 =	vadd.f32 v43, v0;
	v3 =	vadd.f32 v45, v3  }
0x143: {  	v56 =	vld [tilespmem:$0x1FF00];
	v7 =	vmul.f32 v50, v50;
	v4 =	vadd.f32 v28, v46;
	v1 =	vadd.f32 v47, v1  }
0x144: {  	v52 =	vmul.f32 v51, v6;
	v0 =	vadd.f32 v6, v0;
	v3 =	vadd.f32 v48, v3  }
0x145: {  	v9 =	vmul.f32 v53, v53;
	v59 =	vld [tilespmem:$0x1FEB0];
	v4 =	vadd.f32 v27, v4;
	v1 =	vadd.f32 v51, v1  }
0x146: {  	v55 =	vmul.f32 v54, v7;
	v0 =	vadd.f32 v7, v0;
	v3 =	vadd.f32 v52, v3  }
0x147: {  	v58 =	vmul.f32 v57, v9;
	v4 =	vadd.f32 v26, v4;
	v1 =	vadd.f32 v54, v1  }
0x148: {  	v6 =	vmul.f32 v56, v56;
	v0 =	vadd.f32 v9, v0;
	v3 =	vadd.f32 v55, v3  }
0x149: {  	v62 =	vld [tilespmem:$0x80];
	v4 =	vadd.f32 v23, v4;
	v1 =	vadd.f32 v57, v1  }
0x14a: {  	v63 =	vld [tilespmem:$0x100];
	v60 =	vmul.f32 v59, v6;
	v0 =	vadd.f32 v6, v0;
	v3 =	vadd.f32 v58, v3  }
0x14b: {  	v61 =	vld [tilespmem:$0x0];
	v4 =	vadd.f32 v15, v4;
	v1 =	vadd.f32 v59, v1  }
0x14c: {  	p1 =	sne.s32 s25, s24;
	v0 =	vadd.f32 v0, v5;
	v3 =	vadd.f32 v60, v3  }
0x14d: {  	s1 =	simm.s32 $0x1;
	s23 =	sadd.s32 $0x1, s23;
	p0 =	por p0, p1;
	v1 =	vadd.f32 v1, v4  }
0x14e: {  	s1 =	simm.s32 @!p0 $0x0;
	p0 =	sne.s32 s23, $0x4B;
	v0 =	vadd.f32 v62, v0;
	v2 =	vadd.f32 v3, v2  }
.Ltmp1:
0x14f: {  	v1 =	vadd.f32 v63, v1;
	(pc) =	sbr.rel @p0 .LBB2_2-.Ltmp1, $4  }
0x150: {  	[tilespmem:$0x80] =	vst v0;
	v2 =	vadd.f32 v61, v2  }
0x151: {  	[tilespmem:$0x100] =	vst v1  }
0x152: {  	s18 =	sadd.s32 s18, s28;
	s25 =	smov.u32 s24;
	s21 =	sadd.s32 s1, s21;
	[tilespmem:$0x0] =	vst v2  }
0x153: {  	s19 =	sadd.s32 s1, s19;
	s17 =	sadd.s32 s1, s17;
	_ =	strace $0x9000004F  }
0x154: {  	s16 =	sadd.s32 $0x1, s16  }
0x155: {  	p0 =	sne.s32 s16, s11  }
.Ltmp2:
0x156: {  	_ = 	snop;
	(pc) =	sbr.rel @p0 .LBB2_1-.Ltmp2, $4  }
0x157: {  	[hbm4b:s10+s5] =	stream.linear.scatter [tilespmem:s5], [sflag:$0x1], $0x180, $0x38;
	[tilespmem:$0xC200] =	vst v63  }
0x158: {  	_ =	swait.ge [sflag:s15], $0x180  }
0x159: {  	[sflag:s15] =	ssyncset.done $0x0  }
0x15a: {  	[sflag:s15] =	ssyncadd.s32 $0xFFFFFE80  }
0x15b: {  	_ =	sfence.sel $0x180000  }
0x15c: {  	[bflag:$0x0] =	sbarrier.arrive $0xFFFF  }
0x15d: {  	_ =	strace $0x90000047  }
0x15e: {  	s0 =	stileid.u32;
	[bflag:$0x2] =	sbarrier.arrive $0xFFFF  }
0x15f: {  	p0 =	sne.s32 s0, $0x0;
	s0 =	rddreg [dreg:$0x4]  }
0x160: {  	s0 =	sadd.s32 @!p0 $0x100000, s0  }
0x161: {  	[sflag:s0] =	ssyncadd.tile.s32 @!p0 $0x1;
	_ =	shalt  }
.Lfunc_end2:
_tile_overlayer_lowered:
.L_overlay_start_2:
0x162: {  	(tag) =	ssettag $0x2  }
0x163: {  	s0 =	rddreg [dreg:$0x0];
	s2 =	stileid.u32  }
0x164: {  	s1 =	rddreg [dreg:$0x1];
	p0 =	sne.s32 s2, $0x0  }
0x165: {  	s3 =	rddreg [dreg:$0x2];
	[bflag:$0x3] =	sbarrier.arrive $0xFFFF;
	s2 =	simm.s32 @!p0 $0x1C01  }
0x166: {  	[timem:s3], [sflag:s2] =	dma.local @!p0 [hbm:s0], s1  }
0x167: {  	s0 =	simm.s32 @!p0 $0x1  }
0x168: {  	_ =	swait.ge @!p0 [sflag:s0], s1  }
0x169: {  	s1 =	ssub.s32 @!p0 $0x0, s1;
	[sflag:s0] =	ssyncset.done @!p0 $0x0  }
0x16a: {  	[sflag:s0] =	ssyncadd.s32 @!p0 s1  }
0x16b: {  	[bflag:$0x3] =	sbarrier.arrive $0xFFFF  }
0x16c: {  	_ =	shalt  }

</sc_bundles>
